<compile_context>
chip_gen: v7x
topology: tpu7x:2x2x1
jax: 0.10.2.dev20260603
libtpu: 0.0.44.dev20260713+nightly
codegen_flags: <defaults>
</compile_context>

<pallas_src>
import functools

import jax
import jax.numpy as jnp
from jax import lax
from jax.experimental import pallas as pl
from jax.experimental.pallas import tpu as pltpu
from jax.experimental.pallas import tpu_sc as plsc

B, N, W, DIM, H, NPROC = 32, 256, 16, 64, 32, 4
E_ORG = 16384
D = N * W
CBLK = 512
C = D // CBLK
CH = 2048
NCH = B * N // CH
BPS = 8
PB = B // BPS
NSTEP = PB + 4 * NCH


def _ae_body(x_ref, w_ref, b_ref, g_ref, bt_ref, o_ref, zmid):
    l = pl.program_id(0)
    c = pl.program_id(1)

    def layer(zin):
        h = jax.lax.dot_general(zin, w_ref[0], (((1,), (1,)), ((), ())),
                                preferred_element_type=jnp.float32)
        h = h + b_ref[0, 0]
        m = jnp.mean(h, axis=0, keepdims=True)
        v = jnp.mean((h - m) * (h - m), axis=0, keepdims=True)
        return jax.nn.sigmoid(
            (h - m) / jnp.sqrt(v + 1e-5) * g_ref[0, 0] + bt_ref[0, 0])

    @pl.when(l == 0)
    def _():
        zb = layer(x_ref[...])
        zmid[:, pl.ds(c * CBLK, CBLK)] = zb
        o_ref[...] = zb

    @pl.when(l == 1)
    def _():
        o_ref[...] = layer(zmid[...])


def _ae(x, Ws, bs, gs, bts):
    return pl.pallas_call(
        _ae_body,
        grid=(2, C),
        in_specs=[
            pl.BlockSpec((B, D), lambda l, c: (0, 0)),
            pl.BlockSpec((1, CBLK, D), lambda l, c: (l, c, 0)),
            pl.BlockSpec((1, 1, 1, CBLK), lambda l, c: (l, c, 0, 0)),
            pl.BlockSpec((1, 1, 1, CBLK), lambda l, c: (l, c, 0, 0)),
            pl.BlockSpec((1, 1, 1, CBLK), lambda l, c: (l, c, 0, 0)),
        ],
        out_specs=pl.BlockSpec((B, CBLK), lambda l, c: (0, c)),
        out_shape=jax.ShapeDtypeStruct((B, D), jnp.float32),
        scratch_shapes=[pltpu.VMEM((B, D), jnp.float32)],
    )(x, Ws, bs.reshape(2, C, 1, CBLK), gs.reshape(2, C, 1, CBLK),
      bts.reshape(2, C, 1, CBLK))


EPART = 4
RG = 8
RPW = N // RG
ESL = E_ORG // EPART


def _build_A(src, dst, zeros):
    info = plsc.get_sparse_core_info()
    mesh = plsc.VectorSubcoreMesh(core_axis_name="c", subcore_axis_name="s")

    @functools.partial(
        pl.kernel, mesh=mesh,
        compiler_params=pltpu.CompilerParams(needs_layout_passes=False),
        out_type=jax.ShapeDtypeStruct((EPART, N * N), jnp.float32),
        scratch_types=[
            pltpu.VMEM((ESL,), jnp.int32),
            pltpu.VMEM((ESL,), jnp.int32),
            pltpu.VMEM((RPW * N,), jnp.float32),
        ],
    )
    def k(src_hbm, dst_hbm, z_hbm, a_hbm, src_v, dst_v, slab_v):
        wid = lax.axis_index("s") * info.num_cores + lax.axis_index("c")
        g = wid // EPART
        ep = wid % EPART
        lo = g * RPW
        pltpu.sync_copy(src_hbm.at[pl.ds(ep * ESL, ESL)], src_v)
        pltpu.sync_copy(dst_hbm.at[pl.ds(ep * ESL, ESL)], dst_v)
        pltpu.sync_copy(z_hbm, slab_v)

        ones = jnp.ones((16,), jnp.float32)

        def ebody(i, carry):
            d16 = dst_v[pl.ds(i * 16, 16)]
            s16 = src_v[pl.ds(i * 16, 16)]
            m = (d16 >= lo) & (d16 < lo + RPW)
            idx = (d16 - lo) * N + s16
            plsc.addupdate_scatter(slab_v, [idx], ones, mask=m)
            return carry

        lax.fori_loop(0, ESL // 16, ebody, 0, unroll=False)
        pltpu.sync_copy(slab_v, a_hbm.at[ep, pl.ds(lo * N, RPW * N)])

    return k(src, dst, zeros).reshape(EPART, N, N)


def _gat_body(z_ref, A_ref, emb_ref,
              wr_ref, wz_ref, wn_ref,
              bir_ref, biz_ref, bin_ref,
              bhr_ref, bhz_ref, bhn_ref,
              gatw_ref, atti_ref, attj_ref, gatb_ref,
              gnng_ref, gnnb_ref, bnog_ref, bnob_ref,
              outw_ref, outb_ref,
              out_ref,
              xp_s, emb_s, emb4_s, buf_s, st1_s, st2_s, A_s):
    i = pl.program_id(0)

    @pl.when(i == 0)
    def _init():
        es = []
        for p in range(NPROC):
            e = emb_ref[p]
            for l in range(3):
                hs = []
                for dr in range(2):
                    idx = (p * 3 + l) * 2 + dr
                    gr = jax.lax.dot_general(
                        e, wr_ref[idx], (((1,), (1,)), ((), ())),
                        preferred_element_type=jnp.float32) + bir_ref[idx:idx + 1]
                    gz = jax.lax.dot_general(
                        e, wz_ref[idx], (((1,), (1,)), ((), ())),
                        preferred_element_type=jnp.float32) + biz_ref[idx:idx + 1]
                    gn = jax.lax.dot_general(
                        e, wn_ref[idx], (((1,), (1,)), ((), ())),
                        preferred_element_type=jnp.float32) + bin_ref[idx:idx + 1]
                    r = jax.nn.sigmoid(gr + bhr_ref[idx:idx + 1])
                    zg = jax.nn.sigmoid(gz + bhz_ref[idx:idx + 1])
                    nn_ = jnp.tanh(gn + r * bhn_ref[idx:idx + 1])
                    hs.append((1.0 - zg) * nn_)
                e = jnp.concatenate(hs, axis=1)
            es.append(e)
        embfull = jnp.concatenate(es, axis=0)
        emb_s[...] = embfull
        emb4_s[...] = jnp.concatenate([embfull] * (CH // N), axis=0)
        st1_s[...] = jnp.zeros((2, DIM), jnp.float32)
        st2_s[...] = jnp.zeros((2, DIM), jnp.float32)
        A_s[...] = ((A_ref[0] + A_ref[1]) + (A_ref[2] + A_ref[3]))

    def _bclane(col, n):
        return jnp.broadcast_to(col, (col.shape[0], n))

    @pl.when(i < PB)
    def _p0():
        for k in range(BPS):
            b = i * BPS + k
            zb = z_ref[pl.ds(b * N, N), :]
            xpb = jnp.dot(zb, gatw_ref[...], preferred_element_type=jnp.float32)
            xp_s[pl.ds(b * N, N), :] = xpb
            cat = jnp.concatenate([xpb, emb_s[...]], axis=1)
            ti = jax.lax.dot_general(cat, atti_ref[...], (((1,), (1,)), ((), ())),
                                     preferred_element_type=jnp.float32)
            tj = jax.lax.dot_general(attj_ref[...], cat, (((1,), (1,)), ((), ())),
                                     preferred_element_type=jnp.float32)
            t = _bclane(ti, N) + tj
            alpha = jnp.where(t >= 0, t, 0.2 * t)
            A = A_s[...]
            mask = A > 0
            am = jnp.max(jnp.where(mask, alpha, -1e30), axis=1, keepdims=True)
            am = jnp.where(am > -1e29, am, 0.0)
            P = A * jnp.where(mask, jnp.exp(alpha - _bclane(am, N)), 0.0)
            den = jnp.sum(P, axis=1, keepdims=True)
            agg = jnp.dot(P, xpb, preferred_element_type=jnp.float32,
                          precision=jax.lax.Precision.HIGHEST)
            aggu = agg / (_bclane(den, DIM) + 1e-16) + gatb_ref[...]
            buf_s[pl.ds(b * N, N), :] = aggu
            st1_s[0:1, :] += jnp.sum(aggu, axis=0, keepdims=True)

    cnt = float(B * N)

    @pl.when((i >= PB) & (i < PB + NCH))
    def _p1v():
        c = i - PB
        m = st1_s[0:1, :] / cnt
        dev = buf_s[pl.ds(c * CH, CH), :] - m
        st1_s[1:2, :] += jnp.sum(dev * dev, axis=0, keepdims=True)

    @pl.when((i >= PB + NCH) & (i < PB + 2 * NCH))
    def _p2():
        c = i - (PB + NCH)
        m = st1_s[0:1, :] / cnt
        v = st1_s[1:2, :] / cnt
        af = buf_s[pl.ds(c * CH, CH), :]
        gcn = jnp.maximum(
            (af - m) / jnp.sqrt(v + 1e-5) * gnng_ref[...] + gnnb_ref[...], 0.0)
        of = gcn * emb4_s[...]
        buf_s[pl.ds(c * CH, CH), :] = of
        st2_s[0:1, :] += jnp.sum(of, axis=0, keepdims=True)

    @pl.when((i >= PB + 2 * NCH) & (i < PB + 3 * NCH))
    def _p3v():
        c = i - (PB + 2 * NCH)
        m = st2_s[0:1, :] / cnt
        dev = buf_s[pl.ds(c * CH, CH), :] - m
        st2_s[1:2, :] += jnp.sum(dev * dev, axis=0, keepdims=True)

    @pl.when(i >= PB + 3 * NCH)
    def _p4():
        m = st2_s[0:1, :] / cnt
        v = st2_s[1:2, :] / cnt
        c = i - (PB + 3 * NCH)
        of = buf_s[pl.ds(c * CH, CH), :]
        o = jnp.maximum(
            (of - m) / jnp.sqrt(v + 1e-5) * bnog_ref[...] + bnob_ref[...], 0.0)
        res = jax.lax.dot_general(outw_ref[...], o, (((1,), (1,)), ((), ())),
                                  preferred_element_type=jnp.float32)
        out_ref[...] = res + outb_ref[0, 0]


def _gat(z, A, emb, wr, wz, wn, bir, biz, bin_, bhr, bhz, bhn,
         gatw, atti, attj, gatb, gnng, gnnb, bnog, bnob, outw, outb):
    full = lambda shape: pl.BlockSpec(shape, lambda i: tuple(0 for _ in shape))
    G = NPROC * 3 * 2
    return pl.pallas_call(
        _gat_body,
        grid=(NSTEP,),
        in_specs=[
            full((B * N, W)),
            full((EPART, N, N)),
            full((NPROC, DIM, DIM)),
            full((G, H, DIM)), full((G, H, DIM)), full((G, H, DIM)),
            full((G, H)), full((G, H)), full((G, H)),
            full((G, H)), full((G, H)), full((G, H)),
            full((W, DIM)),
            full((1, 2 * DIM)), full((1, 2 * DIM)),
            full((1, DIM)),
            full((1, DIM)), full((1, DIM)), full((1, DIM)), full((1, DIM)),
            full((1, DIM)), full((1, 1)),
        ],
        out_specs=pl.BlockSpec(
            (1, CH), lambda i: (0, jnp.maximum(i - (PB + 3 * NCH), 0))),
        out_shape=jax.ShapeDtypeStruct((1, B * N), jnp.float32),
        scratch_shapes=[
            pltpu.VMEM((B * N, DIM), jnp.float32),
            pltpu.VMEM((N, DIM), jnp.float32),
            pltpu.VMEM((CH, DIM), jnp.float32),
            pltpu.VMEM((B * N, DIM), jnp.float32),
            pltpu.VMEM((2, DIM), jnp.float32),
            pltpu.VMEM((2, DIM), jnp.float32),
            pltpu.VMEM((N, N), jnp.float32),
        ],
    )(z, A, emb, wr, wz, wn, bir, biz, bin_, bhr, bhz, bhn,
      gatw, atti, attj, gatb, gnng, gnnb, bnog, bnob, outw, outb)


def kernel(data, target, org_edge_index, emb_tables, gru_Wih, gru_Whh,
           gru_bih, gru_bhh, enc_W, enc_b, enc_g, enc_beta, dec_W, dec_b,
           dec_g, dec_beta, gat_W, att_i, att_j, gat_b, gnn_g, gnn_beta,
           bno_g, bno_beta, out_W, out_b):
    x = data.reshape(B, D)
    z = _ae(x, enc_W, enc_b, enc_g, enc_beta)
    xr = _ae(z, dec_W, dec_b, dec_g, dec_beta)

    eidx = org_edge_index.astype(jnp.int32)
    A = _build_A(eidx[0], eidx[1], jnp.zeros((RPW * N,), jnp.float32))

    G = NPROC * 3 * 2
    wih = gru_Wih.reshape(G, 3 * H, DIM)
    wr, wz, wn = wih[:, :H, :], wih[:, H:2 * H, :], wih[:, 2 * H:, :]
    bih = gru_bih.reshape(G, 3 * H)
    bir, biz, bin_ = bih[:, :H], bih[:, H:2 * H], bih[:, 2 * H:]
    bhh = gru_bhh.reshape(G, 3 * H)
    bhr, bhz, bhn = bhh[:, :H], bhh[:, H:2 * H], bhh[:, 2 * H:]

    atti = att_i.reshape(1, 2 * DIM)
    attj = att_j.reshape(1, 2 * DIM)

    out = _gat(z.reshape(B * N, W), A, emb_tables,
               wr, wz, wn, bir, biz, bin_, bhr, bhz, bhn,
               gat_W, atti, attj, gat_b.reshape(1, DIM),
               gnn_g.reshape(1, DIM), gnn_beta.reshape(1, DIM),
               bno_g.reshape(1, DIM), bno_beta.reshape(1, DIM),
               out_W.reshape(1, DIM), out_b.reshape(1, 1))

    return (out.reshape(B, N), xr.reshape(B, N, W), z.reshape(B, N, W))

# --- scband reference (transcript-rebuilt; emitter-appended) ---
"""Pipeline reference for scband-fu-sagnet-46377056862787 (READ-ONLY COPY).

The authoritative reference and input builder live on the scoring server;
editing this copy changes nothing except your own understanding.
"""

import jax, jax.numpy as jnp
import numpy as np

B, N, W, DIM, H, NPROC = 32, 256, 16, 64, 32, 4
E_ORG = 16384
D = N * W

def setup_inputs(seed: int = 0):
    key = jax.random.key(seed)
    ks = jax.random.split(key, 24)
    inp = {}
    inp['data'] = jax.random.normal(ks[0], (B, N, W), dtype=jnp.float32)
    inp['target'] = jax.random.normal(ks[1], (B, N), dtype=jnp.float32)
    inp['org_edge_index'] = jax.random.randint(ks[2], (2, E_ORG), 0, N)
    inp['emb_tables'] = jax.random.normal(ks[3], (NPROC, N // NPROC, DIM), dtype=jnp.float32) * 0.1
    inp['gru_Wih'] = jax.random.normal(ks[4], (NPROC, 3, 2, 3 * H, DIM), dtype=jnp.float32) * 0.1
    inp['gru_Whh'] = jax.random.normal(ks[5], (NPROC, 3, 2, 3 * H, H), dtype=jnp.float32) * 0.1
    inp['gru_bih'] = jnp.zeros((NPROC, 3, 2, 3 * H), jnp.float32)
    inp['gru_bhh'] = jnp.zeros((NPROC, 3, 2, 3 * H), jnp.float32)
    inp['enc_W'] = jax.random.normal(ks[6], (2, D, D), dtype=jnp.float32) * 0.02
    inp['enc_b'] = jnp.zeros((2, D), jnp.float32)
    inp['enc_g'] = jnp.ones((2, D), jnp.float32)
    inp['enc_beta'] = jnp.zeros((2, D), jnp.float32)
    inp['dec_W'] = jax.random.normal(ks[7], (2, D, D), dtype=jnp.float32) * 0.02
    inp['dec_b'] = jnp.zeros((2, D), jnp.float32)
    inp['dec_g'] = jnp.ones((2, D), jnp.float32)
    inp['dec_beta'] = jnp.zeros((2, D), jnp.float32)
    inp['gat_W'] = jax.random.normal(ks[8], (W, DIM), dtype=jnp.float32) * 0.25
    inp['att_i'] = jax.random.normal(ks[9], (2 * DIM,), dtype=jnp.float32) * 0.1
    inp['att_j'] = jax.random.normal(ks[10], (2 * DIM,), dtype=jnp.float32) * 0.1
    inp['gat_b'] = jnp.zeros((DIM,), jnp.float32)
    inp['gnn_g'] = jnp.ones((DIM,), jnp.float32)
    inp['gnn_beta'] = jnp.zeros((DIM,), jnp.float32)
    inp['bno_g'] = jnp.ones((DIM,), jnp.float32)
    inp['bno_beta'] = jnp.zeros((DIM,), jnp.float32)
    inp['out_W'] = jax.random.normal(ks[11], (DIM, 1), dtype=jnp.float32) * 0.1
    inp['out_b'] = jnp.zeros((1,), jnp.float32)
    return inp

def _bn1d(x, g, b):
    m = x.mean(0)
    v = x.var(0)
    return (x - m) / jnp.sqrt(v + 1e-5) * g + b

def _gru_cell(x, Wih, bih, bhh):
    gi = x @ Wih.T + bih
    ir, iz, inn = jnp.split(gi, 3, axis=1)
    hr, hz, hn = jnp.split(bhh, 3)
    r = jax.nn.sigmoid(ir + hr)
    zg = jax.nn.sigmoid(iz + hz)
    n = jnp.tanh(inn + r * hn)
    return (1.0 - zg) * n

def _forward(data, target, org_edge_index, emb_tables, gru_Wih, gru_Whh, gru_bih, gru_bhh, enc_W, enc_b, enc_g, enc_beta, dec_W, dec_b, dec_g, dec_beta, gat_W, att_i, att_j, gat_b, gnn_g, gnn_beta, bno_g, bno_beta, out_W, out_b):
    x = jax.lax.stop_gradient(data)
    z = x.reshape(B, -1)
    for i in range(2):
        z = jax.nn.sigmoid(_bn1d(z @ enc_W[i].T + enc_b[i], enc_g[i], enc_beta[i]))
    z_out = jax.lax.stop_gradient(z.reshape(B, N, W))
    xr = z
    for i in range(2):
        xr = jax.nn.sigmoid(_bn1d(xr @ dec_W[i].T + dec_b[i], dec_g[i], dec_beta[i]))
    x_recon = xr.reshape(B, N, W)
    embs = []
    for p in range(NPROC):
        e = emb_tables[p]
        for l in range(3):
            hf = _gru_cell(e, gru_Wih[p, l, 0], gru_bih[p, l, 0], gru_bhh[p, l, 0])
            hb = _gru_cell(e, gru_Wih[p, l, 1], gru_bih[p, l, 1], gru_bhh[p, l, 1])
            e = jnp.concatenate([hf, hb], axis=1)
        embs.append(e)
    all_emb = jnp.concatenate(embs, axis=0)
    offs = jnp.arange(B, dtype=org_edge_index.dtype) * N
    bei = (org_edge_index[:, None, :] + offs[None, :, None]).reshape(2, -1)
    src, dst = bei[0], bei[1]
    xz = z.reshape(B * N, W)
    emb_rep = jnp.tile(all_emb, (B, 1))
    xp = xz @ gat_W
    g_cat = jnp.concatenate([xp, emb_rep], axis=1)
    alpha = jax.nn.leaky_relu((g_cat @ att_i)[dst] + (g_cat @ att_j)[src], 0.2)
    amax = jax.ops.segment_max(alpha, dst, num_segments=B * N)
    amax = jnp.where(jnp.isfinite(amax), amax, 0.0)
    ae = jnp.exp(alpha - amax[dst])
    denom = jax.ops.segment_sum(ae, dst, num_segments=B * N)
    wgt = ae / (denom[dst] + 1e-16)
    agg = jax.ops.segment_sum(wgt[:, None] * xp[src], dst, num_segments=B * N) + gat_b
    agg = jax.nn.relu(_bn1d(agg, gnn_g, gnn_beta))
    gcn = agg.reshape(B, N, DIM)
    o = gcn * all_emb[None, :, :]
    o = o.transpose(0, 2, 1)
    m = o.mean((0, 2), keepdims=True)
    v = o.var((0, 2), keepdims=True)
    o = (o - m) / jnp.sqrt(v + 1e-5) * bno_g.reshape(1, -1, 1) + bno_beta.reshape(1, -1, 1)
    o = jax.nn.relu(o.transpose(0, 2, 1))
    out = (o @ out_W + out_b).reshape(B, N)
    return out, x_recon, z_out

def reference(data, target, org_edge_index, emb_tables, gru_Wih, gru_Whh, gru_bih, gru_bhh, enc_W, enc_b, enc_g, enc_beta, dec_W, dec_b, dec_g, dec_beta, gat_W, att_i, att_j, gat_b, gnn_g, gnn_beta, bno_g, bno_beta, out_W, out_b):
    return _forward(data, target, org_edge_index, emb_tables, gru_Wih, gru_Whh, gru_bih, gru_bhh, enc_W, enc_b, enc_g, enc_beta, dec_W, dec_b, dec_g, dec_beta, gat_W, att_i, att_j, gat_b, gnn_g, gnn_beta, bno_g, bno_beta, out_W, out_b)

if __name__ == "__main__":
    import jax
    _d = setup_inputs()
    print(jax.jit(kernel)(*tuple(_d.values())))

</pallas_src>

<mosaic_0001>
#map = affine_map<(d0, d1) -> (0)>
#map1 = affine_map<(d0, d1) -> (0, 0)>
module attributes {stable_mosaic.version = 14 : i64} {
  func.func @k(%arg0: i32, %arg1: i32, %arg2: memref<16384xi32, #tpu.memory_space<hbm>>, %arg3: memref<16384xi32, #tpu.memory_space<hbm>>, %arg4: memref<8192xf32, #tpu.memory_space<hbm>>, %arg5: memref<4x65536xf32, #tpu.memory_space<hbm>>, %arg6: memref<4096xi32, #tpu.memory_space<vmem>>, %arg7: memref<4096xi32, #tpu.memory_space<vmem>>, %arg8: memref<8192xf32, #tpu.memory_space<vmem>>) attributes {dimension_semantics = [#tpu.dimension_semantics<core_parallel>, #tpu.dimension_semantics<subcore_parallel>], iteration_bounds = array<i64: 2, 16>, scalar_prefetch = 0 : i64, scratch_operands = 3 : i64, tpu.core_type = #tpu.core_type<sc_vector_subcore>, window_params = [{transform_indices = #map}, {transform_indices = #map}, {transform_indices = #map}, {transform_indices = #map1}]} {
    %mul3A = arith.constant 2 : i32
    %mul3A_0 = arith.muli %arg1, %mul3A : i32
    %add3A = arith.addi %mul3A_0, %arg0 : i32
    %jit3A = arith.constant 4 : i32
    %div3A = arith.divsi %add3A, %jit3A : i32
    %sign3A = arith.constant 0 : i32
    %sign3A_1 = arith.cmpi sgt, %add3A, %sign3A : i32
    %sign3A_2 = arith.extui %sign3A_1 : i1 to i32
    %sign3A_3 = arith.constant 0 : i32
    %sign3A_4 = arith.cmpi slt, %add3A, %sign3A_3 : i32
    %sign3A_5 = arith.extui %sign3A_4 : i1 to i32
    %sign3A_6 = arith.subi %sign3A_2, %sign3A_5 : i32
    %sign3A_7 = arith.constant 0 : i32
    %sign3A_8 = arith.cmpi sgt, %jit3A, %sign3A_7 : i32
    %sign3A_9 = arith.extui %sign3A_8 : i1 to i32
    %sign3A_10 = arith.constant 0 : i32
    %sign3A_11 = arith.cmpi slt, %jit3A, %sign3A_10 : i32
    %sign3A_12 = arith.extui %sign3A_11 : i1 to i32
    %sign3A_13 = arith.subi %sign3A_9, %sign3A_12 : i32
    %ne3A = arith.cmpi ne, %sign3A_6, %sign3A_13 : i32
    %rem3A = arith.remsi %add3A, %jit3A : i32
    %ne3A_14 = arith.constant 0 : i32
    %ne3A_15 = arith.cmpi ne, %rem3A, %ne3A_14 : i32
    %and3A = arith.andi %ne3A, %ne3A_15 : i1
    %sub3A = arith.constant 1 : i32
    %sub3A_16 = arith.subi %div3A, %sub3A : i32
    %select_n3A = arith.select %and3A, %sub3A_16, %div3A : i32
    %jit3A_17 = arith.constant 4 : i32
    %eq3A = arith.constant 0 : i32
    %eq3A_18 = arith.cmpi eq, %jit3A_17, %eq3A : i32
    %jit3A_19 = arith.constant 1 : i32
    %select_n3A_20 = arith.select %eq3A_18, %jit3A_19, %jit3A_17 : i32
    %rem3A_21 = arith.remsi %add3A, %select_n3A_20 : i32
    %ne3A_22 = arith.constant 0 : i32
    %ne3A_23 = arith.cmpi ne, %rem3A_21, %ne3A_22 : i32
    %lt3A = arith.constant 0 : i32
    %lt3A_24 = arith.cmpi slt, %rem3A_21, %lt3A : i32
    %lt3A_25 = arith.constant 0 : i32
    %lt3A_26 = arith.cmpi slt, %select_n3A_20, %lt3A_25 : i32
    %ne3A_27 = arith.xori %lt3A_24, %lt3A_26 : i1
    %and3A_28 = arith.andi %ne3A_27, %ne3A_23 : i1
    %add3A_29 = arith.addi %rem3A_21, %select_n3A_20 : i32
    %select_n3A_30 = arith.select %and3A_28, %add3A_29, %rem3A_21 : i32
    %mul3A_31 = arith.constant 32 : i32
    %mul3A_32 = arith.muli %select_n3A, %mul3A_31 : i32
    %mul3A_33 = arith.constant 4096 : i32
    %mul3A_34 = arith.muli %select_n3A_30, %mul3A_33 : i32
    "tpu.region"() ({
      %run_scoped3A = tpu.sem_alloc : memref<!tpu.dma_semaphore, #tpu.memory_space<semaphore_mem>>
      %dma_start3A = tpu.memref_slice %arg2[%mul3A_34] : memref<16384xi32, #tpu.memory_space<hbm>> -> memref<4096xi32, #tpu.memory_space<hbm>>
      %dma_start3A_45 = tpu.memref_slice %arg2[%mul3A_34] : memref<16384xi32, #tpu.memory_space<hbm>> -> memref<4096xi32, #tpu.memory_space<hbm>>
      tpu.enqueue_dma source(%dma_start3A_45 : memref<4096xi32, #tpu.memory_space<hbm>>) target(%arg6 : memref<4096xi32, #tpu.memory_space<vmem>>) target_semaphore(%run_scoped3A : memref<!tpu.dma_semaphore, #tpu.memory_space<semaphore_mem>>)
      %dma_wait3A = tpu.memref_slice %arg2[%mul3A_34] : memref<16384xi32, #tpu.memory_space<hbm>> -> memref<4096xi32, #tpu.memory_space<hbm>>
      %dma_wait3A_46 = tpu.memref_slice %arg2[%mul3A_34] : memref<16384xi32, #tpu.memory_space<hbm>> -> memref<4096xi32, #tpu.memory_space<hbm>>
      tpu.wait_dma2 semaphore(%run_scoped3A : memref<!tpu.dma_semaphore, #tpu.memory_space<semaphore_mem>>) src(%dma_wait3A_46 : memref<4096xi32, #tpu.memory_space<hbm>>) dst(%arg6 : memref<4096xi32, #tpu.memory_space<vmem>>)
      tpu.yield
    }) : () -> ()
    %mul3A_35 = arith.constant 4096 : i32
    %mul3A_36 = arith.muli %select_n3A_30, %mul3A_35 : i32
    "tpu.region"() ({
      %run_scoped3A = tpu.sem_alloc : memref<!tpu.dma_semaphore, #tpu.memory_space<semaphore_mem>>
      %dma_start3A = tpu.memref_slice %arg3[%mul3A_36] : memref<16384xi32, #tpu.memory_space<hbm>> -> memref<4096xi32, #tpu.memory_space<hbm>>
      %dma_start3A_45 = tpu.memref_slice %arg3[%mul3A_36] : memref<16384xi32, #tpu.memory_space<hbm>> -> memref<4096xi32, #tpu.memory_space<hbm>>
      tpu.enqueue_dma source(%dma_start3A_45 : memref<4096xi32, #tpu.memory_space<hbm>>) target(%arg7 : memref<4096xi32, #tpu.memory_space<vmem>>) target_semaphore(%run_scoped3A : memref<!tpu.dma_semaphore, #tpu.memory_space<semaphore_mem>>)
      %dma_wait3A = tpu.memref_slice %arg3[%mul3A_36] : memref<16384xi32, #tpu.memory_space<hbm>> -> memref<4096xi32, #tpu.memory_space<hbm>>
      %dma_wait3A_46 = tpu.memref_slice %arg3[%mul3A_36] : memref<16384xi32, #tpu.memory_space<hbm>> -> memref<4096xi32, #tpu.memory_space<hbm>>
      tpu.wait_dma2 semaphore(%run_scoped3A : memref<!tpu.dma_semaphore, #tpu.memory_space<semaphore_mem>>) src(%dma_wait3A_46 : memref<4096xi32, #tpu.memory_space<hbm>>) dst(%arg7 : memref<4096xi32, #tpu.memory_space<vmem>>)
      tpu.yield
    }) : () -> ()
    "tpu.region"() ({
      %run_scoped3A = tpu.sem_alloc : memref<!tpu.dma_semaphore, #tpu.memory_space<semaphore_mem>>
      tpu.enqueue_dma source(%arg4 : memref<8192xf32, #tpu.memory_space<hbm>>) target(%arg8 : memref<8192xf32, #tpu.memory_space<vmem>>) target_semaphore(%run_scoped3A : memref<!tpu.dma_semaphore, #tpu.memory_space<semaphore_mem>>)
      tpu.wait_dma2 semaphore(%run_scoped3A : memref<!tpu.dma_semaphore, #tpu.memory_space<semaphore_mem>>) src(%arg4 : memref<8192xf32, #tpu.memory_space<hbm>>) dst(%arg8 : memref<8192xf32, #tpu.memory_space<vmem>>)
      tpu.yield
    }) : () -> ()
    %broadcast_in_dim3A = arith.constant 1.000000e+00 : f32
    %broadcast_in_dim3A_37 = vector.broadcast %broadcast_in_dim3A : f32 to vector<16xf32>
    %scan3A = arith.constant 0 : i32
    %scan3A_38 = arith.constant 0 : i32
    %scan3A_39 = arith.constant 256 : i32
    %scan3A_40 = arith.addi %scan3A_38, %scan3A_39 : i32
    %scan3A_41 = arith.constant 1 : i32
    scf.for %scan3A_45 = %scan3A_38 to %scan3A_40 step %scan3A_41  : i32 {
      %mul3A_46 = arith.constant 16 : i32
      %mul3A_47 = arith.muli %scan3A_45, %mul3A_46 : i32
      %get3A = arith.index_cast %mul3A_47 : i32 to index
      %get3A_48 = tpu.vector_load %arg7[%get3A] {strides = array<i32>} : memref<4096xi32, #tpu.memory_space<vmem>>, vector<16xi32>,
      %mul3A_49 = arith.constant 16 : i32
      %mul3A_50 = arith.muli %scan3A_45, %mul3A_49 : i32
      %get3A_51 = arith.index_cast %mul3A_50 : i32 to index
      %get3A_52 = tpu.vector_load %arg6[%get3A_51] {strides = array<i32>} : memref<4096xi32, #tpu.memory_space<vmem>>, vector<16xi32>,
      %ge3A = vector.broadcast %mul3A_32 : i32 to vector<16xi32>
      %ge3A_53 = arith.cmpi sge, %get3A_48, %ge3A : vector<16xi32>
      %add3A_54 = arith.constant 32 : i32
      %add3A_55 = arith.addi %mul3A_32, %add3A_54 : i32
      %lt3A_56 = vector.broadcast %add3A_55 : i32 to vector<16xi32>
      %lt3A_57 = arith.cmpi slt, %get3A_48, %lt3A_56 : vector<16xi32>
      %and3A_58 = arith.andi %ge3A_53, %lt3A_57 : vector<16xi1>
      %sub3A_59 = vector.broadcast %mul3A_32 : i32 to vector<16xi32>
      %sub3A_60 = arith.subi %get3A_48, %sub3A_59 : vector<16xi32>
      %mul3A_61 = arith.constant 256 : i32
      %mul3A_62 = vector.broadcast %mul3A_61 : i32 to vector<16xi32>
      %mul3A_63 = arith.muli %sub3A_60, %mul3A_62 : vector<16xi32>
      %add3A_64 = arith.addi %mul3A_63, %get3A_52 : vector<16xi32>
      tpu.vector_store_idx %arg8[%add3A_64], %broadcast_in_dim3A_37 masked %and3A_58 {add = true} : memref<8192xf32, #tpu.memory_space<vmem>>[vector<16xi32>], vector<16xf32>, vector<16xi1>
    }
    %scan3A_42 = arith.constant 256 : i32
    %mul3A_43 = arith.constant 256 : i32
    %mul3A_44 = arith.muli %mul3A_32, %mul3A_43 : i32
    "tpu.region"() ({
      %run_scoped3A = tpu.sem_alloc : memref<!tpu.dma_semaphore, #tpu.memory_space<semaphore_mem>>
      %dma_start3A = tpu.memref_slice %arg5[%select_n3A_30, %mul3A_44] : memref<4x65536xf32, #tpu.memory_space<hbm>> -> memref<1x8192xf32, #tpu.memory_space<hbm>>
      %dma_start3A_45 = tpu.memref_squeeze %dma_start3A : memref<1x8192xf32, #tpu.memory_space<hbm>> -> memref<8192xf32, #tpu.memory_space<hbm>>
      %dma_start3A_46 = tpu.memref_slice %arg5[%select_n3A_30, %mul3A_44] : memref<4x65536xf32, #tpu.memory_space<hbm>> -> memref<1x8192xf32, #tpu.memory_space<hbm>>
      %dma_start3A_47 = tpu.memref_squeeze %dma_start3A_46 : memref<1x8192xf32, #tpu.memory_space<hbm>> -> memref<8192xf32, #tpu.memory_space<hbm>>
      tpu.enqueue_dma source(%arg8 : memref<8192xf32, #tpu.memory_space<vmem>>) target(%dma_start3A_47 : memref<8192xf32, #tpu.memory_space<hbm>>) target_semaphore(%run_scoped3A : memref<!tpu.dma_semaphore, #tpu.memory_space<semaphore_mem>>)
      %dma_wait3A = tpu.memref_slice %arg5[%select_n3A_30, %mul3A_44] : memref<4x65536xf32, #tpu.memory_space<hbm>> -> memref<1x8192xf32, #tpu.memory_space<hbm>>
      %dma_wait3A_48 = tpu.memref_squeeze %dma_wait3A : memref<1x8192xf32, #tpu.memory_space<hbm>> -> memref<8192xf32, #tpu.memory_space<hbm>>
      %dma_wait3A_49 = tpu.memref_slice %arg5[%select_n3A_30, %mul3A_44] : memref<4x65536xf32, #tpu.memory_space<hbm>> -> memref<1x8192xf32, #tpu.memory_space<hbm>>
      %dma_wait3A_50 = tpu.memref_squeeze %dma_wait3A_49 : memref<1x8192xf32, #tpu.memory_space<hbm>> -> memref<8192xf32, #tpu.memory_space<hbm>>
      tpu.wait_dma2 semaphore(%run_scoped3A : memref<!tpu.dma_semaphore, #tpu.memory_space<semaphore_mem>>) src(%arg8 : memref<8192xf32, #tpu.memory_space<vmem>>) dst(%dma_wait3A_50 : memref<8192xf32, #tpu.memory_space<hbm>>)
      tpu.yield
    }) : () -> ()
    return
  }
}

module attributes {stable_mosaic.version = 14 : i64} {
  func.func @_ae_body(%arg0: i32, %arg1: i32, %arg2: memref<32x4096xf32, #tpu.memory_space<vmem>>, %arg3: memref<1x512x4096xf32, #tpu.memory_space<vmem>>, %arg4: memref<1x1x1x512xf32, #tpu.memory_space<vmem>>, %arg5: memref<1x1x1x512xf32, #tpu.memory_space<vmem>>, %arg6: memref<1x1x1x512xf32, #tpu.memory_space<vmem>>, %arg7: memref<32x512xf32, #tpu.memory_space<vmem>>, %arg8: memref<32x4096xf32, #tpu.memory_space<vmem>>) attributes {dimension_semantics = [#tpu.dimension_semantics<arbitrary>, #tpu.dimension_semantics<arbitrary>], iteration_bounds = array<i64: 2, 8>, scalar_prefetch = 0 : i64, scratch_operands = 1 : i64, tpu.core_type = #tpu.core_type<tc>, window_params = [{pipeline_mode = #tpu.pipeline_mode<synchronous>, transform_indices = @transform_0, window_bounds = array<i64: 32, 4096>}, {transform_indices = @transform_1, window_bounds = array<i64: 1, 512, 4096>}, {transform_indices = @transform_2, window_bounds = array<i64: 1, 1, 1, 512>}, {transform_indices = @transform_3, window_bounds = array<i64: 1, 1, 1, 512>}, {transform_indices = @transform_4, window_bounds = array<i64: 1, 1, 1, 512>}, {transform_indices = @transform_5, window_bounds = array<i64: 32, 512>}]} {
    %eq3A = arith.constant 0 : i32
    %eq3A_0 = arith.cmpi eq, %arg0, %eq3A : i32
    %convert_element_type3A = arith.extui %eq3A_0 : i1 to i32
    %cond3A = arith.constant 0 : i32
    %cond3A_1 = arith.cmpi ne, %convert_element_type3A, %cond3A : i32
    scf.if %cond3A_1 {
      %get3A = arith.constant 0 : index
      %get3A_7 = arith.constant 0 : index
      %get3A_8 = vector.load %arg2[%get3A, %get3A_7] : memref<32x4096xf32, #tpu.memory_space<vmem>>, vector<32x4096xf32>
      %get3A_9 = arith.constant 0 : index
      %get3A_10 = arith.constant 0 : index
      %get3A_11 = arith.constant 0 : index
      %get3A_12 = vector.load %arg3[%get3A_9, %get3A_10, %get3A_11] : memref<1x512x4096xf32, #tpu.memory_space<vmem>>, vector<1x512x4096xf32>
      %get3A_13 = vector.shape_cast %get3A_12 : vector<1x512x4096xf32> to vector<512x4096xf32>
      %dot_general3A = arith.constant dense<0.000000e+00> : vector<32x512xf32>
      %dot_general3A_14 = tpu.matmul %get3A_8, %get3A_13, %dot_general3A {dimension_numbers = #tpu.dot_dimension_numbers<[1], [1], [0], [0], [0, 0, 1, 0], [], []>, transpose_lhs_hint = false} : vector<32x4096xf32>, vector<512x4096xf32>, vector<32x512xf32> -> vector<32x512xf32>
      %get3A_15 = arith.constant 0 : index
      %get3A_16 = arith.constant 0 : index
      %get3A_17 = arith.constant 0 : index
      %get3A_18 = arith.constant 0 : index
      %get3A_19 = vector.load %arg4[%get3A_15, %get3A_16, %get3A_17, %get3A_18] : memref<1x1x1x512xf32, #tpu.memory_space<vmem>>, vector<1x1x1x512xf32>
      %get3A_20 = vector.shape_cast %get3A_19 : vector<1x1x1x512xf32> to vector<1x512xf32>
      %add3A = vector.broadcast %get3A_20 : vector<1x512xf32> to vector<32x512xf32>
      %add3A_21 = arith.addf %dot_general3A_14, %add3A : vector<32x512xf32>
      %reduce_sum3A = arith.constant dense<0.000000e+00> : vector<512xf32>
      %reduce_sum3A_22 = vector.multi_reduction <add>, %add3A_21, %reduce_sum3A [0] : vector<32x512xf32> to vector<512xf32>
      %broadcast_in_dim3A = vector.shape_cast %reduce_sum3A_22 : vector<512xf32> to vector<1x512xf32>
      %div3A = arith.constant 3.200000e+01 : f32
      %div3A_23 = vector.broadcast %div3A : f32 to vector<1x512xf32>
      %div3A_24 = arith.divf %broadcast_in_dim3A, %div3A_23 : vector<1x512xf32>
      %sub3A = vector.broadcast %div3A_24 : vector<1x512xf32> to vector<32x512xf32>
      %sub3A_25 = arith.subf %add3A_21, %sub3A : vector<32x512xf32>
      %sub3A_26 = vector.broadcast %div3A_24 : vector<1x512xf32> to vector<32x512xf32>
      %sub3A_27 = arith.subf %add3A_21, %sub3A_26 : vector<32x512xf32>
      %mul3A = arith.mulf %sub3A_25, %sub3A_27 : vector<32x512xf32>
      %reduce_sum3A_28 = arith.constant dense<0.000000e+00> : vector<512xf32>
      %reduce_sum3A_29 = vector.multi_reduction <add>, %mul3A, %reduce_sum3A_28 [0] : vector<32x512xf32> to vector<512xf32>
      %broadcast_in_dim3A_30 = vector.shape_cast %reduce_sum3A_29 : vector<512xf32> to vector<1x512xf32>
      %div3A_31 = arith.constant 3.200000e+01 : f32
      %div3A_32 = vector.broadcast %div3A_31 : f32 to vector<1x512xf32>
      %div3A_33 = arith.divf %broadcast_in_dim3A_30, %div3A_32 : vector<1x512xf32>
      %sub3A_34 = vector.broadcast %div3A_24 : vector<1x512xf32> to vector<32x512xf32>
      %sub3A_35 = arith.subf %add3A_21, %sub3A_34 : vector<32x512xf32>
      %add3A_36 = arith.constant 9.99999974E-6 : f32
      %add3A_37 = vector.broadcast %add3A_36 : f32 to vector<1x512xf32>
      %add3A_38 = arith.addf %div3A_33, %add3A_37 : vector<1x512xf32>
      %sqrt3A = math.sqrt %add3A_38 : vector<1x512xf32>
      %div3A_39 = vector.broadcast %sqrt3A : vector<1x512xf32> to vector<32x512xf32>
      %div3A_40 = arith.divf %sub3A_35, %div3A_39 : vector<32x512xf32>
      %get3A_41 = arith.constant 0 : index
      %get3A_42 = arith.constant 0 : index
      %get3A_43 = arith.constant 0 : index
      %get3A_44 = arith.constant 0 : index
      %get3A_45 = vector.load %arg5[%get3A_41, %get3A_42, %get3A_43, %get3A_44] : memref<1x1x1x512xf32, #tpu.memory_space<vmem>>, vector<1x1x1x512xf32>
      %get3A_46 = vector.shape_cast %get3A_45 : vector<1x1x1x512xf32> to vector<1x512xf32>
      %mul3A_47 = vector.broadcast %get3A_46 : vector<1x512xf32> to vector<32x512xf32>
      %mul3A_48 = arith.mulf %div3A_40, %mul3A_47 : vector<32x512xf32>
      %get3A_49 = arith.constant 0 : index
      %get3A_50 = arith.constant 0 : index
      %get3A_51 = arith.constant 0 : index
      %get3A_52 = arith.constant 0 : index
      %get3A_53 = vector.load %arg6[%get3A_49, %get3A_50, %get3A_51, %get3A_52] : memref<1x1x1x512xf32, #tpu.memory_space<vmem>>, vector<1x1x1x512xf32>
      %get3A_54 = vector.shape_cast %get3A_53 : vector<1x1x1x512xf32> to vector<1x512xf32>
      %add3A_55 = vector.broadcast %get3A_54 : vector<1x512xf32> to vector<32x512xf32>
      %add3A_56 = arith.addf %mul3A_48, %add3A_55 : vector<32x512xf32>
      %logistic3A = arith.negf %add3A_56 : vector<32x512xf32>
      %logistic3A_57 = math.exp %logistic3A : vector<32x512xf32>
      %logistic3A_58 = arith.constant 1.000000e+00 : f32
      %logistic3A_59 = vector.broadcast %logistic3A_58 : f32 to vector<32x512xf32>
      %logistic3A_60 = arith.addf %logistic3A_59, %logistic3A_57 : vector<32x512xf32>
      %logistic3A_61 = arith.divf %logistic3A_59, %logistic3A_60 : vector<32x512xf32>
      %mul3A_62 = arith.constant 512 : i32
      %mul3A_63 = arith.muli %arg1, %mul3A_62 : i32
      %swap3A = arith.constant 0 : index
      %swap3A_64 = arith.index_cast %mul3A_63 : i32 to index
      %swap3A_65 = vector.load %arg8[%swap3A, %swap3A_64] : memref<32x4096xf32, #tpu.memory_space<vmem>>, vector<32x512xf32>
      tpu.vector_store %arg8[%swap3A, %swap3A_64], %logistic3A_61 {strides = array<i32>} : memref<32x4096xf32, #tpu.memory_space<vmem>>, vector<32x512xf32>,
      %swap3A_66 = arith.constant 0 : index
      %swap3A_67 = arith.constant 0 : index
      %swap3A_68 = vector.load %arg7[%swap3A_66, %swap3A_67] : memref<32x512xf32, #tpu.memory_space<vmem>>, vector<32x512xf32>
      tpu.vector_store %arg7[%swap3A_66, %swap3A_67], %logistic3A_61 {strides = array<i32>} : memref<32x512xf32, #tpu.memory_space<vmem>>, vector<32x512xf32>,
    } else {
    }
    %eq3A_2 = arith.constant 1 : i32
    %eq3A_3 = arith.cmpi eq, %arg0, %eq3A_2 : i32
    %convert_element_type3A_4 = arith.extui %eq3A_3 : i1 to i32
    %cond3A_5 = arith.constant 0 : i32
    %cond3A_6 = arith.cmpi ne, %convert_element_type3A_4, %cond3A_5 : i32
    scf.if %cond3A_6 {
      %get3A = arith.constant 0 : index
      %get3A_7 = arith.constant 0 : index
      %get3A_8 = vector.load %arg8[%get3A, %get3A_7] : memref<32x4096xf32, #tpu.memory_space<vmem>>, vector<32x4096xf32>
      %get3A_9 = arith.constant 0 : index
      %get3A_10 = arith.constant 0 : index
      %get3A_11 = arith.constant 0 : index
      %get3A_12 = vector.load %arg3[%get3A_9, %get3A_10, %get3A_11] : memref<1x512x4096xf32, #tpu.memory_space<vmem>>, vector<1x512x4096xf32>
      %get3A_13 = vector.shape_cast %get3A_12 : vector<1x512x4096xf32> to vector<512x4096xf32>
      %dot_general3A = arith.constant dense<0.000000e+00> : vector<32x512xf32>
      %dot_general3A_14 = tpu.matmul %get3A_8, %get3A_13, %dot_general3A {dimension_numbers = #tpu.dot_dimension_numbers<[1], [1], [0], [0], [0, 0, 1, 0], [], []>, transpose_lhs_hint = false} : vector<32x4096xf32>, vector<512x4096xf32>, vector<32x512xf32> -> vector<32x512xf32>
      %get3A_15 = arith.constant 0 : index
      %get3A_16 = arith.constant 0 : index
      %get3A_17 = arith.constant 0 : index
      %get3A_18 = arith.constant 0 : index
      %get3A_19 = vector.load %arg4[%get3A_15, %get3A_16, %get3A_17, %get3A_18] : memref<1x1x1x512xf32, #tpu.memory_space<vmem>>, vector<1x1x1x512xf32>
      %get3A_20 = vector.shape_cast %get3A_19 : vector<1x1x1x512xf32> to vector<1x512xf32>
      %add3A = vector.broadcast %get3A_20 : vector<1x512xf32> to vector<32x512xf32>
      %add3A_21 = arith.addf %dot_general3A_14, %add3A : vector<32x512xf32>
      %reduce_sum3A = arith.constant dense<0.000000e+00> : vector<512xf32>
      %reduce_sum3A_22 = vector.multi_reduction <add>, %add3A_21, %reduce_sum3A [0] : vector<32x512xf32> to vector<512xf32>
      %broadcast_in_dim3A = vector.shape_cast %reduce_sum3A_22 : vector<512xf32> to vector<1x512xf32>
      %div3A = arith.constant 3.200000e+01 : f32
      %div3A_23 = vector.broadcast %div3A : f32 to vector<1x512xf32>
      %div3A_24 = arith.divf %broadcast_in_dim3A, %div3A_23 : vector<1x512xf32>
      %sub3A = vector.broadcast %div3A_24 : vector<1x512xf32> to vector<32x512xf32>
      %sub3A_25 = arith.subf %add3A_21, %sub3A : vector<32x512xf32>
      %sub3A_26 = vector.broadcast %div3A_24 : vector<1x512xf32> to vector<32x512xf32>
      %sub3A_27 = arith.subf %add3A_21, %sub3A_26 : vector<32x512xf32>
      %mul3A = arith.mulf %sub3A_25, %sub3A_27 : vector<32x512xf32>
      %reduce_sum3A_28 = arith.constant dense<0.000000e+00> : vector<512xf32>
      %reduce_sum3A_29 = vector.multi_reduction <add>, %mul3A, %reduce_sum3A_28 [0] : vector<32x512xf32> to vector<512xf32>
      %broadcast_in_dim3A_30 = vector.shape_cast %reduce_sum3A_29 : vector<512xf32> to vector<1x512xf32>
      %div3A_31 = arith.constant 3.200000e+01 : f32
      %div3A_32 = vector.broadcast %div3A_31 : f32 to vector<1x512xf32>
      %div3A_33 = arith.divf %broadcast_in_dim3A_30, %div3A_32 : vector<1x512xf32>
      %sub3A_34 = vector.broadcast %div3A_24 : vector<1x512xf32> to vector<32x512xf32>
      %sub3A_35 = arith.subf %add3A_21, %sub3A_34 : vector<32x512xf32>
      %add3A_36 = arith.constant 9.99999974E-6 : f32
      %add3A_37 = vector.broadcast %add3A_36 : f32 to vector<1x512xf32>
      %add3A_38 = arith.addf %div3A_33, %add3A_37 : vector<1x512xf32>
      %sqrt3A = math.sqrt %add3A_38 : vector<1x512xf32>
      %div3A_39 = vector.broadcast %sqrt3A : vector<1x512xf32> to vector<32x512xf32>
      %div3A_40 = arith.divf %sub3A_35, %div3A_39 : vector<32x512xf32>
      %get3A_41 = arith.constant 0 : index
      %get3A_42 = arith.constant 0 : index
      %get3A_43 = arith.constant 0 : index
      %get3A_44 = arith.constant 0 : index
      %get3A_45 = vector.load %arg5[%get3A_41, %get3A_42, %get3A_43, %get3A_44] : memref<1x1x1x512xf32, #tpu.memory_space<vmem>>, vector<1x1x1x512xf32>
      %get3A_46 = vector.shape_cast %get3A_45 : vector<1x1x1x512xf32> to vector<1x512xf32>
      %mul3A_47 = vector.broadcast %get3A_46 : vector<1x512xf32> to vector<32x512xf32>
      %mul3A_48 = arith.mulf %div3A_40, %mul3A_47 : vector<32x512xf32>
      %get3A_49 = arith.constant 0 : index
      %get3A_50 = arith.constant 0 : index
      %get3A_51 = arith.constant 0 : index
      %get3A_52 = arith.constant 0 : index
      %get3A_53 = vector.load %arg6[%get3A_49, %get3A_50, %get3A_51, %get3A_52] : memref<1x1x1x512xf32, #tpu.memory_space<vmem>>, vector<1x1x1x512xf32>
      %get3A_54 = vector.shape_cast %get3A_53 : vector<1x1x1x512xf32> to vector<1x512xf32>
      %add3A_55 = vector.broadcast %get3A_54 : vector<1x512xf32> to vector<32x512xf32>
      %add3A_56 = arith.addf %mul3A_48, %add3A_55 : vector<32x512xf32>
      %logistic3A = arith.negf %add3A_56 : vector<32x512xf32>
      %logistic3A_57 = math.exp %logistic3A : vector<32x512xf32>
      %logistic3A_58 = arith.constant 1.000000e+00 : f32
      %logistic3A_59 = vector.broadcast %logistic3A_58 : f32 to vector<32x512xf32>
      %logistic3A_60 = arith.addf %logistic3A_59, %logistic3A_57 : vector<32x512xf32>
      %logistic3A_61 = arith.divf %logistic3A_59, %logistic3A_60 : vector<32x512xf32>
      %swap3A = arith.constant 0 : index
      %swap3A_62 = arith.constant 0 : index
      %swap3A_63 = vector.load %arg7[%swap3A, %swap3A_62] : memref<32x512xf32, #tpu.memory_space<vmem>>, vector<32x512xf32>
      tpu.vector_store %arg7[%swap3A, %swap3A_62], %logistic3A_61 {strides = array<i32>} : memref<32x512xf32, #tpu.memory_space<vmem>>, vector<32x512xf32>,
    } else {
    }
    return
  }
  func.func @transform_0(%arg0: i32, %arg1: i32) -> (i32, i32) {
    %c0_i32 = arith.constant 0 : i32
    %c0_i32_0 = arith.constant 0 : i32
    %c0_i32_1 = arith.constant 0 : i32
    return %c0_i32, %c0_i32_0 : i32, i32
  }
  func.func @transform_1(%arg0: i32, %arg1: i32) -> (i32, i32, i32) {
    %c0_i32 = arith.constant 0 : i32
    %c0_i32_0 = arith.constant 0 : i32
    return %arg0, %arg1, %c0_i32 : i32, i32, i32
  }
  func.func @transform_2(%arg0: i32, %arg1: i32) -> (i32, i32, i32, i32) {
    %c0_i32 = arith.constant 0 : i32
    %c0_i32_0 = arith.constant 0 : i32
    %c0_i32_1 = arith.constant 0 : i32
    return %arg0, %arg1, %c0_i32, %c0_i32_0 : i32, i32, i32, i32
  }
  func.func @transform_3(%arg0: i32, %arg1: i32) -> (i32, i32, i32, i32) {
    %c0_i32 = arith.constant 0 : i32
    %c0_i32_0 = arith.constant 0 : i32
    %c0_i32_1 = arith.constant 0 : i32
    return %arg0, %arg1, %c0_i32, %c0_i32_0 : i32, i32, i32, i32
  }
  func.func @transform_4(%arg0: i32, %arg1: i32) -> (i32, i32, i32, i32) {
    %c0_i32 = arith.constant 0 : i32
    %c0_i32_0 = arith.constant 0 : i32
    %c0_i32_1 = arith.constant 0 : i32
    return %arg0, %arg1, %c0_i32, %c0_i32_0 : i32, i32, i32, i32
  }
  func.func @transform_5(%arg0: i32, %arg1: i32) -> (i32, i32) {
    %c0_i32 = arith.constant 0 : i32
    %c0_i32_0 = arith.constant 0 : i32
    return %c0_i32, %arg1 : i32, i32
  }
}

module attributes {stable_mosaic.version = 14 : i64} {
  func.func @_gat_body(%arg0: i32, %arg1: memref<8192x16xf32, #tpu.memory_space<vmem>>, %arg2: memref<4x256x256xf32, #tpu.memory_space<vmem>>, %arg3: memref<4x64x64xf32, #tpu.memory_space<vmem>>, %arg4: memref<24x32x64xf32, #tpu.memory_space<vmem>>, %arg5: memref<24x32x64xf32, #tpu.memory_space<vmem>>, %arg6: memref<24x32x64xf32, #tpu.memory_space<vmem>>, %arg7: memref<24x32xf32, #tpu.memory_space<vmem>>, %arg8: memref<24x32xf32, #tpu.memory_space<vmem>>, %arg9: memref<24x32xf32, #tpu.memory_space<vmem>>, %arg10: memref<24x32xf32, #tpu.memory_space<vmem>>, %arg11: memref<24x32xf32, #tpu.memory_space<vmem>>, %arg12: memref<24x32xf32, #tpu.memory_space<vmem>>, %arg13: memref<16x64xf32, #tpu.memory_space<vmem>>, %arg14: memref<1x128xf32, #tpu.memory_space<vmem>>, %arg15: memref<1x128xf32, #tpu.memory_space<vmem>>, %arg16: memref<1x64xf32, #tpu.memory_space<vmem>>, %arg17: memref<1x64xf32, #tpu.memory_space<vmem>>, %arg18: memref<1x64xf32, #tpu.memory_space<vmem>>, %arg19: memref<1x64xf32, #tpu.memory_space<vmem>>, %arg20: memref<1x64xf32, #tpu.memory_space<vmem>>, %arg21: memref<1x64xf32, #tpu.memory_space<vmem>>, %arg22: memref<1x1xf32, #tpu.memory_space<vmem>>, %arg23: memref<1x2048xf32, #tpu.memory_space<vmem>>, %arg24: memref<8192x64xf32, #tpu.memory_space<vmem>>, %arg25: memref<256x64xf32, #tpu.memory_space<vmem>>, %arg26: memref<2048x64xf32, #tpu.memory_space<vmem>>, %arg27: memref<8192x64xf32, #tpu.memory_space<vmem>>, %arg28: memref<2x64xf32, #tpu.memory_space<vmem>>, %arg29: memref<2x64xf32, #tpu.memory_space<vmem>>, %arg30: memref<256x256xf32, #tpu.memory_space<vmem>>) attributes {dimension_semantics = [#tpu.dimension_semantics<arbitrary>], iteration_bounds = array<i64: 20>, scalar_prefetch = 0 : i64, scratch_operands = 7 : i64, tpu.core_type = #tpu.core_type<tc>, window_params = [{pipeline_mode = #tpu.pipeline_mode<synchronous>, transform_indices = @transform_0, window_bounds = array<i64: 8192, 16>}, {pipeline_mode = #tpu.pipeline_mode<synchronous>, transform_indices = @transform_1, window_bounds = array<i64: 4, 256, 256>}, {pipeline_mode = #tpu.pipeline_mode<synchronous>, transform_indices = @transform_2, window_bounds = array<i64: 4, 64, 64>}, {pipeline_mode = #tpu.pipeline_mode<synchronous>, transform_indices = @transform_3, window_bounds = array<i64: 24, 32, 64>}, {pipeline_mode = #tpu.pipeline_mode<synchronous>, transform_indices = @transform_4, window_bounds = array<i64: 24, 32, 64>}, {pipeline_mode = #tpu.pipeline_mode<synchronous>, transform_indices = @transform_5, window_bounds = array<i64: 24, 32, 64>}, {pipeline_mode = #tpu.pipeline_mode<synchronous>, transform_indices = @transform_6, window_bounds = array<i64: 24, 32>}, {pipeline_mode = #tpu.pipeline_mode<synchronous>, transform_indices = @transform_7, window_bounds = array<i64: 24, 32>}, {pipeline_mode = #tpu.pipeline_mode<synchronous>, transform_indices = @transform_8, window_bounds = array<i64: 24, 32>}, {pipeline_mode = #tpu.pipeline_mode<synchronous>, transform_indices = @transform_9, window_bounds = array<i64: 24, 32>}, {pipeline_mode = #tpu.pipeline_mode<synchronous>, transform_indices = @transform_10, window_bounds = array<i64: 24, 32>}, {pipeline_mode = #tpu.pipeline_mode<synchronous>, transform_indices = @transform_11, window_bounds = array<i64: 24, 32>}, {pipeline_mode = #tpu.pipeline_mode<synchronous>, transform_indices = @transform_12, window_bounds = array<i64: 16, 64>}, {pipeline_mode = #tpu.pipeline_mode<synchronous>, transform_indices = @transform_13, window_bounds = array<i64: 1, 128>}, {pipeline_mode = #tpu.pipeline_mode<synchronous>, transform_indices = @transform_14, window_bounds = array<i64: 1, 128>}, {pipeline_mode = #tpu.pipeline_mode<synchronous>, transform_indices = @transform_15, window_bounds = array<i64: 1, 64>}, {pipeline_mode = #tpu.pipeline_mode<synchronous>, transform_indices = @transform_16, window_bounds = array<i64: 1, 64>}, {pipeline_mode = #tpu.pipeline_mode<synchronous>, transform_indices = @transform_17, window_bounds = array<i64: 1, 64>}, {pipeline_mode = #tpu.pipeline_mode<synchronous>, transform_indices = @transform_18, window_bounds = array<i64: 1, 64>}, {pipeline_mode = #tpu.pipeline_mode<synchronous>, transform_indices = @transform_19, window_bounds = array<i64: 1, 64>}, {pipeline_mode = #tpu.pipeline_mode<synchronous>, transform_indices = @transform_20, window_bounds = array<i64: 1, 64>}, {pipeline_mode = #tpu.pipeline_mode<synchronous>, transform_indices = @transform_21, window_bounds = array<i64: 1, 1>}, {transform_indices = @transform_22, window_bounds = array<i64: 1, 2048>}]} {
    %eq3A = arith.constant 0 : i32
    %eq3A_0 = arith.cmpi eq, %arg0, %eq3A : i32
    %convert_element_type3A = arith.extui %eq3A_0 : i1 to i32
    %cond3A = arith.constant 0 : i32
    %cond3A_1 = arith.cmpi ne, %convert_element_type3A, %cond3A : i32
    scf.if %cond3A_1 {
      %get3A = arith.constant 0 : index
      %get3A_33 = arith.constant 0 : index
      %get3A_34 = arith.constant 0 : index
      %get3A_35 = vector.load %arg3[%get3A, %get3A_33, %get3A_34] : memref<4x64x64xf32, #tpu.memory_space<vmem>>, vector<1x64x64xf32>
      %get3A_36 = vector.shape_cast %get3A_35 : vector<1x64x64xf32> to vector<64x64xf32>
      %get3A_37 = arith.constant 0 : index
      %get3A_38 = arith.constant 0 : index
      %get3A_39 = arith.constant 0 : index
      %get3A_40 = vector.load %arg4[%get3A_37, %get3A_38, %get3A_39] : memref<24x32x64xf32, #tpu.memory_space<vmem>>, vector<1x32x64xf32>
      %get3A_41 = vector.shape_cast %get3A_40 : vector<1x32x64xf32> to vector<32x64xf32>
      %dot_general3A = arith.constant dense<0.000000e+00> : vector<64x32xf32>
      %dot_general3A_42 = tpu.matmul %get3A_36, %get3A_41, %dot_general3A {dimension_numbers = #tpu.dot_dimension_numbers<[1], [1], [0], [0], [0, 0, 1, 0], [], []>, transpose_lhs_hint = false} : vector<64x64xf32>, vector<32x64xf32>, vector<64x32xf32> -> vector<64x32xf32>
      %get3A_43 = arith.constant 0 : index
      %get3A_44 = arith.constant 0 : index
      %get3A_45 = vector.load %arg7[%get3A_43, %get3A_44] : memref<24x32xf32, #tpu.memory_space<vmem>>, vector<1x32xf32>
      %add3A = vector.broadcast %get3A_45 : vector<1x32xf32> to vector<64x32xf32>
      %add3A_46 = arith.addf %dot_general3A_42, %add3A : vector<64x32xf32>
      %get3A_47 = arith.constant 0 : index
      %get3A_48 = arith.constant 0 : index
      %get3A_49 = arith.constant 0 : index
      %get3A_50 = vector.load %arg5[%get3A_47, %get3A_48, %get3A_49] : memref<24x32x64xf32, #tpu.memory_space<vmem>>, vector<1x32x64xf32>
      %get3A_51 = vector.shape_cast %get3A_50 : vector<1x32x64xf32> to vector<32x64xf32>
      %dot_general3A_52 = arith.constant dense<0.000000e+00> : vector<64x32xf32>
      %dot_general3A_53 = tpu.matmul %get3A_36, %get3A_51, %dot_general3A_52 {dimension_numbers = #tpu.dot_dimension_numbers<[1], [1], [0], [0], [0, 0, 1, 0], [], []>, transpose_lhs_hint = false} : vector<64x64xf32>, vector<32x64xf32>, vector<64x32xf32> -> vector<64x32xf32>
      %get3A_54 = arith.constant 0 : index
      %get3A_55 = arith.constant 0 : index
      %get3A_56 = vector.load %arg8[%get3A_54, %get3A_55] : memref<24x32xf32, #tpu.memory_space<vmem>>, vector<1x32xf32>
      %add3A_57 = vector.broadcast %get3A_56 : vector<1x32xf32> to vector<64x32xf32>
      %add3A_58 = arith.addf %dot_general3A_53, %add3A_57 : vector<64x32xf32>
      %get3A_59 = arith.constant 0 : index
      %get3A_60 = arith.constant 0 : index
      %get3A_61 = arith.constant 0 : index
      %get3A_62 = vector.load %arg6[%get3A_59, %get3A_60, %get3A_61] : memref<24x32x64xf32, #tpu.memory_space<vmem>>, vector<1x32x64xf32>
      %get3A_63 = vector.shape_cast %get3A_62 : vector<1x32x64xf32> to vector<32x64xf32>
      %dot_general3A_64 = arith.constant dense<0.000000e+00> : vector<64x32xf32>
      %dot_general3A_65 = tpu.matmul %get3A_36, %get3A_63, %dot_general3A_64 {dimension_numbers = #tpu.dot_dimension_numbers<[1], [1], [0], [0], [0, 0, 1, 0], [], []>, transpose_lhs_hint = false} : vector<64x64xf32>, vector<32x64xf32>, vector<64x32xf32> -> vector<64x32xf32>
      %get3A_66 = arith.constant 0 : index
      %get3A_67 = arith.constant 0 : index
      %get3A_68 = vector.load %arg9[%get3A_66, %get3A_67] : memref<24x32xf32, #tpu.memory_space<vmem>>, vector<1x32xf32>
      %add3A_69 = vector.broadcast %get3A_68 : vector<1x32xf32> to vector<64x32xf32>
      %add3A_70 = arith.addf %dot_general3A_65, %add3A_69 : vector<64x32xf32>
      %get3A_71 = arith.constant 0 : index
      %get3A_72 = arith.constant 0 : index
      %get3A_73 = vector.load %arg10[%get3A_71, %get3A_72] : memref<24x32xf32, #tpu.memory_space<vmem>>, vector<1x32xf32>
      %add3A_74 = vector.broadcast %get3A_73 : vector<1x32xf32> to vector<64x32xf32>
      %add3A_75 = arith.addf %add3A_46, %add3A_74 : vector<64x32xf32>
      %logistic3A = arith.negf %add3A_75 : vector<64x32xf32>
      %logistic3A_76 = math.exp %logistic3A : vector<64x32xf32>
      %logistic3A_77 = arith.constant 1.000000e+00 : f32
      %logistic3A_78 = vector.broadcast %logistic3A_77 : f32 to vector<64x32xf32>
      %logistic3A_79 = arith.addf %logistic3A_78, %logistic3A_76 : vector<64x32xf32>
      %logistic3A_80 = arith.divf %logistic3A_78, %logistic3A_79 : vector<64x32xf32>
      %get3A_81 = arith.constant 0 : index
      %get3A_82 = arith.constant 0 : index
      %get3A_83 = vector.load %arg11[%get3A_81, %get3A_82] : memref<24x32xf32, #tpu.memory_space<vmem>>, vector<1x32xf32>
      %add3A_84 = vector.broadcast %get3A_83 : vector<1x32xf32> to vector<64x32xf32>
      %add3A_85 = arith.addf %add3A_58, %add3A_84 : vector<64x32xf32>
      %logistic3A_86 = arith.negf %add3A_85 : vector<64x32xf32>
      %logistic3A_87 = math.exp %logistic3A_86 : vector<64x32xf32>
      %logistic3A_88 = arith.constant 1.000000e+00 : f32
      %logistic3A_89 = vector.broadcast %logistic3A_88 : f32 to vector<64x32xf32>
      %logistic3A_90 = arith.addf %logistic3A_89, %logistic3A_87 : vector<64x32xf32>
      %logistic3A_91 = arith.divf %logistic3A_89, %logistic3A_90 : vector<64x32xf32>
      %get3A_92 = arith.constant 0 : index
      %get3A_93 = arith.constant 0 : index
      %get3A_94 = vector.load %arg12[%get3A_92, %get3A_93] : memref<24x32xf32, #tpu.memory_space<vmem>>, vector<1x32xf32>
      %mul3A = vector.broadcast %get3A_94 : vector<1x32xf32> to vector<64x32xf32>
      %mul3A_95 = arith.mulf %logistic3A_80, %mul3A : vector<64x32xf32>
      %add3A_96 = arith.addf %add3A_70, %mul3A_95 : vector<64x32xf32>
      %tanh3A = math.tanh %add3A_96 : vector<64x32xf32>
      %sub3A = arith.constant 1.000000e+00 : f32
      %sub3A_97 = vector.broadcast %sub3A : f32 to vector<64x32xf32>
      %sub3A_98 = arith.subf %sub3A_97, %logistic3A_91 : vector<64x32xf32>
      %mul3A_99 = arith.mulf %sub3A_98, %tanh3A : vector<64x32xf32>
      %get3A_100 = arith.constant 1 : index
      %get3A_101 = arith.constant 0 : index
      %get3A_102 = arith.constant 0 : index
      %get3A_103 = vector.load %arg4[%get3A_100, %get3A_101, %get3A_102] : memref<24x32x64xf32, #tpu.memory_space<vmem>>, vector<1x32x64xf32>
      %get3A_104 = vector.shape_cast %get3A_103 : vector<1x32x64xf32> to vector<32x64xf32>
      %dot_general3A_105 = arith.constant dense<0.000000e+00> : vector<64x32xf32>
      %dot_general3A_106 = tpu.matmul %get3A_36, %get3A_104, %dot_general3A_105 {dimension_numbers = #tpu.dot_dimension_numbers<[1], [1], [0], [0], [0, 0, 1, 0], [], []>, transpose_lhs_hint = false} : vector<64x64xf32>, vector<32x64xf32>, vector<64x32xf32> -> vector<64x32xf32>
      %get3A_107 = arith.constant 1 : index
      %get3A_108 = arith.constant 0 : index
      %get3A_109 = vector.load %arg7[%get3A_107, %get3A_108] : memref<24x32xf32, #tpu.memory_space<vmem>>, vector<1x32xf32>
      %add3A_110 = vector.broadcast %get3A_109 : vector<1x32xf32> to vector<64x32xf32>
      %add3A_111 = arith.addf %dot_general3A_106, %add3A_110 : vector<64x32xf32>
      %get3A_112 = arith.constant 1 : index
      %get3A_113 = arith.constant 0 : index
      %get3A_114 = arith.constant 0 : index
      %get3A_115 = vector.load %arg5[%get3A_112, %get3A_113, %get3A_114] : memref<24x32x64xf32, #tpu.memory_space<vmem>>, vector<1x32x64xf32>
      %get3A_116 = vector.shape_cast %get3A_115 : vector<1x32x64xf32> to vector<32x64xf32>
      %dot_general3A_117 = arith.constant dense<0.000000e+00> : vector<64x32xf32>
      %dot_general3A_118 = tpu.matmul %get3A_36, %get3A_116, %dot_general3A_117 {dimension_numbers = #tpu.dot_dimension_numbers<[1], [1], [0], [0], [0, 0, 1, 0], [], []>, transpose_lhs_hint = false} : vector<64x64xf32>, vector<32x64xf32>, vector<64x32xf32> -> vector<64x32xf32>
      %get3A_119 = arith.constant 1 : index
      %get3A_120 = arith.constant 0 : index
      %get3A_121 = vector.load %arg8[%get3A_119, %get3A_120] : memref<24x32xf32, #tpu.memory_space<vmem>>, vector<1x32xf32>
      %add3A_122 = vector.broadcast %get3A_121 : vector<1x32xf32> to vector<64x32xf32>
      %add3A_123 = arith.addf %dot_general3A_118, %add3A_122 : vector<64x32xf32>
      %get3A_124 = arith.constant 1 : index
      %get3A_125 = arith.constant 0 : index
      %get3A_126 = arith.constant 0 : index
      %get3A_127 = vector.load %arg6[%get3A_124, %get3A_125, %get3A_126] : memref<24x32x64xf32, #tpu.memory_space<vmem>>, vector<1x32x64xf32>
      %get3A_128 = vector.shape_cast %get3A_127 : vector<1x32x64xf32> to vector<32x64xf32>
      %dot_general3A_129 = arith.constant dense<0.000000e+00> : vector<64x32xf32>
      %dot_general3A_130 = tpu.matmul %get3A_36, %get3A_128, %dot_general3A_129 {dimension_numbers = #tpu.dot_dimension_numbers<[1], [1], [0], [0], [0, 0, 1, 0], [], []>, transpose_lhs_hint = false} : vector<64x64xf32>, vector<32x64xf32>, vector<64x32xf32> -> vector<64x32xf32>
      %get3A_131 = arith.constant 1 : index
      %get3A_132 = arith.constant 0 : index
      %get3A_133 = vector.load %arg9[%get3A_131, %get3A_132] : memref<24x32xf32, #tpu.memory_space<vmem>>, vector<1x32xf32>
      %add3A_134 = vector.broadcast %get3A_133 : vector<1x32xf32> to vector<64x32xf32>
      %add3A_135 = arith.addf %dot_general3A_130, %add3A_134 : vector<64x32xf32>
      %get3A_136 = arith.constant 1 : index
      %get3A_137 = arith.constant 0 : index
      %get3A_138 = vector.load %arg10[%get3A_136, %get3A_137] : memref<24x32xf32, #tpu.memory_space<vmem>>, vector<1x32xf32>
      %add3A_139 = vector.broadcast %get3A_138 : vector<1x32xf32> to vector<64x32xf32>
      %add3A_140 = arith.addf %add3A_111, %add3A_139 : vector<64x32xf32>
      %logistic3A_141 = arith.negf %add3A_140 : vector<64x32xf32>
      %logistic3A_142 = math.exp %logistic3A_141 : vector<64x32xf32>
      %logistic3A_143 = arith.constant 1.000000e+00 : f32
      %logistic3A_144 = vector.broadcast %logistic3A_143 : f32 to vector<64x32xf32>
      %logistic3A_145 = arith.addf %logistic3A_144, %logistic3A_142 : vector<64x32xf32>
      %logistic3A_146 = arith.divf %logistic3A_144, %logistic3A_145 : vector<64x32xf32>
      %get3A_147 = arith.constant 1 : index
      %get3A_148 = arith.constant 0 : index
      %get3A_149 = vector.load %arg11[%get3A_147, %get3A_148] : memref<24x32xf32, #tpu.memory_space<vmem>>, vector<1x32xf32>
      %add3A_150 = vector.broadcast %get3A_149 : vector<1x32xf32> to vector<64x32xf32>
      %add3A_151 = arith.addf %add3A_123, %add3A_150 : vector<64x32xf32>
      %logistic3A_152 = arith.negf %add3A_151 : vector<64x32xf32>
      %logistic3A_153 = math.exp %logistic3A_152 : vector<64x32xf32>
      %logistic3A_154 = arith.constant 1.000000e+00 : f32
      %logistic3A_155 = vector.broadcast %logistic3A_154 : f32 to vector<64x32xf32>
      %logistic3A_156 = arith.addf %logistic3A_155, %logistic3A_153 : vector<64x32xf32>
      %logistic3A_157 = arith.divf %logistic3A_155, %logistic3A_156 : vector<64x32xf32>
      %get3A_158 = arith.constant 1 : index
      %get3A_159 = arith.constant 0 : index
      %get3A_160 = vector.load %arg12[%get3A_158, %get3A_159] : memref<24x32xf32, #tpu.memory_space<vmem>>, vector<1x32xf32>
      %mul3A_161 = vector.broadcast %get3A_160 : vector<1x32xf32> to vector<64x32xf32>
      %mul3A_162 = arith.mulf %logistic3A_146, %mul3A_161 : vector<64x32xf32>
      %add3A_163 = arith.addf %add3A_135, %mul3A_162 : vector<64x32xf32>
      %tanh3A_164 = math.tanh %add3A_163 : vector<64x32xf32>
      %sub3A_165 = arith.constant 1.000000e+00 : f32
      %sub3A_166 = vector.broadcast %sub3A_165 : f32 to vector<64x32xf32>
      %sub3A_167 = arith.subf %sub3A_166, %logistic3A_157 : vector<64x32xf32>
      %mul3A_168 = arith.mulf %sub3A_167, %tanh3A_164 : vector<64x32xf32>
      %concatenate3A = tpu.concatenate %mul3A_99, %mul3A_168 in 1 : vector<64x32xf32>, vector<64x32xf32> -> vector<64x64xf32>
      %get3A_169 = arith.constant 2 : index
      %get3A_170 = arith.constant 0 : index
      %get3A_171 = arith.constant 0 : index
      %get3A_172 = vector.load %arg4[%get3A_169, %get3A_170, %get3A_171] : memref<24x32x64xf32, #tpu.memory_space<vmem>>, vector<1x32x64xf32>
      %get3A_173 = vector.shape_cast %get3A_172 : vector<1x32x64xf32> to vector<32x64xf32>
      %dot_general3A_174 = arith.constant dense<0.000000e+00> : vector<64x32xf32>
      %dot_general3A_175 = tpu.matmul %concatenate3A, %get3A_173, %dot_general3A_174 {dimension_numbers = #tpu.dot_dimension_numbers<[1], [1], [0], [0], [0, 0, 1, 0], [], []>, transpose_lhs_hint = false} : vector<64x64xf32>, vector<32x64xf32>, vector<64x32xf32> -> vector<64x32xf32>
      %get3A_176 = arith.constant 2 : index
      %get3A_177 = arith.constant 0 : index
      %get3A_178 = vector.load %arg7[%get3A_176, %get3A_177] : memref<24x32xf32, #tpu.memory_space<vmem>>, vector<1x32xf32>
      %add3A_179 = vector.broadcast %get3A_178 : vector<1x32xf32> to vector<64x32xf32>
      %add3A_180 = arith.addf %dot_general3A_175, %add3A_179 : vector<64x32xf32>
      %get3A_181 = arith.constant 2 : index
      %get3A_182 = arith.constant 0 : index
      %get3A_183 = arith.constant 0 : index
      %get3A_184 = vector.load %arg5[%get3A_181, %get3A_182, %get3A_183] : memref<24x32x64xf32, #tpu.memory_space<vmem>>, vector<1x32x64xf32>
      %get3A_185 = vector.shape_cast %get3A_184 : vector<1x32x64xf32> to vector<32x64xf32>
      %dot_general3A_186 = arith.constant dense<0.000000e+00> : vector<64x32xf32>
      %dot_general3A_187 = tpu.matmul %concatenate3A, %get3A_185, %dot_general3A_186 {dimension_numbers = #tpu.dot_dimension_numbers<[1], [1], [0], [0], [0, 0, 1, 0], [], []>, transpose_lhs_hint = false} : vector<64x64xf32>, vector<32x64xf32>, vector<64x32xf32> -> vector<64x32xf32>
      %get3A_188 = arith.constant 2 : index
      %get3A_189 = arith.constant 0 : index
      %get3A_190 = vector.load %arg8[%get3A_188, %get3A_189] : memref<24x32xf32, #tpu.memory_space<vmem>>, vector<1x32xf32>
      %add3A_191 = vector.broadcast %get3A_190 : vector<1x32xf32> to vector<64x32xf32>
      %add3A_192 = arith.addf %dot_general3A_187, %add3A_191 : vector<64x32xf32>
      %get3A_193 = arith.constant 2 : index
      %get3A_194 = arith.constant 0 : index
      %get3A_195 = arith.constant 0 : index
      %get3A_196 = vector.load %arg6[%get3A_193, %get3A_194, %get3A_195] : memref<24x32x64xf32, #tpu.memory_space<vmem>>, vector<1x32x64xf32>
      %get3A_197 = vector.shape_cast %get3A_196 : vector<1x32x64xf32> to vector<32x64xf32>
      %dot_general3A_198 = arith.constant dense<0.000000e+00> : vector<64x32xf32>
      %dot_general3A_199 = tpu.matmul %concatenate3A, %get3A_197, %dot_general3A_198 {dimension_numbers = #tpu.dot_dimension_numbers<[1], [1], [0], [0], [0, 0, 1, 0], [], []>, transpose_lhs_hint = false} : vector<64x64xf32>, vector<32x64xf32>, vector<64x32xf32> -> vector<64x32xf32>
      %get3A_200 = arith.constant 2 : index
      %get3A_201 = arith.constant 0 : index
      %get3A_202 = vector.load %arg9[%get3A_200, %get3A_201] : memref<24x32xf32, #tpu.memory_space<vmem>>, vector<1x32xf32>
      %add3A_203 = vector.broadcast %get3A_202 : vector<1x32xf32> to vector<64x32xf32>
      %add3A_204 = arith.addf %dot_general3A_199, %add3A_203 : vector<64x32xf32>
      %get3A_205 = arith.constant 2 : index
      %get3A_206 = arith.constant 0 : index
      %get3A_207 = vector.load %arg10[%get3A_205, %get3A_206] : memref<24x32xf32, #tpu.memory_space<vmem>>, vector<1x32xf32>
      %add3A_208 = vector.broadcast %get3A_207 : vector<1x32xf32> to vector<64x32xf32>
      %add3A_209 = arith.addf %add3A_180, %add3A_208 : vector<64x32xf32>
      %logistic3A_210 = arith.negf %add3A_209 : vector<64x32xf32>
      %logistic3A_211 = math.exp %logistic3A_210 : vector<64x32xf32>
      %logistic3A_212 = arith.constant 1.000000e+00 : f32
      %logistic3A_213 = vector.broadcast %logistic3A_212 : f32 to vector<64x32xf32>
      %logistic3A_214 = arith.addf %logistic3A_213, %logistic3A_211 : vector<64x32xf32>
      %logistic3A_215 = arith.divf %logistic3A_213, %logistic3A_214 : vector<64x32xf32>
      %get3A_216 = arith.constant 2 : index
      %get3A_217 = arith.constant 0 : index
      %get3A_218 = vector.load %arg11[%get3A_216, %get3A_217] : memref<24x32xf32, #tpu.memory_space<vmem>>, vector<1x32xf32>
      %add3A_219 = vector.broadcast %get3A_218 : vector<1x32xf32> to vector<64x32xf32>
      %add3A_220 = arith.addf %add3A_192, %add3A_219 : vector<64x32xf32>
      %logistic3A_221 = arith.negf %add3A_220 : vector<64x32xf32>
      %logistic3A_222 = math.exp %logistic3A_221 : vector<64x32xf32>
      %logistic3A_223 = arith.constant 1.000000e+00 : f32
      %logistic3A_224 = vector.broadcast %logistic3A_223 : f32 to vector<64x32xf32>
      %logistic3A_225 = arith.addf %logistic3A_224, %logistic3A_222 : vector<64x32xf32>
      %logistic3A_226 = arith.divf %logistic3A_224, %logistic3A_225 : vector<64x32xf32>
      %get3A_227 = arith.constant 2 : index
      %get3A_228 = arith.constant 0 : index
      %get3A_229 = vector.load %arg12[%get3A_227, %get3A_228] : memref<24x32xf32, #tpu.memory_space<vmem>>, vector<1x32xf32>
      %mul3A_230 = vector.broadcast %get3A_229 : vector<1x32xf32> to vector<64x32xf32>
      %mul3A_231 = arith.mulf %logistic3A_215, %mul3A_230 : vector<64x32xf32>
      %add3A_232 = arith.addf %add3A_204, %mul3A_231 : vector<64x32xf32>
      %tanh3A_233 = math.tanh %add3A_232 : vector<64x32xf32>
      %sub3A_234 = arith.constant 1.000000e+00 : f32
      %sub3A_235 = vector.broadcast %sub3A_234 : f32 to vector<64x32xf32>
      %sub3A_236 = arith.subf %sub3A_235, %logistic3A_226 : vector<64x32xf32>
      %mul3A_237 = arith.mulf %sub3A_236, %tanh3A_233 : vector<64x32xf32>
      %get3A_238 = arith.constant 3 : index
      %get3A_239 = arith.constant 0 : index
      %get3A_240 = arith.constant 0 : index
      %get3A_241 = vector.load %arg4[%get3A_238, %get3A_239, %get3A_240] : memref<24x32x64xf32, #tpu.memory_space<vmem>>, vector<1x32x64xf32>
      %get3A_242 = vector.shape_cast %get3A_241 : vector<1x32x64xf32> to vector<32x64xf32>
      %dot_general3A_243 = arith.constant dense<0.000000e+00> : vector<64x32xf32>
      %dot_general3A_244 = tpu.matmul %concatenate3A, %get3A_242, %dot_general3A_243 {dimension_numbers = #tpu.dot_dimension_numbers<[1], [1], [0], [0], [0, 0, 1, 0], [], []>, transpose_lhs_hint = false} : vector<64x64xf32>, vector<32x64xf32>, vector<64x32xf32> -> vector<64x32xf32>
      %get3A_245 = arith.constant 3 : index
      %get3A_246 = arith.constant 0 : index
      %get3A_247 = vector.load %arg7[%get3A_245, %get3A_246] : memref<24x32xf32, #tpu.memory_space<vmem>>, vector<1x32xf32>
      %add3A_248 = vector.broadcast %get3A_247 : vector<1x32xf32> to vector<64x32xf32>
      %add3A_249 = arith.addf %dot_general3A_244, %add3A_248 : vector<64x32xf32>
      %get3A_250 = arith.constant 3 : index
      %get3A_251 = arith.constant 0 : index
      %get3A_252 = arith.constant 0 : index
      %get3A_253 = vector.load %arg5[%get3A_250, %get3A_251, %get3A_252] : memref<24x32x64xf32, #tpu.memory_space<vmem>>, vector<1x32x64xf32>
      %get3A_254 = vector.shape_cast %get3A_253 : vector<1x32x64xf32> to vector<32x64xf32>
      %dot_general3A_255 = arith.constant dense<0.000000e+00> : vector<64x32xf32>
      %dot_general3A_256 = tpu.matmul %concatenate3A, %get3A_254, %dot_general3A_255 {dimension_numbers = #tpu.dot_dimension_numbers<[1], [1], [0], [0], [0, 0, 1, 0], [], []>, transpose_lhs_hint = false} : vector<64x64xf32>, vector<32x64xf32>, vector<64x32xf32> -> vector<64x32xf32>
      %get3A_257 = arith.constant 3 : index
      %get3A_258 = arith.constant 0 : index
      %get3A_259 = vector.load %arg8[%get3A_257, %get3A_258] : memref<24x32xf32, #tpu.memory_space<vmem>>, vector<1x32xf32>
      %add3A_260 = vector.broadcast %get3A_259 : vector<1x32xf32> to vector<64x32xf32>
      %add3A_261 = arith.addf %dot_general3A_256, %add3A_260 : vector<64x32xf32>
      %get3A_262 = arith.constant 3 : index
      %get3A_263 = arith.constant 0 : index
      %get3A_264 = arith.constant 0 : index
      %get3A_265 = vector.load %arg6[%get3A_262, %get3A_263, %get3A_264] : memref<24x32x64xf32, #tpu.memory_space<vmem>>, vector<1x32x64xf32>
      %get3A_266 = vector.shape_cast %get3A_265 : vector<1x32x64xf32> to vector<32x64xf32>
      %dot_general3A_267 = arith.constant dense<0.000000e+00> : vector<64x32xf32>
      %dot_general3A_268 = tpu.matmul %concatenate3A, %get3A_266, %dot_general3A_267 {dimension_numbers = #tpu.dot_dimension_numbers<[1], [1], [0], [0], [0, 0, 1, 0], [], []>, transpose_lhs_hint = false} : vector<64x64xf32>, vector<32x64xf32>, vector<64x32xf32> -> vector<64x32xf32>
      %get3A_269 = arith.constant 3 : index
      %get3A_270 = arith.constant 0 : index
      %get3A_271 = vector.load %arg9[%get3A_269, %get3A_270] : memref<24x32xf32, #tpu.memory_space<vmem>>, vector<1x32xf32>
      %add3A_272 = vector.broadcast %get3A_271 : vector<1x32xf32> to vector<64x32xf32>
      %add3A_273 = arith.addf %dot_general3A_268, %add3A_272 : vector<64x32xf32>
      %get3A_274 = arith.constant 3 : index
      %get3A_275 = arith.constant 0 : index
      %get3A_276 = vector.load %arg10[%get3A_274, %get3A_275] : memref<24x32xf32, #tpu.memory_space<vmem>>, vector<1x32xf32>
      %add3A_277 = vector.broadcast %get3A_276 : vector<1x32xf32> to vector<64x32xf32>
      %add3A_278 = arith.addf %add3A_249, %add3A_277 : vector<64x32xf32>
      %logistic3A_279 = arith.negf %add3A_278 : vector<64x32xf32>
      %logistic3A_280 = math.exp %logistic3A_279 : vector<64x32xf32>
      %logistic3A_281 = arith.constant 1.000000e+00 : f32
      %logistic3A_282 = vector.broadcast %logistic3A_281 : f32 to vector<64x32xf32>
      %logistic3A_283 = arith.addf %logistic3A_282, %logistic3A_280 : vector<64x32xf32>
      %logistic3A_284 = arith.divf %logistic3A_282, %logistic3A_283 : vector<64x32xf32>
      %get3A_285 = arith.constant 3 : index
      %get3A_286 = arith.constant 0 : index
      %get3A_287 = vector.load %arg11[%get3A_285, %get3A_286] : memref<24x32xf32, #tpu.memory_space<vmem>>, vector<1x32xf32>
      %add3A_288 = vector.broadcast %get3A_287 : vector<1x32xf32> to vector<64x32xf32>
      %add3A_289 = arith.addf %add3A_261, %add3A_288 : vector<64x32xf32>
      %logistic3A_290 = arith.negf %add3A_289 : vector<64x32xf32>
      %logistic3A_291 = math.exp %logistic3A_290 : vector<64x32xf32>
      %logistic3A_292 = arith.constant 1.000000e+00 : f32
      %logistic3A_293 = vector.broadcast %logistic3A_292 : f32 to vector<64x32xf32>
      %logistic3A_294 = arith.addf %logistic3A_293, %logistic3A_291 : vector<64x32xf32>
      %logistic3A_295 = arith.divf %logistic3A_293, %logistic3A_294 : vector<64x32xf32>
      %get3A_296 = arith.constant 3 : index
      %get3A_297 = arith.constant 0 : index
      %get3A_298 = vector.load %arg12[%get3A_296, %get3A_297] : memref<24x32xf32, #tpu.memory_space<vmem>>, vector<1x32xf32>
      %mul3A_299 = vector.broadcast %get3A_298 : vector<1x32xf32> to vector<64x32xf32>
      %mul3A_300 = arith.mulf %logistic3A_284, %mul3A_299 : vector<64x32xf32>
      %add3A_301 = arith.addf %add3A_273, %mul3A_300 : vector<64x32xf32>
      %tanh3A_302 = math.tanh %add3A_301 : vector<64x32xf32>
      %sub3A_303 = arith.constant 1.000000e+00 : f32
      %sub3A_304 = vector.broadcast %sub3A_303 : f32 to vector<64x32xf32>
      %sub3A_305 = arith.subf %sub3A_304, %logistic3A_295 : vector<64x32xf32>
      %mul3A_306 = arith.mulf %sub3A_305, %tanh3A_302 : vector<64x32xf32>
      %concatenate3A_307 = tpu.concatenate %mul3A_237, %mul3A_306 in 1 : vector<64x32xf32>, vector<64x32xf32> -> vector<64x64xf32>
      %get3A_308 = arith.constant 4 : index
      %get3A_309 = arith.constant 0 : index
      %get3A_310 = arith.constant 0 : index
      %get3A_311 = vector.load %arg4[%get3A_308, %get3A_309, %get3A_310] : memref<24x32x64xf32, #tpu.memory_space<vmem>>, vector<1x32x64xf32>
      %get3A_312 = vector.shape_cast %get3A_311 : vector<1x32x64xf32> to vector<32x64xf32>
      %dot_general3A_313 = arith.constant dense<0.000000e+00> : vector<64x32xf32>
      %dot_general3A_314 = tpu.matmul %concatenate3A_307, %get3A_312, %dot_general3A_313 {dimension_numbers = #tpu.dot_dimension_numbers<[1], [1], [0], [0], [0, 0, 1, 0], [], []>, transpose_lhs_hint = false} : vector<64x64xf32>, vector<32x64xf32>, vector<64x32xf32> -> vector<64x32xf32>
      %get3A_315 = arith.constant 4 : index
      %get3A_316 = arith.constant 0 : index
      %get3A_317 = vector.load %arg7[%get3A_315, %get3A_316] : memref<24x32xf32, #tpu.memory_space<vmem>>, vector<1x32xf32>
      %add3A_318 = vector.broadcast %get3A_317 : vector<1x32xf32> to vector<64x32xf32>
      %add3A_319 = arith.addf %dot_general3A_314, %add3A_318 : vector<64x32xf32>
      %get3A_320 = arith.constant 4 : index
      %get3A_321 = arith.constant 0 : index
      %get3A_322 = arith.constant 0 : index
      %get3A_323 = vector.load %arg5[%get3A_320, %get3A_321, %get3A_322] : memref<24x32x64xf32, #tpu.memory_space<vmem>>, vector<1x32x64xf32>
      %get3A_324 = vector.shape_cast %get3A_323 : vector<1x32x64xf32> to vector<32x64xf32>
      %dot_general3A_325 = arith.constant dense<0.000000e+00> : vector<64x32xf32>
      %dot_general3A_326 = tpu.matmul %concatenate3A_307, %get3A_324, %dot_general3A_325 {dimension_numbers = #tpu.dot_dimension_numbers<[1], [1], [0], [0], [0, 0, 1, 0], [], []>, transpose_lhs_hint = false} : vector<64x64xf32>, vector<32x64xf32>, vector<64x32xf32> -> vector<64x32xf32>
      %get3A_327 = arith.constant 4 : index
      %get3A_328 = arith.constant 0 : index
      %get3A_329 = vector.load %arg8[%get3A_327, %get3A_328] : memref<24x32xf32, #tpu.memory_space<vmem>>, vector<1x32xf32>
      %add3A_330 = vector.broadcast %get3A_329 : vector<1x32xf32> to vector<64x32xf32>
      %add3A_331 = arith.addf %dot_general3A_326, %add3A_330 : vector<64x32xf32>
      %get3A_332 = arith.constant 4 : index
      %get3A_333 = arith.constant 0 : index
      %get3A_334 = arith.constant 0 : index
      %get3A_335 = vector.load %arg6[%get3A_332, %get3A_333, %get3A_334] : memref<24x32x64xf32, #tpu.memory_space<vmem>>, vector<1x32x64xf32>
      %get3A_336 = vector.shape_cast %get3A_335 : vector<1x32x64xf32> to vector<32x64xf32>
      %dot_general3A_337 = arith.constant dense<0.000000e+00> : vector<64x32xf32>
      %dot_general3A_338 = tpu.matmul %concatenate3A_307, %get3A_336, %dot_general3A_337 {dimension_numbers = #tpu.dot_dimension_numbers<[1], [1], [0], [0], [0, 0, 1, 0], [], []>, transpose_lhs_hint = false} : vector<64x64xf32>, vector<32x64xf32>, vector<64x32xf32> -> vector<64x32xf32>
      %get3A_339 = arith.constant 4 : index
      %get3A_340 = arith.constant 0 : index
      %get3A_341 = vector.load %arg9[%get3A_339, %get3A_340] : memref<24x32xf32, #tpu.memory_space<vmem>>, vector<1x32xf32>
      %add3A_342 = vector.broadcast %get3A_341 : vector<1x32xf32> to vector<64x32xf32>
      %add3A_343 = arith.addf %dot_general3A_338, %add3A_342 : vector<64x32xf32>
      %get3A_344 = arith.constant 4 : index
      %get3A_345 = arith.constant 0 : index
      %get3A_346 = vector.load %arg10[%get3A_344, %get3A_345] : memref<24x32xf32, #tpu.memory_space<vmem>>, vector<1x32xf32>
      %add3A_347 = vector.broadcast %get3A_346 : vector<1x32xf32> to vector<64x32xf32>
      %add3A_348 = arith.addf %add3A_319, %add3A_347 : vector<64x32xf32>
      %logistic3A_349 = arith.negf %add3A_348 : vector<64x32xf32>
      %logistic3A_350 = math.exp %logistic3A_349 : vector<64x32xf32>
      %logistic3A_351 = arith.constant 1.000000e+00 : f32
      %logistic3A_352 = vector.broadcast %logistic3A_351 : f32 to vector<64x32xf32>
      %logistic3A_353 = arith.addf %logistic3A_352, %logistic3A_350 : vector<64x32xf32>
      %logistic3A_354 = arith.divf %logistic3A_352, %logistic3A_353 : vector<64x32xf32>
      %get3A_355 = arith.constant 4 : index
      %get3A_356 = arith.constant 0 : index
      %get3A_357 = vector.load %arg11[%get3A_355, %get3A_356] : memref<24x32xf32, #tpu.memory_space<vmem>>, vector<1x32xf32>
      %add3A_358 = vector.broadcast %get3A_357 : vector<1x32xf32> to vector<64x32xf32>
      %add3A_359 = arith.addf %add3A_331, %add3A_358 : vector<64x32xf32>
      %logistic3A_360 = arith.negf %add3A_359 : vector<64x32xf32>
      %logistic3A_361 = math.exp %logistic3A_360 : vector<64x32xf32>
      %logistic3A_362 = arith.constant 1.000000e+00 : f32
      %logistic3A_363 = vector.broadcast %logistic3A_362 : f32 to vector<64x32xf32>
      %logistic3A_364 = arith.addf %logistic3A_363, %logistic3A_361 : vector<64x32xf32>
      %logistic3A_365 = arith.divf %logistic3A_363, %logistic3A_364 : vector<64x32xf32>
      %get3A_366 = arith.constant 4 : index
      %get3A_367 = arith.constant 0 : index
      %get3A_368 = vector.load %arg12[%get3A_366, %get3A_367] : memref<24x32xf32, #tpu.memory_space<vmem>>, vector<1x32xf32>
      %mul3A_369 = vector.broadcast %get3A_368 : vector<1x32xf32> to vector<64x32xf32>
      %mul3A_370 = arith.mulf %logistic3A_354, %mul3A_369 : vector<64x32xf32>
      %add3A_371 = arith.addf %add3A_343, %mul3A_370 : vector<64x32xf32>
      %tanh3A_372 = math.tanh %add3A_371 : vector<64x32xf32>
      %sub3A_373 = arith.constant 1.000000e+00 : f32
      %sub3A_374 = vector.broadcast %sub3A_373 : f32 to vector<64x32xf32>
      %sub3A_375 = arith.subf %sub3A_374, %logistic3A_365 : vector<64x32xf32>
      %mul3A_376 = arith.mulf %sub3A_375, %tanh3A_372 : vector<64x32xf32>
      %get3A_377 = arith.constant 5 : index
      %get3A_378 = arith.constant 0 : index
      %get3A_379 = arith.constant 0 : index
      %get3A_380 = vector.load %arg4[%get3A_377, %get3A_378, %get3A_379] : memref<24x32x64xf32, #tpu.memory_space<vmem>>, vector<1x32x64xf32>
      %get3A_381 = vector.shape_cast %get3A_380 : vector<1x32x64xf32> to vector<32x64xf32>
      %dot_general3A_382 = arith.constant dense<0.000000e+00> : vector<64x32xf32>
      %dot_general3A_383 = tpu.matmul %concatenate3A_307, %get3A_381, %dot_general3A_382 {dimension_numbers = #tpu.dot_dimension_numbers<[1], [1], [0], [0], [0, 0, 1, 0], [], []>, transpose_lhs_hint = false} : vector<64x64xf32>, vector<32x64xf32>, vector<64x32xf32> -> vector<64x32xf32>
      %get3A_384 = arith.constant 5 : index
      %get3A_385 = arith.constant 0 : index
      %get3A_386 = vector.load %arg7[%get3A_384, %get3A_385] : memref<24x32xf32, #tpu.memory_space<vmem>>, vector<1x32xf32>
      %add3A_387 = vector.broadcast %get3A_386 : vector<1x32xf32> to vector<64x32xf32>
      %add3A_388 = arith.addf %dot_general3A_383, %add3A_387 : vector<64x32xf32>
      %get3A_389 = arith.constant 5 : index
      %get3A_390 = arith.constant 0 : index
      %get3A_391 = arith.constant 0 : index
      %get3A_392 = vector.load %arg5[%get3A_389, %get3A_390, %get3A_391] : memref<24x32x64xf32, #tpu.memory_space<vmem>>, vector<1x32x64xf32>
      %get3A_393 = vector.shape_cast %get3A_392 : vector<1x32x64xf32> to vector<32x64xf32>
      %dot_general3A_394 = arith.constant dense<0.000000e+00> : vector<64x32xf32>
      %dot_general3A_395 = tpu.matmul %concatenate3A_307, %get3A_393, %dot_general3A_394 {dimension_numbers = #tpu.dot_dimension_numbers<[1], [1], [0], [0], [0, 0, 1, 0], [], []>, transpose_lhs_hint = false} : vector<64x64xf32>, vector<32x64xf32>, vector<64x32xf32> -> vector<64x32xf32>
      %get3A_396 = arith.constant 5 : index
      %get3A_397 = arith.constant 0 : index
      %get3A_398 = vector.load %arg8[%get3A_396, %get3A_397] : memref<24x32xf32, #tpu.memory_space<vmem>>, vector<1x32xf32>
      %add3A_399 = vector.broadcast %get3A_398 : vector<1x32xf32> to vector<64x32xf32>
      %add3A_400 = arith.addf %dot_general3A_395, %add3A_399 : vector<64x32xf32>
      %get3A_401 = arith.constant 5 : index
      %get3A_402 = arith.constant 0 : index
      %get3A_403 = arith.constant 0 : index
      %get3A_404 = vector.load %arg6[%get3A_401, %get3A_402, %get3A_403] : memref<24x32x64xf32, #tpu.memory_space<vmem>>, vector<1x32x64xf32>
      %get3A_405 = vector.shape_cast %get3A_404 : vector<1x32x64xf32> to vector<32x64xf32>
      %dot_general3A_406 = arith.constant dense<0.000000e+00> : vector<64x32xf32>
      %dot_general3A_407 = tpu.matmul %concatenate3A_307, %get3A_405, %dot_general3A_406 {dimension_numbers = #tpu.dot_dimension_numbers<[1], [1], [0], [0], [0, 0, 1, 0], [], []>, transpose_lhs_hint = false} : vector<64x64xf32>, vector<32x64xf32>, vector<64x32xf32> -> vector<64x32xf32>
      %get3A_408 = arith.constant 5 : index
      %get3A_409 = arith.constant 0 : index
      %get3A_410 = vector.load %arg9[%get3A_408, %get3A_409] : memref<24x32xf32, #tpu.memory_space<vmem>>, vector<1x32xf32>
      %add3A_411 = vector.broadcast %get3A_410 : vector<1x32xf32> to vector<64x32xf32>
      %add3A_412 = arith.addf %dot_general3A_407, %add3A_411 : vector<64x32xf32>
      %get3A_413 = arith.constant 5 : index
      %get3A_414 = arith.constant 0 : index
      %get3A_415 = vector.load %arg10[%get3A_413, %get3A_414] : memref<24x32xf32, #tpu.memory_space<vmem>>, vector<1x32xf32>
      %add3A_416 = vector.broadcast %get3A_415 : vector<1x32xf32> to vector<64x32xf32>
      %add3A_417 = arith.addf %add3A_388, %add3A_416 : vector<64x32xf32>
      %logistic3A_418 = arith.negf %add3A_417 : vector<64x32xf32>
      %logistic3A_419 = math.exp %logistic3A_418 : vector<64x32xf32>
      %logistic3A_420 = arith.constant 1.000000e+00 : f32
      %logistic3A_421 = vector.broadcast %logistic3A_420 : f32 to vector<64x32xf32>
      %logistic3A_422 = arith.addf %logistic3A_421, %logistic3A_419 : vector<64x32xf32>
      %logistic3A_423 = arith.divf %logistic3A_421, %logistic3A_422 : vector<64x32xf32>
      %get3A_424 = arith.constant 5 : index
      %get3A_425 = arith.constant 0 : index
      %get3A_426 = vector.load %arg11[%get3A_424, %get3A_425] : memref<24x32xf32, #tpu.memory_space<vmem>>, vector<1x32xf32>
      %add3A_427 = vector.broadcast %get3A_426 : vector<1x32xf32> to vector<64x32xf32>
      %add3A_428 = arith.addf %add3A_400, %add3A_427 : vector<64x32xf32>
      %logistic3A_429 = arith.negf %add3A_428 : vector<64x32xf32>
      %logistic3A_430 = math.exp %logistic3A_429 : vector<64x32xf32>
      %logistic3A_431 = arith.constant 1.000000e+00 : f32
      %logistic3A_432 = vector.broadcast %logistic3A_431 : f32 to vector<64x32xf32>
      %logistic3A_433 = arith.addf %logistic3A_432, %logistic3A_430 : vector<64x32xf32>
      %logistic3A_434 = arith.divf %logistic3A_432, %logistic3A_433 : vector<64x32xf32>
      %get3A_435 = arith.constant 5 : index
      %get3A_436 = arith.constant 0 : index
      %get3A_437 = vector.load %arg12[%get3A_435, %get3A_436] : memref<24x32xf32, #tpu.memory_space<vmem>>, vector<1x32xf32>
      %mul3A_438 = vector.broadcast %get3A_437 : vector<1x32xf32> to vector<64x32xf32>
      %mul3A_439 = arith.mulf %logistic3A_423, %mul3A_438 : vector<64x32xf32>
      %add3A_440 = arith.addf %add3A_412, %mul3A_439 : vector<64x32xf32>
      %tanh3A_441 = math.tanh %add3A_440 : vector<64x32xf32>
      %sub3A_442 = arith.constant 1.000000e+00 : f32
      %sub3A_443 = vector.broadcast %sub3A_442 : f32 to vector<64x32xf32>
      %sub3A_444 = arith.subf %sub3A_443, %logistic3A_434 : vector<64x32xf32>
      %mul3A_445 = arith.mulf %sub3A_444, %tanh3A_441 : vector<64x32xf32>
      %concatenate3A_446 = tpu.concatenate %mul3A_376, %mul3A_445 in 1 : vector<64x32xf32>, vector<64x32xf32> -> vector<64x64xf32>
      %get3A_447 = arith.constant 1 : index
      %get3A_448 = arith.constant 0 : index
      %get3A_449 = arith.constant 0 : index
      %get3A_450 = vector.load %arg3[%get3A_447, %get3A_448, %get3A_449] : memref<4x64x64xf32, #tpu.memory_space<vmem>>, vector<1x64x64xf32>
      %get3A_451 = vector.shape_cast %get3A_450 : vector<1x64x64xf32> to vector<64x64xf32>
      %get3A_452 = arith.constant 6 : index
      %get3A_453 = arith.constant 0 : index
      %get3A_454 = arith.constant 0 : index
      %get3A_455 = vector.load %arg4[%get3A_452, %get3A_453, %get3A_454] : memref<24x32x64xf32, #tpu.memory_space<vmem>>, vector<1x32x64xf32>
      %get3A_456 = vector.shape_cast %get3A_455 : vector<1x32x64xf32> to vector<32x64xf32>
      %dot_general3A_457 = arith.constant dense<0.000000e+00> : vector<64x32xf32>
      %dot_general3A_458 = tpu.matmul %get3A_451, %get3A_456, %dot_general3A_457 {dimension_numbers = #tpu.dot_dimension_numbers<[1], [1], [0], [0], [0, 0, 1, 0], [], []>, transpose_lhs_hint = false} : vector<64x64xf32>, vector<32x64xf32>, vector<64x32xf32> -> vector<64x32xf32>
      %get3A_459 = arith.constant 6 : index
      %get3A_460 = arith.constant 0 : index
      %get3A_461 = vector.load %arg7[%get3A_459, %get3A_460] : memref<24x32xf32, #tpu.memory_space<vmem>>, vector<1x32xf32>
      %add3A_462 = vector.broadcast %get3A_461 : vector<1x32xf32> to vector<64x32xf32>
      %add3A_463 = arith.addf %dot_general3A_458, %add3A_462 : vector<64x32xf32>
      %get3A_464 = arith.constant 6 : index
      %get3A_465 = arith.constant 0 : index
      %get3A_466 = arith.constant 0 : index
      %get3A_467 = vector.load %arg5[%get3A_464, %get3A_465, %get3A_466] : memref<24x32x64xf32, #tpu.memory_space<vmem>>, vector<1x32x64xf32>
      %get3A_468 = vector.shape_cast %get3A_467 : vector<1x32x64xf32> to vector<32x64xf32>
      %dot_general3A_469 = arith.constant dense<0.000000e+00> : vector<64x32xf32>
      %dot_general3A_470 = tpu.matmul %get3A_451, %get3A_468, %dot_general3A_469 {dimension_numbers = #tpu.dot_dimension_numbers<[1], [1], [0], [0], [0, 0, 1, 0], [], []>, transpose_lhs_hint = false} : vector<64x64xf32>, vector<32x64xf32>, vector<64x32xf32> -> vector<64x32xf32>
      %get3A_471 = arith.constant 6 : index
      %get3A_472 = arith.constant 0 : index
      %get3A_473 = vector.load %arg8[%get3A_471, %get3A_472] : memref<24x32xf32, #tpu.memory_space<vmem>>, vector<1x32xf32>
      %add3A_474 = vector.broadcast %get3A_473 : vector<1x32xf32> to vector<64x32xf32>
      %add3A_475 = arith.addf %dot_general3A_470, %add3A_474 : vector<64x32xf32>
      %get3A_476 = arith.constant 6 : index
      %get3A_477 = arith.constant 0 : index
      %get3A_478 = arith.constant 0 : index
      %get3A_479 = vector.load %arg6[%get3A_476, %get3A_477, %get3A_478] : memref<24x32x64xf32, #tpu.memory_space<vmem>>, vector<1x32x64xf32>
      %get3A_480 = vector.shape_cast %get3A_479 : vector<1x32x64xf32> to vector<32x64xf32>
      %dot_general3A_481 = arith.constant dense<0.000000e+00> : vector<64x32xf32>
      %dot_general3A_482 = tpu.matmul %get3A_451, %get3A_480, %dot_general3A_481 {dimension_numbers = #tpu.dot_dimension_numbers<[1], [1], [0], [0], [0, 0, 1, 0], [], []>, transpose_lhs_hint = false} : vector<64x64xf32>, vector<32x64xf32>, vector<64x32xf32> -> vector<64x32xf32>
      %get3A_483 = arith.constant 6 : index
      %get3A_484 = arith.constant 0 : index
      %get3A_485 = vector.load %arg9[%get3A_483, %get3A_484] : memref<24x32xf32, #tpu.memory_space<vmem>>, vector<1x32xf32>
      %add3A_486 = vector.broadcast %get3A_485 : vector<1x32xf32> to vector<64x32xf32>
      %add3A_487 = arith.addf %dot_general3A_482, %add3A_486 : vector<64x32xf32>
      %get3A_488 = arith.constant 6 : index
      %get3A_489 = arith.constant 0 : index
      %get3A_490 = vector.load %arg10[%get3A_488, %get3A_489] : memref<24x32xf32, #tpu.memory_space<vmem>>, vector<1x32xf32>
      %add3A_491 = vector.broadcast %get3A_490 : vector<1x32xf32> to vector<64x32xf32>
      %add3A_492 = arith.addf %add3A_463, %add3A_491 : vector<64x32xf32>
      %logistic3A_493 = arith.negf %add3A_492 : vector<64x32xf32>
      %logistic3A_494 = math.exp %logistic3A_493 : vector<64x32xf32>
      %logistic3A_495 = arith.constant 1.000000e+00 : f32
      %logistic3A_496 = vector.broadcast %logistic3A_495 : f32 to vector<64x32xf32>
      %logistic3A_497 = arith.addf %logistic3A_496, %logistic3A_494 : vector<64x32xf32>
      %logistic3A_498 = arith.divf %logistic3A_496, %logistic3A_497 : vector<64x32xf32>
      %get3A_499 = arith.constant 6 : index
      %get3A_500 = arith.constant 0 : index
      %get3A_501 = vector.load %arg11[%get3A_499, %get3A_500] : memref<24x32xf32, #tpu.memory_space<vmem>>, vector<1x32xf32>
      %add3A_502 = vector.broadcast %get3A_501 : vector<1x32xf32> to vector<64x32xf32>
      %add3A_503 = arith.addf %add3A_475, %add3A_502 : vector<64x32xf32>
      %logistic3A_504 = arith.negf %add3A_503 : vector<64x32xf32>
      %logistic3A_505 = math.exp %logistic3A_504 : vector<64x32xf32>
      %logistic3A_506 = arith.constant 1.000000e+00 : f32
      %logistic3A_507 = vector.broadcast %logistic3A_506 : f32 to vector<64x32xf32>
      %logistic3A_508 = arith.addf %logistic3A_507, %logistic3A_505 : vector<64x32xf32>
      %logistic3A_509 = arith.divf %logistic3A_507, %logistic3A_508 : vector<64x32xf32>
      %get3A_510 = arith.constant 6 : index
      %get3A_511 = arith.constant 0 : index
      %get3A_512 = vector.load %arg12[%get3A_510, %get3A_511] : memref<24x32xf32, #tpu.memory_space<vmem>>, vector<1x32xf32>
      %mul3A_513 = vector.broadcast %get3A_512 : vector<1x32xf32> to vector<64x32xf32>
      %mul3A_514 = arith.mulf %logistic3A_498, %mul3A_513 : vector<64x32xf32>
      %add3A_515 = arith.addf %add3A_487, %mul3A_514 : vector<64x32xf32>
      %tanh3A_516 = math.tanh %add3A_515 : vector<64x32xf32>
      %sub3A_517 = arith.constant 1.000000e+00 : f32
      %sub3A_518 = vector.broadcast %sub3A_517 : f32 to vector<64x32xf32>
      %sub3A_519 = arith.subf %sub3A_518, %logistic3A_509 : vector<64x32xf32>
      %mul3A_520 = arith.mulf %sub3A_519, %tanh3A_516 : vector<64x32xf32>
      %get3A_521 = arith.constant 7 : index
      %get3A_522 = arith.constant 0 : index
      %get3A_523 = arith.constant 0 : index
      %get3A_524 = vector.load %arg4[%get3A_521, %get3A_522, %get3A_523] : memref<24x32x64xf32, #tpu.memory_space<vmem>>, vector<1x32x64xf32>
      %get3A_525 = vector.shape_cast %get3A_524 : vector<1x32x64xf32> to vector<32x64xf32>
      %dot_general3A_526 = arith.constant dense<0.000000e+00> : vector<64x32xf32>
      %dot_general3A_527 = tpu.matmul %get3A_451, %get3A_525, %dot_general3A_526 {dimension_numbers = #tpu.dot_dimension_numbers<[1], [1], [0], [0], [0, 0, 1, 0], [], []>, transpose_lhs_hint = false} : vector<64x64xf32>, vector<32x64xf32>, vector<64x32xf32> -> vector<64x32xf32>
      %get3A_528 = arith.constant 7 : index
      %get3A_529 = arith.constant 0 : index
      %get3A_530 = vector.load %arg7[%get3A_528, %get3A_529] : memref<24x32xf32, #tpu.memory_space<vmem>>, vector<1x32xf32>
      %add3A_531 = vector.broadcast %get3A_530 : vector<1x32xf32> to vector<64x32xf32>
      %add3A_532 = arith.addf %dot_general3A_527, %add3A_531 : vector<64x32xf32>
      %get3A_533 = arith.constant 7 : index
      %get3A_534 = arith.constant 0 : index
      %get3A_535 = arith.constant 0 : index
      %get3A_536 = vector.load %arg5[%get3A_533, %get3A_534, %get3A_535] : memref<24x32x64xf32, #tpu.memory_space<vmem>>, vector<1x32x64xf32>
      %get3A_537 = vector.shape_cast %get3A_536 : vector<1x32x64xf32> to vector<32x64xf32>
      %dot_general3A_538 = arith.constant dense<0.000000e+00> : vector<64x32xf32>
      %dot_general3A_539 = tpu.matmul %get3A_451, %get3A_537, %dot_general3A_538 {dimension_numbers = #tpu.dot_dimension_numbers<[1], [1], [0], [0], [0, 0, 1, 0], [], []>, transpose_lhs_hint = false} : vector<64x64xf32>, vector<32x64xf32>, vector<64x32xf32> -> vector<64x32xf32>
      %get3A_540 = arith.constant 7 : index
      %get3A_541 = arith.constant 0 : index
      %get3A_542 = vector.load %arg8[%get3A_540, %get3A_541] : memref<24x32xf32, #tpu.memory_space<vmem>>, vector<1x32xf32>
      %add3A_543 = vector.broadcast %get3A_542 : vector<1x32xf32> to vector<64x32xf32>
      %add3A_544 = arith.addf %dot_general3A_539, %add3A_543 : vector<64x32xf32>
      %get3A_545 = arith.constant 7 : index
      %get3A_546 = arith.constant 0 : index
      %get3A_547 = arith.constant 0 : index
      %get3A_548 = vector.load %arg6[%get3A_545, %get3A_546, %get3A_547] : memref<24x32x64xf32, #tpu.memory_space<vmem>>, vector<1x32x64xf32>
      %get3A_549 = vector.shape_cast %get3A_548 : vector<1x32x64xf32> to vector<32x64xf32>
      %dot_general3A_550 = arith.constant dense<0.000000e+00> : vector<64x32xf32>
      %dot_general3A_551 = tpu.matmul %get3A_451, %get3A_549, %dot_general3A_550 {dimension_numbers = #tpu.dot_dimension_numbers<[1], [1], [0], [0], [0, 0, 1, 0], [], []>, transpose_lhs_hint = false} : vector<64x64xf32>, vector<32x64xf32>, vector<64x32xf32> -> vector<64x32xf32>
      %get3A_552 = arith.constant 7 : index
      %get3A_553 = arith.constant 0 : index
      %get3A_554 = vector.load %arg9[%get3A_552, %get3A_553] : memref<24x32xf32, #tpu.memory_space<vmem>>, vector<1x32xf32>
      %add3A_555 = vector.broadcast %get3A_554 : vector<1x32xf32> to vector<64x32xf32>
      %add3A_556 = arith.addf %dot_general3A_551, %add3A_555 : vector<64x32xf32>
      %get3A_557 = arith.constant 7 : index
      %get3A_558 = arith.constant 0 : index
      %get3A_559 = vector.load %arg10[%get3A_557, %get3A_558] : memref<24x32xf32, #tpu.memory_space<vmem>>, vector<1x32xf32>
      %add3A_560 = vector.broadcast %get3A_559 : vector<1x32xf32> to vector<64x32xf32>
      %add3A_561 = arith.addf %add3A_532, %add3A_560 : vector<64x32xf32>
      %logistic3A_562 = arith.negf %add3A_561 : vector<64x32xf32>
      %logistic3A_563 = math.exp %logistic3A_562 : vector<64x32xf32>
      %logistic3A_564 = arith.constant 1.000000e+00 : f32
      %logistic3A_565 = vector.broadcast %logistic3A_564 : f32 to vector<64x32xf32>
      %logistic3A_566 = arith.addf %logistic3A_565, %logistic3A_563 : vector<64x32xf32>
      %logistic3A_567 = arith.divf %logistic3A_565, %logistic3A_566 : vector<64x32xf32>
      %get3A_568 = arith.constant 7 : index
      %get3A_569 = arith.constant 0 : index
      %get3A_570 = vector.load %arg11[%get3A_568, %get3A_569] : memref<24x32xf32, #tpu.memory_space<vmem>>, vector<1x32xf32>
      %add3A_571 = vector.broadcast %get3A_570 : vector<1x32xf32> to vector<64x32xf32>
      %add3A_572 = arith.addf %add3A_544, %add3A_571 : vector<64x32xf32>
      %logistic3A_573 = arith.negf %add3A_572 : vector<64x32xf32>
      %logistic3A_574 = math.exp %logistic3A_573 : vector<64x32xf32>
      %logistic3A_575 = arith.constant 1.000000e+00 : f32
      %logistic3A_576 = vector.broadcast %logistic3A_575 : f32 to vector<64x32xf32>
      %logistic3A_577 = arith.addf %logistic3A_576, %logistic3A_574 : vector<64x32xf32>
      %logistic3A_578 = arith.divf %logistic3A_576, %logistic3A_577 : vector<64x32xf32>
      %get3A_579 = arith.constant 7 : index
      %get3A_580 = arith.constant 0 : index
      %get3A_581 = vector.load %arg12[%get3A_579, %get3A_580] : memref<24x32xf32, #tpu.memory_space<vmem>>, vector<1x32xf32>
      %mul3A_582 = vector.broadcast %get3A_581 : vector<1x32xf32> to vector<64x32xf32>
      %mul3A_583 = arith.mulf %logistic3A_567, %mul3A_582 : vector<64x32xf32>
      %add3A_584 = arith.addf %add3A_556, %mul3A_583 : vector<64x32xf32>
      %tanh3A_585 = math.tanh %add3A_584 : vector<64x32xf32>
      %sub3A_586 = arith.constant 1.000000e+00 : f32
      %sub3A_587 = vector.broadcast %sub3A_586 : f32 to vector<64x32xf32>
      %sub3A_588 = arith.subf %sub3A_587, %logistic3A_578 : vector<64x32xf32>
      %mul3A_589 = arith.mulf %sub3A_588, %tanh3A_585 : vector<64x32xf32>
      %concatenate3A_590 = tpu.concatenate %mul3A_520, %mul3A_589 in 1 : vector<64x32xf32>, vector<64x32xf32> -> vector<64x64xf32>
      %get3A_591 = arith.constant 8 : index
      %get3A_592 = arith.constant 0 : index
      %get3A_593 = arith.constant 0 : index
      %get3A_594 = vector.load %arg4[%get3A_591, %get3A_592, %get3A_593] : memref<24x32x64xf32, #tpu.memory_space<vmem>>, vector<1x32x64xf32>
      %get3A_595 = vector.shape_cast %get3A_594 : vector<1x32x64xf32> to vector<32x64xf32>
      %dot_general3A_596 = arith.constant dense<0.000000e+00> : vector<64x32xf32>
      %dot_general3A_597 = tpu.matmul %concatenate3A_590, %get3A_595, %dot_general3A_596 {dimension_numbers = #tpu.dot_dimension_numbers<[1], [1], [0], [0], [0, 0, 1, 0], [], []>, transpose_lhs_hint = false} : vector<64x64xf32>, vector<32x64xf32>, vector<64x32xf32> -> vector<64x32xf32>
      %get3A_598 = arith.constant 8 : index
      %get3A_599 = arith.constant 0 : index
      %get3A_600 = vector.load %arg7[%get3A_598, %get3A_599] : memref<24x32xf32, #tpu.memory_space<vmem>>, vector<1x32xf32>
      %add3A_601 = vector.broadcast %get3A_600 : vector<1x32xf32> to vector<64x32xf32>
      %add3A_602 = arith.addf %dot_general3A_597, %add3A_601 : vector<64x32xf32>
      %get3A_603 = arith.constant 8 : index
      %get3A_604 = arith.constant 0 : index
      %get3A_605 = arith.constant 0 : index
      %get3A_606 = vector.load %arg5[%get3A_603, %get3A_604, %get3A_605] : memref<24x32x64xf32, #tpu.memory_space<vmem>>, vector<1x32x64xf32>
      %get3A_607 = vector.shape_cast %get3A_606 : vector<1x32x64xf32> to vector<32x64xf32>
      %dot_general3A_608 = arith.constant dense<0.000000e+00> : vector<64x32xf32>
      %dot_general3A_609 = tpu.matmul %concatenate3A_590, %get3A_607, %dot_general3A_608 {dimension_numbers = #tpu.dot_dimension_numbers<[1], [1], [0], [0], [0, 0, 1, 0], [], []>, transpose_lhs_hint = false} : vector<64x64xf32>, vector<32x64xf32>, vector<64x32xf32> -> vector<64x32xf32>
      %get3A_610 = arith.constant 8 : index
      %get3A_611 = arith.constant 0 : index
      %get3A_612 = vector.load %arg8[%get3A_610, %get3A_611] : memref<24x32xf32, #tpu.memory_space<vmem>>, vector<1x32xf32>
      %add3A_613 = vector.broadcast %get3A_612 : vector<1x32xf32> to vector<64x32xf32>
      %add3A_614 = arith.addf %dot_general3A_609, %add3A_613 : vector<64x32xf32>
      %get3A_615 = arith.constant 8 : index
      %get3A_616 = arith.constant 0 : index
      %get3A_617 = arith.constant 0 : index
      %get3A_618 = vector.load %arg6[%get3A_615, %get3A_616, %get3A_617] : memref<24x32x64xf32, #tpu.memory_space<vmem>>, vector<1x32x64xf32>
      %get3A_619 = vector.shape_cast %get3A_618 : vector<1x32x64xf32> to vector<32x64xf32>
      %dot_general3A_620 = arith.constant dense<0.000000e+00> : vector<64x32xf32>
      %dot_general3A_621 = tpu.matmul %concatenate3A_590, %get3A_619, %dot_general3A_620 {dimension_numbers = #tpu.dot_dimension_numbers<[1], [1], [0], [0], [0, 0, 1, 0], [], []>, transpose_lhs_hint = false} : vector<64x64xf32>, vector<32x64xf32>, vector<64x32xf32> -> vector<64x32xf32>
      %get3A_622 = arith.constant 8 : index
      %get3A_623 = arith.constant 0 : index
      %get3A_624 = vector.load %arg9[%get3A_622, %get3A_623] : memref<24x32xf32, #tpu.memory_space<vmem>>, vector<1x32xf32>
      %add3A_625 = vector.broadcast %get3A_624 : vector<1x32xf32> to vector<64x32xf32>
      %add3A_626 = arith.addf %dot_general3A_621, %add3A_625 : vector<64x32xf32>
      %get3A_627 = arith.constant 8 : index
      %get3A_628 = arith.constant 0 : index
      %get3A_629 = vector.load %arg10[%get3A_627, %get3A_628] : memref<24x32xf32, #tpu.memory_space<vmem>>, vector<1x32xf32>
      %add3A_630 = vector.broadcast %get3A_629 : vector<1x32xf32> to vector<64x32xf32>
      %add3A_631 = arith.addf %add3A_602, %add3A_630 : vector<64x32xf32>
      %logistic3A_632 = arith.negf %add3A_631 : vector<64x32xf32>
      %logistic3A_633 = math.exp %logistic3A_632 : vector<64x32xf32>
      %logistic3A_634 = arith.constant 1.000000e+00 : f32
      %logistic3A_635 = vector.broadcast %logistic3A_634 : f32 to vector<64x32xf32>
      %logistic3A_636 = arith.addf %logistic3A_635, %logistic3A_633 : vector<64x32xf32>
      %logistic3A_637 = arith.divf %logistic3A_635, %logistic3A_636 : vector<64x32xf32>
      %get3A_638 = arith.constant 8 : index
      %get3A_639 = arith.constant 0 : index
      %get3A_640 = vector.load %arg11[%get3A_638, %get3A_639] : memref<24x32xf32, #tpu.memory_space<vmem>>, vector<1x32xf32>
      %add3A_641 = vector.broadcast %get3A_640 : vector<1x32xf32> to vector<64x32xf32>
      %add3A_642 = arith.addf %add3A_614, %add3A_641 : vector<64x32xf32>
      %logistic3A_643 = arith.negf %add3A_642 : vector<64x32xf32>
      %logistic3A_644 = math.exp %logistic3A_643 : vector<64x32xf32>
      %logistic3A_645 = arith.constant 1.000000e+00 : f32
      %logistic3A_646 = vector.broadcast %logistic3A_645 : f32 to vector<64x32xf32>
      %logistic3A_647 = arith.addf %logistic3A_646, %logistic3A_644 : vector<64x32xf32>
      %logistic3A_648 = arith.divf %logistic3A_646, %logistic3A_647 : vector<64x32xf32>
      %get3A_649 = arith.constant 8 : index
      %get3A_650 = arith.constant 0 : index
      %get3A_651 = vector.load %arg12[%get3A_649, %get3A_650] : memref<24x32xf32, #tpu.memory_space<vmem>>, vector<1x32xf32>
      %mul3A_652 = vector.broadcast %get3A_651 : vector<1x32xf32> to vector<64x32xf32>
      %mul3A_653 = arith.mulf %logistic3A_637, %mul3A_652 : vector<64x32xf32>
      %add3A_654 = arith.addf %add3A_626, %mul3A_653 : vector<64x32xf32>
      %tanh3A_655 = math.tanh %add3A_654 : vector<64x32xf32>
      %sub3A_656 = arith.constant 1.000000e+00 : f32
      %sub3A_657 = vector.broadcast %sub3A_656 : f32 to vector<64x32xf32>
      %sub3A_658 = arith.subf %sub3A_657, %logistic3A_648 : vector<64x32xf32>
      %mul3A_659 = arith.mulf %sub3A_658, %tanh3A_655 : vector<64x32xf32>
      %get3A_660 = arith.constant 9 : index
      %get3A_661 = arith.constant 0 : index
      %get3A_662 = arith.constant 0 : index
      %get3A_663 = vector.load %arg4[%get3A_660, %get3A_661, %get3A_662] : memref<24x32x64xf32, #tpu.memory_space<vmem>>, vector<1x32x64xf32>
      %get3A_664 = vector.shape_cast %get3A_663 : vector<1x32x64xf32> to vector<32x64xf32>
      %dot_general3A_665 = arith.constant dense<0.000000e+00> : vector<64x32xf32>
      %dot_general3A_666 = tpu.matmul %concatenate3A_590, %get3A_664, %dot_general3A_665 {dimension_numbers = #tpu.dot_dimension_numbers<[1], [1], [0], [0], [0, 0, 1, 0], [], []>, transpose_lhs_hint = false} : vector<64x64xf32>, vector<32x64xf32>, vector<64x32xf32> -> vector<64x32xf32>
      %get3A_667 = arith.constant 9 : index
      %get3A_668 = arith.constant 0 : index
      %get3A_669 = vector.load %arg7[%get3A_667, %get3A_668] : memref<24x32xf32, #tpu.memory_space<vmem>>, vector<1x32xf32>
      %add3A_670 = vector.broadcast %get3A_669 : vector<1x32xf32> to vector<64x32xf32>
      %add3A_671 = arith.addf %dot_general3A_666, %add3A_670 : vector<64x32xf32>
      %get3A_672 = arith.constant 9 : index
      %get3A_673 = arith.constant 0 : index
      %get3A_674 = arith.constant 0 : index
      %get3A_675 = vector.load %arg5[%get3A_672, %get3A_673, %get3A_674] : memref<24x32x64xf32, #tpu.memory_space<vmem>>, vector<1x32x64xf32>
      %get3A_676 = vector.shape_cast %get3A_675 : vector<1x32x64xf32> to vector<32x64xf32>
      %dot_general3A_677 = arith.constant dense<0.000000e+00> : vector<64x32xf32>
      %dot_general3A_678 = tpu.matmul %concatenate3A_590, %get3A_676, %dot_general3A_677 {dimension_numbers = #tpu.dot_dimension_numbers<[1], [1], [0], [0], [0, 0, 1, 0], [], []>, transpose_lhs_hint = false} : vector<64x64xf32>, vector<32x64xf32>, vector<64x32xf32> -> vector<64x32xf32>
      %get3A_679 = arith.constant 9 : index
      %get3A_680 = arith.constant 0 : index
      %get3A_681 = vector.load %arg8[%get3A_679, %get3A_680] : memref<24x32xf32, #tpu.memory_space<vmem>>, vector<1x32xf32>
      %add3A_682 = vector.broadcast %get3A_681 : vector<1x32xf32> to vector<64x32xf32>
      %add3A_683 = arith.addf %dot_general3A_678, %add3A_682 : vector<64x32xf32>
      %get3A_684 = arith.constant 9 : index
      %get3A_685 = arith.constant 0 : index
      %get3A_686 = arith.constant 0 : index
      %get3A_687 = vector.load %arg6[%get3A_684, %get3A_685, %get3A_686] : memref<24x32x64xf32, #tpu.memory_space<vmem>>, vector<1x32x64xf32>
      %get3A_688 = vector.shape_cast %get3A_687 : vector<1x32x64xf32> to vector<32x64xf32>
      %dot_general3A_689 = arith.constant dense<0.000000e+00> : vector<64x32xf32>
      %dot_general3A_690 = tpu.matmul %concatenate3A_590, %get3A_688, %dot_general3A_689 {dimension_numbers = #tpu.dot_dimension_numbers<[1], [1], [0], [0], [0, 0, 1, 0], [], []>, transpose_lhs_hint = false} : vector<64x64xf32>, vector<32x64xf32>, vector<64x32xf32> -> vector<64x32xf32>
      %get3A_691 = arith.constant 9 : index
      %get3A_692 = arith.constant 0 : index
      %get3A_693 = vector.load %arg9[%get3A_691, %get3A_692] : memref<24x32xf32, #tpu.memory_space<vmem>>, vector<1x32xf32>
      %add3A_694 = vector.broadcast %get3A_693 : vector<1x32xf32> to vector<64x32xf32>
      %add3A_695 = arith.addf %dot_general3A_690, %add3A_694 : vector<64x32xf32>
      %get3A_696 = arith.constant 9 : index
      %get3A_697 = arith.constant 0 : index
      %get3A_698 = vector.load %arg10[%get3A_696, %get3A_697] : memref<24x32xf32, #tpu.memory_space<vmem>>, vector<1x32xf32>
      %add3A_699 = vector.broadcast %get3A_698 : vector<1x32xf32> to vector<64x32xf32>
      %add3A_700 = arith.addf %add3A_671, %add3A_699 : vector<64x32xf32>
      %logistic3A_701 = arith.negf %add3A_700 : vector<64x32xf32>
      %logistic3A_702 = math.exp %logistic3A_701 : vector<64x32xf32>
      %logistic3A_703 = arith.constant 1.000000e+00 : f32
      %logistic3A_704 = vector.broadcast %logistic3A_703 : f32 to vector<64x32xf32>
      %logistic3A_705 = arith.addf %logistic3A_704, %logistic3A_702 : vector<64x32xf32>
      %logistic3A_706 = arith.divf %logistic3A_704, %logistic3A_705 : vector<64x32xf32>
      %get3A_707 = arith.constant 9 : index
      %get3A_708 = arith.constant 0 : index
      %get3A_709 = vector.load %arg11[%get3A_707, %get3A_708] : memref<24x32xf32, #tpu.memory_space<vmem>>, vector<1x32xf32>
      %add3A_710 = vector.broadcast %get3A_709 : vector<1x32xf32> to vector<64x32xf32>
      %add3A_711 = arith.addf %add3A_683, %add3A_710 : vector<64x32xf32>
      %logistic3A_712 = arith.negf %add3A_711 : vector<64x32xf32>
      %logistic3A_713 = math.exp %logistic3A_712 : vector<64x32xf32>
      %logistic3A_714 = arith.constant 1.000000e+00 : f32
      %logistic3A_715 = vector.broadcast %logistic3A_714 : f32 to vector<64x32xf32>
      %logistic3A_716 = arith.addf %logistic3A_715, %logistic3A_713 : vector<64x32xf32>
      %logistic3A_717 = arith.divf %logistic3A_715, %logistic3A_716 : vector<64x32xf32>
      %get3A_718 = arith.constant 9 : index
      %get3A_719 = arith.constant 0 : index
      %get3A_720 = vector.load %arg12[%get3A_718, %get3A_719] : memref<24x32xf32, #tpu.memory_space<vmem>>, vector<1x32xf32>
      %mul3A_721 = vector.broadcast %get3A_720 : vector<1x32xf32> to vector<64x32xf32>
      %mul3A_722 = arith.mulf %logistic3A_706, %mul3A_721 : vector<64x32xf32>
      %add3A_723 = arith.addf %add3A_695, %mul3A_722 : vector<64x32xf32>
      %tanh3A_724 = math.tanh %add3A_723 : vector<64x32xf32>
      %sub3A_725 = arith.constant 1.000000e+00 : f32
      %sub3A_726 = vector.broadcast %sub3A_725 : f32 to vector<64x32xf32>
      %sub3A_727 = arith.subf %sub3A_726, %logistic3A_717 : vector<64x32xf32>
      %mul3A_728 = arith.mulf %sub3A_727, %tanh3A_724 : vector<64x32xf32>
      %concatenate3A_729 = tpu.concatenate %mul3A_659, %mul3A_728 in 1 : vector<64x32xf32>, vector<64x32xf32> -> vector<64x64xf32>
      %get3A_730 = arith.constant 10 : index
      %get3A_731 = arith.constant 0 : index
      %get3A_732 = arith.constant 0 : index
      %get3A_733 = vector.load %arg4[%get3A_730, %get3A_731, %get3A_732] : memref<24x32x64xf32, #tpu.memory_space<vmem>>, vector<1x32x64xf32>
      %get3A_734 = vector.shape_cast %get3A_733 : vector<1x32x64xf32> to vector<32x64xf32>
      %dot_general3A_735 = arith.constant dense<0.000000e+00> : vector<64x32xf32>
      %dot_general3A_736 = tpu.matmul %concatenate3A_729, %get3A_734, %dot_general3A_735 {dimension_numbers = #tpu.dot_dimension_numbers<[1], [1], [0], [0], [0, 0, 1, 0], [], []>, transpose_lhs_hint = false} : vector<64x64xf32>, vector<32x64xf32>, vector<64x32xf32> -> vector<64x32xf32>
      %get3A_737 = arith.constant 10 : index
      %get3A_738 = arith.constant 0 : index
      %get3A_739 = vector.load %arg7[%get3A_737, %get3A_738] : memref<24x32xf32, #tpu.memory_space<vmem>>, vector<1x32xf32>
      %add3A_740 = vector.broadcast %get3A_739 : vector<1x32xf32> to vector<64x32xf32>
      %add3A_741 = arith.addf %dot_general3A_736, %add3A_740 : vector<64x32xf32>
      %get3A_742 = arith.constant 10 : index
      %get3A_743 = arith.constant 0 : index
      %get3A_744 = arith.constant 0 : index
      %get3A_745 = vector.load %arg5[%get3A_742, %get3A_743, %get3A_744] : memref<24x32x64xf32, #tpu.memory_space<vmem>>, vector<1x32x64xf32>
      %get3A_746 = vector.shape_cast %get3A_745 : vector<1x32x64xf32> to vector<32x64xf32>
      %dot_general3A_747 = arith.constant dense<0.000000e+00> : vector<64x32xf32>
      %dot_general3A_748 = tpu.matmul %concatenate3A_729, %get3A_746, %dot_general3A_747 {dimension_numbers = #tpu.dot_dimension_numbers<[1], [1], [0], [0], [0, 0, 1, 0], [], []>, transpose_lhs_hint = false} : vector<64x64xf32>, vector<32x64xf32>, vector<64x32xf32> -> vector<64x32xf32>
      %get3A_749 = arith.constant 10 : index
      %get3A_750 = arith.constant 0 : index
      %get3A_751 = vector.load %arg8[%get3A_749, %get3A_750] : memref<24x32xf32, #tpu.memory_space<vmem>>, vector<1x32xf32>
      %add3A_752 = vector.broadcast %get3A_751 : vector<1x32xf32> to vector<64x32xf32>
      %add3A_753 = arith.addf %dot_general3A_748, %add3A_752 : vector<64x32xf32>
      %get3A_754 = arith.constant 10 : index
      %get3A_755 = arith.constant 0 : index
      %get3A_756 = arith.constant 0 : index
      %get3A_757 = vector.load %arg6[%get3A_754, %get3A_755, %get3A_756] : memref<24x32x64xf32, #tpu.memory_space<vmem>>, vector<1x32x64xf32>
      %get3A_758 = vector.shape_cast %get3A_757 : vector<1x32x64xf32> to vector<32x64xf32>
      %dot_general3A_759 = arith.constant dense<0.000000e+00> : vector<64x32xf32>
      %dot_general3A_760 = tpu.matmul %concatenate3A_729, %get3A_758, %dot_general3A_759 {dimension_numbers = #tpu.dot_dimension_numbers<[1], [1], [0], [0], [0, 0, 1, 0], [], []>, transpose_lhs_hint = false} : vector<64x64xf32>, vector<32x64xf32>, vector<64x32xf32> -> vector<64x32xf32>
      %get3A_761 = arith.constant 10 : index
      %get3A_762 = arith.constant 0 : index
      %get3A_763 = vector.load %arg9[%get3A_761, %get3A_762] : memref<24x32xf32, #tpu.memory_space<vmem>>, vector<1x32xf32>
      %add3A_764 = vector.broadcast %get3A_763 : vector<1x32xf32> to vector<64x32xf32>
      %add3A_765 = arith.addf %dot_general3A_760, %add3A_764 : vector<64x32xf32>
      %get3A_766 = arith.constant 10 : index
      %get3A_767 = arith.constant 0 : index
      %get3A_768 = vector.load %arg10[%get3A_766, %get3A_767] : memref<24x32xf32, #tpu.memory_space<vmem>>, vector<1x32xf32>
      %add3A_769 = vector.broadcast %get3A_768 : vector<1x32xf32> to vector<64x32xf32>
      %add3A_770 = arith.addf %add3A_741, %add3A_769 : vector<64x32xf32>
      %logistic3A_771 = arith.negf %add3A_770 : vector<64x32xf32>
      %logistic3A_772 = math.exp %logistic3A_771 : vector<64x32xf32>
      %logistic3A_773 = arith.constant 1.000000e+00 : f32
      %logistic3A_774 = vector.broadcast %logistic3A_773 : f32 to vector<64x32xf32>
      %logistic3A_775 = arith.addf %logistic3A_774, %logistic3A_772 : vector<64x32xf32>
      %logistic3A_776 = arith.divf %logistic3A_774, %logistic3A_775 : vector<64x32xf32>
      %get3A_777 = arith.constant 10 : index
      %get3A_778 = arith.constant 0 : index
      %get3A_779 = vector.load %arg11[%get3A_777, %get3A_778] : memref<24x32xf32, #tpu.memory_space<vmem>>, vector<1x32xf32>
      %add3A_780 = vector.broadcast %get3A_779 : vector<1x32xf32> to vector<64x32xf32>
      %add3A_781 = arith.addf %add3A_753, %add3A_780 : vector<64x32xf32>
      %logistic3A_782 = arith.negf %add3A_781 : vector<64x32xf32>
      %logistic3A_783 = math.exp %logistic3A_782 : vector<64x32xf32>
      %logistic3A_784 = arith.constant 1.000000e+00 : f32
      %logistic3A_785 = vector.broadcast %logistic3A_784 : f32 to vector<64x32xf32>
      %logistic3A_786 = arith.addf %logistic3A_785, %logistic3A_783 : vector<64x32xf32>
      %logistic3A_787 = arith.divf %logistic3A_785, %logistic3A_786 : vector<64x32xf32>
      %get3A_788 = arith.constant 10 : index
      %get3A_789 = arith.constant 0 : index
      %get3A_790 = vector.load %arg12[%get3A_788, %get3A_789] : memref<24x32xf32, #tpu.memory_space<vmem>>, vector<1x32xf32>
      %mul3A_791 = vector.broadcast %get3A_790 : vector<1x32xf32> to vector<64x32xf32>
      %mul3A_792 = arith.mulf %logistic3A_776, %mul3A_791 : vector<64x32xf32>
      %add3A_793 = arith.addf %add3A_765, %mul3A_792 : vector<64x32xf32>
      %tanh3A_794 = math.tanh %add3A_793 : vector<64x32xf32>
      %sub3A_795 = arith.constant 1.000000e+00 : f32
      %sub3A_796 = vector.broadcast %sub3A_795 : f32 to vector<64x32xf32>
      %sub3A_797 = arith.subf %sub3A_796, %logistic3A_787 : vector<64x32xf32>
      %mul3A_798 = arith.mulf %sub3A_797, %tanh3A_794 : vector<64x32xf32>
      %get3A_799 = arith.constant 11 : index
      %get3A_800 = arith.constant 0 : index
      %get3A_801 = arith.constant 0 : index
      %get3A_802 = vector.load %arg4[%get3A_799, %get3A_800, %get3A_801] : memref<24x32x64xf32, #tpu.memory_space<vmem>>, vector<1x32x64xf32>
      %get3A_803 = vector.shape_cast %get3A_802 : vector<1x32x64xf32> to vector<32x64xf32>
      %dot_general3A_804 = arith.constant dense<0.000000e+00> : vector<64x32xf32>
      %dot_general3A_805 = tpu.matmul %concatenate3A_729, %get3A_803, %dot_general3A_804 {dimension_numbers = #tpu.dot_dimension_numbers<[1], [1], [0], [0], [0, 0, 1, 0], [], []>, transpose_lhs_hint = false} : vector<64x64xf32>, vector<32x64xf32>, vector<64x32xf32> -> vector<64x32xf32>
      %get3A_806 = arith.constant 11 : index
      %get3A_807 = arith.constant 0 : index
      %get3A_808 = vector.load %arg7[%get3A_806, %get3A_807] : memref<24x32xf32, #tpu.memory_space<vmem>>, vector<1x32xf32>
      %add3A_809 = vector.broadcast %get3A_808 : vector<1x32xf32> to vector<64x32xf32>
      %add3A_810 = arith.addf %dot_general3A_805, %add3A_809 : vector<64x32xf32>
      %get3A_811 = arith.constant 11 : index
      %get3A_812 = arith.constant 0 : index
      %get3A_813 = arith.constant 0 : index
      %get3A_814 = vector.load %arg5[%get3A_811, %get3A_812, %get3A_813] : memref<24x32x64xf32, #tpu.memory_space<vmem>>, vector<1x32x64xf32>
      %get3A_815 = vector.shape_cast %get3A_814 : vector<1x32x64xf32> to vector<32x64xf32>
      %dot_general3A_816 = arith.constant dense<0.000000e+00> : vector<64x32xf32>
      %dot_general3A_817 = tpu.matmul %concatenate3A_729, %get3A_815, %dot_general3A_816 {dimension_numbers = #tpu.dot_dimension_numbers<[1], [1], [0], [0], [0, 0, 1, 0], [], []>, transpose_lhs_hint = false} : vector<64x64xf32>, vector<32x64xf32>, vector<64x32xf32> -> vector<64x32xf32>
      %get3A_818 = arith.constant 11 : index
      %get3A_819 = arith.constant 0 : index
      %get3A_820 = vector.load %arg8[%get3A_818, %get3A_819] : memref<24x32xf32, #tpu.memory_space<vmem>>, vector<1x32xf32>
      %add3A_821 = vector.broadcast %get3A_820 : vector<1x32xf32> to vector<64x32xf32>
      %add3A_822 = arith.addf %dot_general3A_817, %add3A_821 : vector<64x32xf32>
      %get3A_823 = arith.constant 11 : index
      %get3A_824 = arith.constant 0 : index
      %get3A_825 = arith.constant 0 : index
      %get3A_826 = vector.load %arg6[%get3A_823, %get3A_824, %get3A_825] : memref<24x32x64xf32, #tpu.memory_space<vmem>>, vector<1x32x64xf32>
      %get3A_827 = vector.shape_cast %get3A_826 : vector<1x32x64xf32> to vector<32x64xf32>
      %dot_general3A_828 = arith.constant dense<0.000000e+00> : vector<64x32xf32>
      %dot_general3A_829 = tpu.matmul %concatenate3A_729, %get3A_827, %dot_general3A_828 {dimension_numbers = #tpu.dot_dimension_numbers<[1], [1], [0], [0], [0, 0, 1, 0], [], []>, transpose_lhs_hint = false} : vector<64x64xf32>, vector<32x64xf32>, vector<64x32xf32> -> vector<64x32xf32>
      %get3A_830 = arith.constant 11 : index
      %get3A_831 = arith.constant 0 : index
      %get3A_832 = vector.load %arg9[%get3A_830, %get3A_831] : memref<24x32xf32, #tpu.memory_space<vmem>>, vector<1x32xf32>
      %add3A_833 = vector.broadcast %get3A_832 : vector<1x32xf32> to vector<64x32xf32>
      %add3A_834 = arith.addf %dot_general3A_829, %add3A_833 : vector<64x32xf32>
      %get3A_835 = arith.constant 11 : index
      %get3A_836 = arith.constant 0 : index
      %get3A_837 = vector.load %arg10[%get3A_835, %get3A_836] : memref<24x32xf32, #tpu.memory_space<vmem>>, vector<1x32xf32>
      %add3A_838 = vector.broadcast %get3A_837 : vector<1x32xf32> to vector<64x32xf32>
      %add3A_839 = arith.addf %add3A_810, %add3A_838 : vector<64x32xf32>
      %logistic3A_840 = arith.negf %add3A_839 : vector<64x32xf32>
      %logistic3A_841 = math.exp %logistic3A_840 : vector<64x32xf32>
      %logistic3A_842 = arith.constant 1.000000e+00 : f32
      %logistic3A_843 = vector.broadcast %logistic3A_842 : f32 to vector<64x32xf32>
      %logistic3A_844 = arith.addf %logistic3A_843, %logistic3A_841 : vector<64x32xf32>
      %logistic3A_845 = arith.divf %logistic3A_843, %logistic3A_844 : vector<64x32xf32>
      %get3A_846 = arith.constant 11 : index
      %get3A_847 = arith.constant 0 : index
      %get3A_848 = vector.load %arg11[%get3A_846, %get3A_847] : memref<24x32xf32, #tpu.memory_space<vmem>>, vector<1x32xf32>
      %add3A_849 = vector.broadcast %get3A_848 : vector<1x32xf32> to vector<64x32xf32>
      %add3A_850 = arith.addf %add3A_822, %add3A_849 : vector<64x32xf32>
      %logistic3A_851 = arith.negf %add3A_850 : vector<64x32xf32>
      %logistic3A_852 = math.exp %logistic3A_851 : vector<64x32xf32>
      %logistic3A_853 = arith.constant 1.000000e+00 : f32
      %logistic3A_854 = vector.broadcast %logistic3A_853 : f32 to vector<64x32xf32>
      %logistic3A_855 = arith.addf %logistic3A_854, %logistic3A_852 : vector<64x32xf32>
      %logistic3A_856 = arith.divf %logistic3A_854, %logistic3A_855 : vector<64x32xf32>
      %get3A_857 = arith.constant 11 : index
      %get3A_858 = arith.constant 0 : index
      %get3A_859 = vector.load %arg12[%get3A_857, %get3A_858] : memref<24x32xf32, #tpu.memory_space<vmem>>, vector<1x32xf32>
      %mul3A_860 = vector.broadcast %get3A_859 : vector<1x32xf32> to vector<64x32xf32>
      %mul3A_861 = arith.mulf %logistic3A_845, %mul3A_860 : vector<64x32xf32>
      %add3A_862 = arith.addf %add3A_834, %mul3A_861 : vector<64x32xf32>
      %tanh3A_863 = math.tanh %add3A_862 : vector<64x32xf32>
      %sub3A_864 = arith.constant 1.000000e+00 : f32
      %sub3A_865 = vector.broadcast %sub3A_864 : f32 to vector<64x32xf32>
      %sub3A_866 = arith.subf %sub3A_865, %logistic3A_856 : vector<64x32xf32>
      %mul3A_867 = arith.mulf %sub3A_866, %tanh3A_863 : vector<64x32xf32>
      %concatenate3A_868 = tpu.concatenate %mul3A_798, %mul3A_867 in 1 : vector<64x32xf32>, vector<64x32xf32> -> vector<64x64xf32>
      %get3A_869 = arith.constant 2 : index
      %get3A_870 = arith.constant 0 : index
      %get3A_871 = arith.constant 0 : index
      %get3A_872 = vector.load %arg3[%get3A_869, %get3A_870, %get3A_871] : memref<4x64x64xf32, #tpu.memory_space<vmem>>, vector<1x64x64xf32>
      %get3A_873 = vector.shape_cast %get3A_872 : vector<1x64x64xf32> to vector<64x64xf32>
      %get3A_874 = arith.constant 12 : index
      %get3A_875 = arith.constant 0 : index
      %get3A_876 = arith.constant 0 : index
      %get3A_877 = vector.load %arg4[%get3A_874, %get3A_875, %get3A_876] : memref<24x32x64xf32, #tpu.memory_space<vmem>>, vector<1x32x64xf32>
      %get3A_878 = vector.shape_cast %get3A_877 : vector<1x32x64xf32> to vector<32x64xf32>
      %dot_general3A_879 = arith.constant dense<0.000000e+00> : vector<64x32xf32>
      %dot_general3A_880 = tpu.matmul %get3A_873, %get3A_878, %dot_general3A_879 {dimension_numbers = #tpu.dot_dimension_numbers<[1], [1], [0], [0], [0, 0, 1, 0], [], []>, transpose_lhs_hint = false} : vector<64x64xf32>, vector<32x64xf32>, vector<64x32xf32> -> vector<64x32xf32>
      %get3A_881 = arith.constant 12 : index
      %get3A_882 = arith.constant 0 : index
      %get3A_883 = vector.load %arg7[%get3A_881, %get3A_882] : memref<24x32xf32, #tpu.memory_space<vmem>>, vector<1x32xf32>
      %add3A_884 = vector.broadcast %get3A_883 : vector<1x32xf32> to vector<64x32xf32>
      %add3A_885 = arith.addf %dot_general3A_880, %add3A_884 : vector<64x32xf32>
      %get3A_886 = arith.constant 12 : index
      %get3A_887 = arith.constant 0 : index
      %get3A_888 = arith.constant 0 : index
      %get3A_889 = vector.load %arg5[%get3A_886, %get3A_887, %get3A_888] : memref<24x32x64xf32, #tpu.memory_space<vmem>>, vector<1x32x64xf32>
      %get3A_890 = vector.shape_cast %get3A_889 : vector<1x32x64xf32> to vector<32x64xf32>
      %dot_general3A_891 = arith.constant dense<0.000000e+00> : vector<64x32xf32>
      %dot_general3A_892 = tpu.matmul %get3A_873, %get3A_890, %dot_general3A_891 {dimension_numbers = #tpu.dot_dimension_numbers<[1], [1], [0], [0], [0, 0, 1, 0], [], []>, transpose_lhs_hint = false} : vector<64x64xf32>, vector<32x64xf32>, vector<64x32xf32> -> vector<64x32xf32>
      %get3A_893 = arith.constant 12 : index
      %get3A_894 = arith.constant 0 : index
      %get3A_895 = vector.load %arg8[%get3A_893, %get3A_894] : memref<24x32xf32, #tpu.memory_space<vmem>>, vector<1x32xf32>
      %add3A_896 = vector.broadcast %get3A_895 : vector<1x32xf32> to vector<64x32xf32>
      %add3A_897 = arith.addf %dot_general3A_892, %add3A_896 : vector<64x32xf32>
      %get3A_898 = arith.constant 12 : index
      %get3A_899 = arith.constant 0 : index
      %get3A_900 = arith.constant 0 : index
      %get3A_901 = vector.load %arg6[%get3A_898, %get3A_899, %get3A_900] : memref<24x32x64xf32, #tpu.memory_space<vmem>>, vector<1x32x64xf32>
      %get3A_902 = vector.shape_cast %get3A_901 : vector<1x32x64xf32> to vector<32x64xf32>
      %dot_general3A_903 = arith.constant dense<0.000000e+00> : vector<64x32xf32>
      %dot_general3A_904 = tpu.matmul %get3A_873, %get3A_902, %dot_general3A_903 {dimension_numbers = #tpu.dot_dimension_numbers<[1], [1], [0], [0], [0, 0, 1, 0], [], []>, transpose_lhs_hint = false} : vector<64x64xf32>, vector<32x64xf32>, vector<64x32xf32> -> vector<64x32xf32>
      %get3A_905 = arith.constant 12 : index
      %get3A_906 = arith.constant 0 : index
      %get3A_907 = vector.load %arg9[%get3A_905, %get3A_906] : memref<24x32xf32, #tpu.memory_space<vmem>>, vector<1x32xf32>
      %add3A_908 = vector.broadcast %get3A_907 : vector<1x32xf32> to vector<64x32xf32>
      %add3A_909 = arith.addf %dot_general3A_904, %add3A_908 : vector<64x32xf32>
      %get3A_910 = arith.constant 12 : index
      %get3A_911 = arith.constant 0 : index
      %get3A_912 = vector.load %arg10[%get3A_910, %get3A_911] : memref<24x32xf32, #tpu.memory_space<vmem>>, vector<1x32xf32>
      %add3A_913 = vector.broadcast %get3A_912 : vector<1x32xf32> to vector<64x32xf32>
      %add3A_914 = arith.addf %add3A_885, %add3A_913 : vector<64x32xf32>
      %logistic3A_915 = arith.negf %add3A_914 : vector<64x32xf32>
      %logistic3A_916 = math.exp %logistic3A_915 : vector<64x32xf32>
      %logistic3A_917 = arith.constant 1.000000e+00 : f32
      %logistic3A_918 = vector.broadcast %logistic3A_917 : f32 to vector<64x32xf32>
      %logistic3A_919 = arith.addf %logistic3A_918, %logistic3A_916 : vector<64x32xf32>
      %logistic3A_920 = arith.divf %logistic3A_918, %logistic3A_919 : vector<64x32xf32>
      %get3A_921 = arith.constant 12 : index
      %get3A_922 = arith.constant 0 : index
      %get3A_923 = vector.load %arg11[%get3A_921, %get3A_922] : memref<24x32xf32, #tpu.memory_space<vmem>>, vector<1x32xf32>
      %add3A_924 = vector.broadcast %get3A_923 : vector<1x32xf32> to vector<64x32xf32>
      %add3A_925 = arith.addf %add3A_897, %add3A_924 : vector<64x32xf32>
      %logistic3A_926 = arith.negf %add3A_925 : vector<64x32xf32>
      %logistic3A_927 = math.exp %logistic3A_926 : vector<64x32xf32>
      %logistic3A_928 = arith.constant 1.000000e+00 : f32
      %logistic3A_929 = vector.broadcast %logistic3A_928 : f32 to vector<64x32xf32>
      %logistic3A_930 = arith.addf %logistic3A_929, %logistic3A_927 : vector<64x32xf32>
      %logistic3A_931 = arith.divf %logistic3A_929, %logistic3A_930 : vector<64x32xf32>
      %get3A_932 = arith.constant 12 : index
      %get3A_933 = arith.constant 0 : index
      %get3A_934 = vector.load %arg12[%get3A_932, %get3A_933] : memref<24x32xf32, #tpu.memory_space<vmem>>, vector<1x32xf32>
      %mul3A_935 = vector.broadcast %get3A_934 : vector<1x32xf32> to vector<64x32xf32>
      %mul3A_936 = arith.mulf %logistic3A_920, %mul3A_935 : vector<64x32xf32>
      %add3A_937 = arith.addf %add3A_909, %mul3A_936 : vector<64x32xf32>
      %tanh3A_938 = math.tanh %add3A_937 : vector<64x32xf32>
      %sub3A_939 = arith.constant 1.000000e+00 : f32
      %sub3A_940 = vector.broadcast %sub3A_939 : f32 to vector<64x32xf32>
      %sub3A_941 = arith.subf %sub3A_940, %logistic3A_931 : vector<64x32xf32>
      %mul3A_942 = arith.mulf %sub3A_941, %tanh3A_938 : vector<64x32xf32>
      %get3A_943 = arith.constant 13 : index
      %get3A_944 = arith.constant 0 : index
      %get3A_945 = arith.constant 0 : index
      %get3A_946 = vector.load %arg4[%get3A_943, %get3A_944, %get3A_945] : memref<24x32x64xf32, #tpu.memory_space<vmem>>, vector<1x32x64xf32>
      %get3A_947 = vector.shape_cast %get3A_946 : vector<1x32x64xf32> to vector<32x64xf32>
      %dot_general3A_948 = arith.constant dense<0.000000e+00> : vector<64x32xf32>
      %dot_general3A_949 = tpu.matmul %get3A_873, %get3A_947, %dot_general3A_948 {dimension_numbers = #tpu.dot_dimension_numbers<[1], [1], [0], [0], [0, 0, 1, 0], [], []>, transpose_lhs_hint = false} : vector<64x64xf32>, vector<32x64xf32>, vector<64x32xf32> -> vector<64x32xf32>
      %get3A_950 = arith.constant 13 : index
      %get3A_951 = arith.constant 0 : index
      %get3A_952 = vector.load %arg7[%get3A_950, %get3A_951] : memref<24x32xf32, #tpu.memory_space<vmem>>, vector<1x32xf32>
      %add3A_953 = vector.broadcast %get3A_952 : vector<1x32xf32> to vector<64x32xf32>
      %add3A_954 = arith.addf %dot_general3A_949, %add3A_953 : vector<64x32xf32>
      %get3A_955 = arith.constant 13 : index
      %get3A_956 = arith.constant 0 : index
      %get3A_957 = arith.constant 0 : index
      %get3A_958 = vector.load %arg5[%get3A_955, %get3A_956, %get3A_957] : memref<24x32x64xf32, #tpu.memory_space<vmem>>, vector<1x32x64xf32>
      %get3A_959 = vector.shape_cast %get3A_958 : vector<1x32x64xf32> to vector<32x64xf32>
      %dot_general3A_960 = arith.constant dense<0.000000e+00> : vector<64x32xf32>
      %dot_general3A_961 = tpu.matmul %get3A_873, %get3A_959, %dot_general3A_960 {dimension_numbers = #tpu.dot_dimension_numbers<[1], [1], [0], [0], [0, 0, 1, 0], [], []>, transpose_lhs_hint = false} : vector<64x64xf32>, vector<32x64xf32>, vector<64x32xf32> -> vector<64x32xf32>
      %get3A_962 = arith.constant 13 : index
      %get3A_963 = arith.constant 0 : index
      %get3A_964 = vector.load %arg8[%get3A_962, %get3A_963] : memref<24x32xf32, #tpu.memory_space<vmem>>, vector<1x32xf32>
      %add3A_965 = vector.broadcast %get3A_964 : vector<1x32xf32> to vector<64x32xf32>
      %add3A_966 = arith.addf %dot_general3A_961, %add3A_965 : vector<64x32xf32>
      %get3A_967 = arith.constant 13 : index
      %get3A_968 = arith.constant 0 : index
      %get3A_969 = arith.constant 0 : index
      %get3A_970 = vector.load %arg6[%get3A_967, %get3A_968, %get3A_969] : memref<24x32x64xf32, #tpu.memory_space<vmem>>, vector<1x32x64xf32>
      %get3A_971 = vector.shape_cast %get3A_970 : vector<1x32x64xf32> to vector<32x64xf32>
      %dot_general3A_972 = arith.constant dense<0.000000e+00> : vector<64x32xf32>
      %dot_general3A_973 = tpu.matmul %get3A_873, %get3A_971, %dot_general3A_972 {dimension_numbers = #tpu.dot_dimension_numbers<[1], [1], [0], [0], [0, 0, 1, 0], [], []>, transpose_lhs_hint = false} : vector<64x64xf32>, vector<32x64xf32>, vector<64x32xf32> -> vector<64x32xf32>
      %get3A_974 = arith.constant 13 : index
      %get3A_975 = arith.constant 0 : index
      %get3A_976 = vector.load %arg9[%get3A_974, %get3A_975] : memref<24x32xf32, #tpu.memory_space<vmem>>, vector<1x32xf32>
      %add3A_977 = vector.broadcast %get3A_976 : vector<1x32xf32> to vector<64x32xf32>
      %add3A_978 = arith.addf %dot_general3A_973, %add3A_977 : vector<64x32xf32>
      %get3A_979 = arith.constant 13 : index
      %get3A_980 = arith.constant 0 : index
      %get3A_981 = vector.load %arg10[%get3A_979, %get3A_980] : memref<24x32xf32, #tpu.memory_space<vmem>>, vector<1x32xf32>
      %add3A_982 = vector.broadcast %get3A_981 : vector<1x32xf32> to vector<64x32xf32>
      %add3A_983 = arith.addf %add3A_954, %add3A_982 : vector<64x32xf32>
      %logistic3A_984 = arith.negf %add3A_983 : vector<64x32xf32>
      %logistic3A_985 = math.exp %logistic3A_984 : vector<64x32xf32>
      %logistic3A_986 = arith.constant 1.000000e+00 : f32
      %logistic3A_987 = vector.broadcast %logistic3A_986 : f32 to vector<64x32xf32>
      %logistic3A_988 = arith.addf %logistic3A_987, %logistic3A_985 : vector<64x32xf32>
      %logistic3A_989 = arith.divf %logistic3A_987, %logistic3A_988 : vector<64x32xf32>
      %get3A_990 = arith.constant 13 : index
      %get3A_991 = arith.constant 0 : index
      %get3A_992 = vector.load %arg11[%get3A_990, %get3A_991] : memref<24x32xf32, #tpu.memory_space<vmem>>, vector<1x32xf32>
      %add3A_993 = vector.broadcast %get3A_992 : vector<1x32xf32> to vector<64x32xf32>
      %add3A_994 = arith.addf %add3A_966, %add3A_993 : vector<64x32xf32>
      %logistic3A_995 = arith.negf %add3A_994 : vector<64x32xf32>
      %logistic3A_996 = math.exp %logistic3A_995 : vector<64x32xf32>
      %logistic3A_997 = arith.constant 1.000000e+00 : f32
      %logistic3A_998 = vector.broadcast %logistic3A_997 : f32 to vector<64x32xf32>
      %logistic3A_999 = arith.addf %logistic3A_998, %logistic3A_996 : vector<64x32xf32>
      %logistic3A_1000 = arith.divf %logistic3A_998, %logistic3A_999 : vector<64x32xf32>
      %get3A_1001 = arith.constant 13 : index
      %get3A_1002 = arith.constant 0 : index
      %get3A_1003 = vector.load %arg12[%get3A_1001, %get3A_1002] : memref<24x32xf32, #tpu.memory_space<vmem>>, vector<1x32xf32>
      %mul3A_1004 = vector.broadcast %get3A_1003 : vector<1x32xf32> to vector<64x32xf32>
      %mul3A_1005 = arith.mulf %logistic3A_989, %mul3A_1004 : vector<64x32xf32>
      %add3A_1006 = arith.addf %add3A_978, %mul3A_1005 : vector<64x32xf32>
      %tanh3A_1007 = math.tanh %add3A_1006 : vector<64x32xf32>
      %sub3A_1008 = arith.constant 1.000000e+00 : f32
      %sub3A_1009 = vector.broadcast %sub3A_1008 : f32 to vector<64x32xf32>
      %sub3A_1010 = arith.subf %sub3A_1009, %logistic3A_1000 : vector<64x32xf32>
      %mul3A_1011 = arith.mulf %sub3A_1010, %tanh3A_1007 : vector<64x32xf32>
      %concatenate3A_1012 = tpu.concatenate %mul3A_942, %mul3A_1011 in 1 : vector<64x32xf32>, vector<64x32xf32> -> vector<64x64xf32>
      %get3A_1013 = arith.constant 14 : index
      %get3A_1014 = arith.constant 0 : index
      %get3A_1015 = arith.constant 0 : index
      %get3A_1016 = vector.load %arg4[%get3A_1013, %get3A_1014, %get3A_1015] : memref<24x32x64xf32, #tpu.memory_space<vmem>>, vector<1x32x64xf32>
      %get3A_1017 = vector.shape_cast %get3A_1016 : vector<1x32x64xf32> to vector<32x64xf32>
      %dot_general3A_1018 = arith.constant dense<0.000000e+00> : vector<64x32xf32>
      %dot_general3A_1019 = tpu.matmul %concatenate3A_1012, %get3A_1017, %dot_general3A_1018 {dimension_numbers = #tpu.dot_dimension_numbers<[1], [1], [0], [0], [0, 0, 1, 0], [], []>, transpose_lhs_hint = false} : vector<64x64xf32>, vector<32x64xf32>, vector<64x32xf32> -> vector<64x32xf32>
      %get3A_1020 = arith.constant 14 : index
      %get3A_1021 = arith.constant 0 : index
      %get3A_1022 = vector.load %arg7[%get3A_1020, %get3A_1021] : memref<24x32xf32, #tpu.memory_space<vmem>>, vector<1x32xf32>
      %add3A_1023 = vector.broadcast %get3A_1022 : vector<1x32xf32> to vector<64x32xf32>
      %add3A_1024 = arith.addf %dot_general3A_1019, %add3A_1023 : vector<64x32xf32>
      %get3A_1025 = arith.constant 14 : index
      %get3A_1026 = arith.constant 0 : index
      %get3A_1027 = arith.constant 0 : index
      %get3A_1028 = vector.load %arg5[%get3A_1025, %get3A_1026, %get3A_1027] : memref<24x32x64xf32, #tpu.memory_space<vmem>>, vector<1x32x64xf32>
      %get3A_1029 = vector.shape_cast %get3A_1028 : vector<1x32x64xf32> to vector<32x64xf32>
      %dot_general3A_1030 = arith.constant dense<0.000000e+00> : vector<64x32xf32>
      %dot_general3A_1031 = tpu.matmul %concatenate3A_1012, %get3A_1029, %dot_general3A_1030 {dimension_numbers = #tpu.dot_dimension_numbers<[1], [1], [0], [0], [0, 0, 1, 0], [], []>, transpose_lhs_hint = false} : vector<64x64xf32>, vector<32x64xf32>, vector<64x32xf32> -> vector<64x32xf32>
      %get3A_1032 = arith.constant 14 : index
      %get3A_1033 = arith.constant 0 : index
      %get3A_1034 = vector.load %arg8[%get3A_1032, %get3A_1033] : memref<24x32xf32, #tpu.memory_space<vmem>>, vector<1x32xf32>
      %add3A_1035 = vector.broadcast %get3A_1034 : vector<1x32xf32> to vector<64x32xf32>
      %add3A_1036 = arith.addf %dot_general3A_1031, %add3A_1035 : vector<64x32xf32>
      %get3A_1037 = arith.constant 14 : index
      %get3A_1038 = arith.constant 0 : index
      %get3A_1039 = arith.constant 0 : index
      %get3A_1040 = vector.load %arg6[%get3A_1037, %get3A_1038, %get3A_1039] : memref<24x32x64xf32, #tpu.memory_space<vmem>>, vector<1x32x64xf32>
      %get3A_1041 = vector.shape_cast %get3A_1040 : vector<1x32x64xf32> to vector<32x64xf32>
      %dot_general3A_1042 = arith.constant dense<0.000000e+00> : vector<64x32xf32>
      %dot_general3A_1043 = tpu.matmul %concatenate3A_1012, %get3A_1041, %dot_general3A_1042 {dimension_numbers = #tpu.dot_dimension_numbers<[1], [1], [0], [0], [0, 0, 1, 0], [], []>, transpose_lhs_hint = false} : vector<64x64xf32>, vector<32x64xf32>, vector<64x32xf32> -> vector<64x32xf32>
      %get3A_1044 = arith.constant 14 : index
      %get3A_1045 = arith.constant 0 : index
      %get3A_1046 = vector.load %arg9[%get3A_1044, %get3A_1045] : memref<24x32xf32, #tpu.memory_space<vmem>>, vector<1x32xf32>
      %add3A_1047 = vector.broadcast %get3A_1046 : vector<1x32xf32> to vector<64x32xf32>
      %add3A_1048 = arith.addf %dot_general3A_1043, %add3A_1047 : vector<64x32xf32>
      %get3A_1049 = arith.constant 14 : index
      %get3A_1050 = arith.constant 0 : index
      %get3A_1051 = vector.load %arg10[%get3A_1049, %get3A_1050] : memref<24x32xf32, #tpu.memory_space<vmem>>, vector<1x32xf32>
      %add3A_1052 = vector.broadcast %get3A_1051 : vector<1x32xf32> to vector<64x32xf32>
      %add3A_1053 = arith.addf %add3A_1024, %add3A_1052 : vector<64x32xf32>
      %logistic3A_1054 = arith.negf %add3A_1053 : vector<64x32xf32>
      %logistic3A_1055 = math.exp %logistic3A_1054 : vector<64x32xf32>
      %logistic3A_1056 = arith.constant 1.000000e+00 : f32
      %logistic3A_1057 = vector.broadcast %logistic3A_1056 : f32 to vector<64x32xf32>
      %logistic3A_1058 = arith.addf %logistic3A_1057, %logistic3A_1055 : vector<64x32xf32>
      %logistic3A_1059 = arith.divf %logistic3A_1057, %logistic3A_1058 : vector<64x32xf32>
      %get3A_1060 = arith.constant 14 : index
      %get3A_1061 = arith.constant 0 : index
      %get3A_1062 = vector.load %arg11[%get3A_1060, %get3A_1061] : memref<24x32xf32, #tpu.memory_space<vmem>>, vector<1x32xf32>
      %add3A_1063 = vector.broadcast %get3A_1062 : vector<1x32xf32> to vector<64x32xf32>
      %add3A_1064 = arith.addf %add3A_1036, %add3A_1063 : vector<64x32xf32>
      %logistic3A_1065 = arith.negf %add3A_1064 : vector<64x32xf32>
      %logistic3A_1066 = math.exp %logistic3A_1065 : vector<64x32xf32>
      %logistic3A_1067 = arith.constant 1.000000e+00 : f32
      %logistic3A_1068 = vector.broadcast %logistic3A_1067 : f32 to vector<64x32xf32>
      %logistic3A_1069 = arith.addf %logistic3A_1068, %logistic3A_1066 : vector<64x32xf32>
      %logistic3A_1070 = arith.divf %logistic3A_1068, %logistic3A_1069 : vector<64x32xf32>
      %get3A_1071 = arith.constant 14 : index
      %get3A_1072 = arith.constant 0 : index
      %get3A_1073 = vector.load %arg12[%get3A_1071, %get3A_1072] : memref<24x32xf32, #tpu.memory_space<vmem>>, vector<1x32xf32>
      %mul3A_1074 = vector.broadcast %get3A_1073 : vector<1x32xf32> to vector<64x32xf32>
      %mul3A_1075 = arith.mulf %logistic3A_1059, %mul3A_1074 : vector<64x32xf32>
      %add3A_1076 = arith.addf %add3A_1048, %mul3A_1075 : vector<64x32xf32>
      %tanh3A_1077 = math.tanh %add3A_1076 : vector<64x32xf32>
      %sub3A_1078 = arith.constant 1.000000e+00 : f32
      %sub3A_1079 = vector.broadcast %sub3A_1078 : f32 to vector<64x32xf32>
      %sub3A_1080 = arith.subf %sub3A_1079, %logistic3A_1070 : vector<64x32xf32>
      %mul3A_1081 = arith.mulf %sub3A_1080, %tanh3A_1077 : vector<64x32xf32>
      %get3A_1082 = arith.constant 15 : index
      %get3A_1083 = arith.constant 0 : index
      %get3A_1084 = arith.constant 0 : index
      %get3A_1085 = vector.load %arg4[%get3A_1082, %get3A_1083, %get3A_1084] : memref<24x32x64xf32, #tpu.memory_space<vmem>>, vector<1x32x64xf32>
      %get3A_1086 = vector.shape_cast %get3A_1085 : vector<1x32x64xf32> to vector<32x64xf32>
      %dot_general3A_1087 = arith.constant dense<0.000000e+00> : vector<64x32xf32>
      %dot_general3A_1088 = tpu.matmul %concatenate3A_1012, %get3A_1086, %dot_general3A_1087 {dimension_numbers = #tpu.dot_dimension_numbers<[1], [1], [0], [0], [0, 0, 1, 0], [], []>, transpose_lhs_hint = false} : vector<64x64xf32>, vector<32x64xf32>, vector<64x32xf32> -> vector<64x32xf32>
      %get3A_1089 = arith.constant 15 : index
      %get3A_1090 = arith.constant 0 : index
      %get3A_1091 = vector.load %arg7[%get3A_1089, %get3A_1090] : memref<24x32xf32, #tpu.memory_space<vmem>>, vector<1x32xf32>
      %add3A_1092 = vector.broadcast %get3A_1091 : vector<1x32xf32> to vector<64x32xf32>
      %add3A_1093 = arith.addf %dot_general3A_1088, %add3A_1092 : vector<64x32xf32>
      %get3A_1094 = arith.constant 15 : index
      %get3A_1095 = arith.constant 0 : index
      %get3A_1096 = arith.constant 0 : index
      %get3A_1097 = vector.load %arg5[%get3A_1094, %get3A_1095, %get3A_1096] : memref<24x32x64xf32, #tpu.memory_space<vmem>>, vector<1x32x64xf32>
      %get3A_1098 = vector.shape_cast %get3A_1097 : vector<1x32x64xf32> to vector<32x64xf32>
      %dot_general3A_1099 = arith.constant dense<0.000000e+00> : vector<64x32xf32>
      %dot_general3A_1100 = tpu.matmul %concatenate3A_1012, %get3A_1098, %dot_general3A_1099 {dimension_numbers = #tpu.dot_dimension_numbers<[1], [1], [0], [0], [0, 0, 1, 0], [], []>, transpose_lhs_hint = false} : vector<64x64xf32>, vector<32x64xf32>, vector<64x32xf32> -> vector<64x32xf32>
      %get3A_1101 = arith.constant 15 : index
      %get3A_1102 = arith.constant 0 : index
      %get3A_1103 = vector.load %arg8[%get3A_1101, %get3A_1102] : memref<24x32xf32, #tpu.memory_space<vmem>>, vector<1x32xf32>
      %add3A_1104 = vector.broadcast %get3A_1103 : vector<1x32xf32> to vector<64x32xf32>
      %add3A_1105 = arith.addf %dot_general3A_1100, %add3A_1104 : vector<64x32xf32>
      %get3A_1106 = arith.constant 15 : index
      %get3A_1107 = arith.constant 0 : index
      %get3A_1108 = arith.constant 0 : index
      %get3A_1109 = vector.load %arg6[%get3A_1106, %get3A_1107, %get3A_1108] : memref<24x32x64xf32, #tpu.memory_space<vmem>>, vector<1x32x64xf32>
      %get3A_1110 = vector.shape_cast %get3A_1109 : vector<1x32x64xf32> to vector<32x64xf32>
      %dot_general3A_1111 = arith.constant dense<0.000000e+00> : vector<64x32xf32>
      %dot_general3A_1112 = tpu.matmul %concatenate3A_1012, %get3A_1110, %dot_general3A_1111 {dimension_numbers = #tpu.dot_dimension_numbers<[1], [1], [0], [0], [0, 0, 1, 0], [], []>, transpose_lhs_hint = false} : vector<64x64xf32>, vector<32x64xf32>, vector<64x32xf32> -> vector<64x32xf32>
      %get3A_1113 = arith.constant 15 : index
      %get3A_1114 = arith.constant 0 : index
      %get3A_1115 = vector.load %arg9[%get3A_1113, %get3A_1114] : memref<24x32xf32, #tpu.memory_space<vmem>>, vector<1x32xf32>
      %add3A_1116 = vector.broadcast %get3A_1115 : vector<1x32xf32> to vector<64x32xf32>
      %add3A_1117 = arith.addf %dot_general3A_1112, %add3A_1116 : vector<64x32xf32>
      %get3A_1118 = arith.constant 15 : index
      %get3A_1119 = arith.constant 0 : index
      %get3A_1120 = vector.load %arg10[%get3A_1118, %get3A_1119] : memref<24x32xf32, #tpu.memory_space<vmem>>, vector<1x32xf32>
      %add3A_1121 = vector.broadcast %get3A_1120 : vector<1x32xf32> to vector<64x32xf32>
      %add3A_1122 = arith.addf %add3A_1093, %add3A_1121 : vector<64x32xf32>
      %logistic3A_1123 = arith.negf %add3A_1122 : vector<64x32xf32>
      %logistic3A_1124 = math.exp %logistic3A_1123 : vector<64x32xf32>
      %logistic3A_1125 = arith.constant 1.000000e+00 : f32
      %logistic3A_1126 = vector.broadcast %logistic3A_1125 : f32 to vector<64x32xf32>
      %logistic3A_1127 = arith.addf %logistic3A_1126, %logistic3A_1124 : vector<64x32xf32>
      %logistic3A_1128 = arith.divf %logistic3A_1126, %logistic3A_1127 : vector<64x32xf32>
      %get3A_1129 = arith.constant 15 : index
      %get3A_1130 = arith.constant 0 : index
      %get3A_1131 = vector.load %arg11[%get3A_1129, %get3A_1130] : memref<24x32xf32, #tpu.memory_space<vmem>>, vector<1x32xf32>
      %add3A_1132 = vector.broadcast %get3A_1131 : vector<1x32xf32> to vector<64x32xf32>
      %add3A_1133 = arith.addf %add3A_1105, %add3A_1132 : vector<64x32xf32>
      %logistic3A_1134 = arith.negf %add3A_1133 : vector<64x32xf32>
      %logistic3A_1135 = math.exp %logistic3A_1134 : vector<64x32xf32>
      %logistic3A_1136 = arith.constant 1.000000e+00 : f32
      %logistic3A_1137 = vector.broadcast %logistic3A_1136 : f32 to vector<64x32xf32>
      %logistic3A_1138 = arith.addf %logistic3A_1137, %logistic3A_1135 : vector<64x32xf32>
      %logistic3A_1139 = arith.divf %logistic3A_1137, %logistic3A_1138 : vector<64x32xf32>
      %get3A_1140 = arith.constant 15 : index
      %get3A_1141 = arith.constant 0 : index
      %get3A_1142 = vector.load %arg12[%get3A_1140, %get3A_1141] : memref<24x32xf32, #tpu.memory_space<vmem>>, vector<1x32xf32>
      %mul3A_1143 = vector.broadcast %get3A_1142 : vector<1x32xf32> to vector<64x32xf32>
      %mul3A_1144 = arith.mulf %logistic3A_1128, %mul3A_1143 : vector<64x32xf32>
      %add3A_1145 = arith.addf %add3A_1117, %mul3A_1144 : vector<64x32xf32>
      %tanh3A_1146 = math.tanh %add3A_1145 : vector<64x32xf32>
      %sub3A_1147 = arith.constant 1.000000e+00 : f32
      %sub3A_1148 = vector.broadcast %sub3A_1147 : f32 to vector<64x32xf32>
      %sub3A_1149 = arith.subf %sub3A_1148, %logistic3A_1139 : vector<64x32xf32>
      %mul3A_1150 = arith.mulf %sub3A_1149, %tanh3A_1146 : vector<64x32xf32>
      %concatenate3A_1151 = tpu.concatenate %mul3A_1081, %mul3A_1150 in 1 : vector<64x32xf32>, vector<64x32xf32> -> vector<64x64xf32>
      %get3A_1152 = arith.constant 16 : index
      %get3A_1153 = arith.constant 0 : index
      %get3A_1154 = arith.constant 0 : index
      %get3A_1155 = vector.load %arg4[%get3A_1152, %get3A_1153, %get3A_1154] : memref<24x32x64xf32, #tpu.memory_space<vmem>>, vector<1x32x64xf32>
      %get3A_1156 = vector.shape_cast %get3A_1155 : vector<1x32x64xf32> to vector<32x64xf32>
      %dot_general3A_1157 = arith.constant dense<0.000000e+00> : vector<64x32xf32>
      %dot_general3A_1158 = tpu.matmul %concatenate3A_1151, %get3A_1156, %dot_general3A_1157 {dimension_numbers = #tpu.dot_dimension_numbers<[1], [1], [0], [0], [0, 0, 1, 0], [], []>, transpose_lhs_hint = false} : vector<64x64xf32>, vector<32x64xf32>, vector<64x32xf32> -> vector<64x32xf32>
      %get3A_1159 = arith.constant 16 : index
      %get3A_1160 = arith.constant 0 : index
      %get3A_1161 = vector.load %arg7[%get3A_1159, %get3A_1160] : memref<24x32xf32, #tpu.memory_space<vmem>>, vector<1x32xf32>
      %add3A_1162 = vector.broadcast %get3A_1161 : vector<1x32xf32> to vector<64x32xf32>
      %add3A_1163 = arith.addf %dot_general3A_1158, %add3A_1162 : vector<64x32xf32>
      %get3A_1164 = arith.constant 16 : index
      %get3A_1165 = arith.constant 0 : index
      %get3A_1166 = arith.constant 0 : index
      %get3A_1167 = vector.load %arg5[%get3A_1164, %get3A_1165, %get3A_1166] : memref<24x32x64xf32, #tpu.memory_space<vmem>>, vector<1x32x64xf32>
      %get3A_1168 = vector.shape_cast %get3A_1167 : vector<1x32x64xf32> to vector<32x64xf32>
      %dot_general3A_1169 = arith.constant dense<0.000000e+00> : vector<64x32xf32>
      %dot_general3A_1170 = tpu.matmul %concatenate3A_1151, %get3A_1168, %dot_general3A_1169 {dimension_numbers = #tpu.dot_dimension_numbers<[1], [1], [0], [0], [0, 0, 1, 0], [], []>, transpose_lhs_hint = false} : vector<64x64xf32>, vector<32x64xf32>, vector<64x32xf32> -> vector<64x32xf32>
      %get3A_1171 = arith.constant 16 : index
      %get3A_1172 = arith.constant 0 : index
      %get3A_1173 = vector.load %arg8[%get3A_1171, %get3A_1172] : memref<24x32xf32, #tpu.memory_space<vmem>>, vector<1x32xf32>
      %add3A_1174 = vector.broadcast %get3A_1173 : vector<1x32xf32> to vector<64x32xf32>
      %add3A_1175 = arith.addf %dot_general3A_1170, %add3A_1174 : vector<64x32xf32>
      %get3A_1176 = arith.constant 16 : index
      %get3A_1177 = arith.constant 0 : index
      %get3A_1178 = arith.constant 0 : index
      %get3A_1179 = vector.load %arg6[%get3A_1176, %get3A_1177, %get3A_1178] : memref<24x32x64xf32, #tpu.memory_space<vmem>>, vector<1x32x64xf32>
      %get3A_1180 = vector.shape_cast %get3A_1179 : vector<1x32x64xf32> to vector<32x64xf32>
      %dot_general3A_1181 = arith.constant dense<0.000000e+00> : vector<64x32xf32>
      %dot_general3A_1182 = tpu.matmul %concatenate3A_1151, %get3A_1180, %dot_general3A_1181 {dimension_numbers = #tpu.dot_dimension_numbers<[1], [1], [0], [0], [0, 0, 1, 0], [], []>, transpose_lhs_hint = false} : vector<64x64xf32>, vector<32x64xf32>, vector<64x32xf32> -> vector<64x32xf32>
      %get3A_1183 = arith.constant 16 : index
      %get3A_1184 = arith.constant 0 : index
      %get3A_1185 = vector.load %arg9[%get3A_1183, %get3A_1184] : memref<24x32xf32, #tpu.memory_space<vmem>>, vector<1x32xf32>
      %add3A_1186 = vector.broadcast %get3A_1185 : vector<1x32xf32> to vector<64x32xf32>
      %add3A_1187 = arith.addf %dot_general3A_1182, %add3A_1186 : vector<64x32xf32>
      %get3A_1188 = arith.constant 16 : index
      %get3A_1189 = arith.constant 0 : index
      %get3A_1190 = vector.load %arg10[%get3A_1188, %get3A_1189] : memref<24x32xf32, #tpu.memory_space<vmem>>, vector<1x32xf32>
      %add3A_1191 = vector.broadcast %get3A_1190 : vector<1x32xf32> to vector<64x32xf32>
      %add3A_1192 = arith.addf %add3A_1163, %add3A_1191 : vector<64x32xf32>
      %logistic3A_1193 = arith.negf %add3A_1192 : vector<64x32xf32>
      %logistic3A_1194 = math.exp %logistic3A_1193 : vector<64x32xf32>
      %logistic3A_1195 = arith.constant 1.000000e+00 : f32
      %logistic3A_1196 = vector.broadcast %logistic3A_1195 : f32 to vector<64x32xf32>
      %logistic3A_1197 = arith.addf %logistic3A_1196, %logistic3A_1194 : vector<64x32xf32>
      %logistic3A_1198 = arith.divf %logistic3A_1196, %logistic3A_1197 : vector<64x32xf32>
      %get3A_1199 = arith.constant 16 : index
      %get3A_1200 = arith.constant 0 : index
      %get3A_1201 = vector.load %arg11[%get3A_1199, %get3A_1200] : memref<24x32xf32, #tpu.memory_space<vmem>>, vector<1x32xf32>
      %add3A_1202 = vector.broadcast %get3A_1201 : vector<1x32xf32> to vector<64x32xf32>
      %add3A_1203 = arith.addf %add3A_1175, %add3A_1202 : vector<64x32xf32>
      %logistic3A_1204 = arith.negf %add3A_1203 : vector<64x32xf32>
      %logistic3A_1205 = math.exp %logistic3A_1204 : vector<64x32xf32>
      %logistic3A_1206 = arith.constant 1.000000e+00 : f32
      %logistic3A_1207 = vector.broadcast %logistic3A_1206 : f32 to vector<64x32xf32>
      %logistic3A_1208 = arith.addf %logistic3A_1207, %logistic3A_1205 : vector<64x32xf32>
      %logistic3A_1209 = arith.divf %logistic3A_1207, %logistic3A_1208 : vector<64x32xf32>
      %get3A_1210 = arith.constant 16 : index
      %get3A_1211 = arith.constant 0 : index
      %get3A_1212 = vector.load %arg12[%get3A_1210, %get3A_1211] : memref<24x32xf32, #tpu.memory_space<vmem>>, vector<1x32xf32>
      %mul3A_1213 = vector.broadcast %get3A_1212 : vector<1x32xf32> to vector<64x32xf32>
      %mul3A_1214 = arith.mulf %logistic3A_1198, %mul3A_1213 : vector<64x32xf32>
      %add3A_1215 = arith.addf %add3A_1187, %mul3A_1214 : vector<64x32xf32>
      %tanh3A_1216 = math.tanh %add3A_1215 : vector<64x32xf32>
      %sub3A_1217 = arith.constant 1.000000e+00 : f32
      %sub3A_1218 = vector.broadcast %sub3A_1217 : f32 to vector<64x32xf32>
      %sub3A_1219 = arith.subf %sub3A_1218, %logistic3A_1209 : vector<64x32xf32>
      %mul3A_1220 = arith.mulf %sub3A_1219, %tanh3A_1216 : vector<64x32xf32>
      %get3A_1221 = arith.constant 17 : index
      %get3A_1222 = arith.constant 0 : index
      %get3A_1223 = arith.constant 0 : index
      %get3A_1224 = vector.load %arg4[%get3A_1221, %get3A_1222, %get3A_1223] : memref<24x32x64xf32, #tpu.memory_space<vmem>>, vector<1x32x64xf32>
      %get3A_1225 = vector.shape_cast %get3A_1224 : vector<1x32x64xf32> to vector<32x64xf32>
      %dot_general3A_1226 = arith.constant dense<0.000000e+00> : vector<64x32xf32>
      %dot_general3A_1227 = tpu.matmul %concatenate3A_1151, %get3A_1225, %dot_general3A_1226 {dimension_numbers = #tpu.dot_dimension_numbers<[1], [1], [0], [0], [0, 0, 1, 0], [], []>, transpose_lhs_hint = false} : vector<64x64xf32>, vector<32x64xf32>, vector<64x32xf32> -> vector<64x32xf32>
      %get3A_1228 = arith.constant 17 : index
      %get3A_1229 = arith.constant 0 : index
      %get3A_1230 = vector.load %arg7[%get3A_1228, %get3A_1229] : memref<24x32xf32, #tpu.memory_space<vmem>>, vector<1x32xf32>
      %add3A_1231 = vector.broadcast %get3A_1230 : vector<1x32xf32> to vector<64x32xf32>
      %add3A_1232 = arith.addf %dot_general3A_1227, %add3A_1231 : vector<64x32xf32>
      %get3A_1233 = arith.constant 17 : index
      %get3A_1234 = arith.constant 0 : index
      %get3A_1235 = arith.constant 0 : index
      %get3A_1236 = vector.load %arg5[%get3A_1233, %get3A_1234, %get3A_1235] : memref<24x32x64xf32, #tpu.memory_space<vmem>>, vector<1x32x64xf32>
      %get3A_1237 = vector.shape_cast %get3A_1236 : vector<1x32x64xf32> to vector<32x64xf32>
      %dot_general3A_1238 = arith.constant dense<0.000000e+00> : vector<64x32xf32>
      %dot_general3A_1239 = tpu.matmul %concatenate3A_1151, %get3A_1237, %dot_general3A_1238 {dimension_numbers = #tpu.dot_dimension_numbers<[1], [1], [0], [0], [0, 0, 1, 0], [], []>, transpose_lhs_hint = false} : vector<64x64xf32>, vector<32x64xf32>, vector<64x32xf32> -> vector<64x32xf32>
      %get3A_1240 = arith.constant 17 : index
      %get3A_1241 = arith.constant 0 : index
      %get3A_1242 = vector.load %arg8[%get3A_1240, %get3A_1241] : memref<24x32xf32, #tpu.memory_space<vmem>>, vector<1x32xf32>
      %add3A_1243 = vector.broadcast %get3A_1242 : vector<1x32xf32> to vector<64x32xf32>
      %add3A_1244 = arith.addf %dot_general3A_1239, %add3A_1243 : vector<64x32xf32>
      %get3A_1245 = arith.constant 17 : index
      %get3A_1246 = arith.constant 0 : index
      %get3A_1247 = arith.constant 0 : index
      %get3A_1248 = vector.load %arg6[%get3A_1245, %get3A_1246, %get3A_1247] : memref<24x32x64xf32, #tpu.memory_space<vmem>>, vector<1x32x64xf32>
      %get3A_1249 = vector.shape_cast %get3A_1248 : vector<1x32x64xf32> to vector<32x64xf32>
      %dot_general3A_1250 = arith.constant dense<0.000000e+00> : vector<64x32xf32>
      %dot_general3A_1251 = tpu.matmul %concatenate3A_1151, %get3A_1249, %dot_general3A_1250 {dimension_numbers = #tpu.dot_dimension_numbers<[1], [1], [0], [0], [0, 0, 1, 0], [], []>, transpose_lhs_hint = false} : vector<64x64xf32>, vector<32x64xf32>, vector<64x32xf32> -> vector<64x32xf32>
      %get3A_1252 = arith.constant 17 : index
      %get3A_1253 = arith.constant 0 : index
      %get3A_1254 = vector.load %arg9[%get3A_1252, %get3A_1253] : memref<24x32xf32, #tpu.memory_space<vmem>>, vector<1x32xf32>
      %add3A_1255 = vector.broadcast %get3A_1254 : vector<1x32xf32> to vector<64x32xf32>
      %add3A_1256 = arith.addf %dot_general3A_1251, %add3A_1255 : vector<64x32xf32>
      %get3A_1257 = arith.constant 17 : index
      %get3A_1258 = arith.constant 0 : index
      %get3A_1259 = vector.load %arg10[%get3A_1257, %get3A_1258] : memref<24x32xf32, #tpu.memory_space<vmem>>, vector<1x32xf32>
      %add3A_1260 = vector.broadcast %get3A_1259 : vector<1x32xf32> to vector<64x32xf32>
      %add3A_1261 = arith.addf %add3A_1232, %add3A_1260 : vector<64x32xf32>
      %logistic3A_1262 = arith.negf %add3A_1261 : vector<64x32xf32>
      %logistic3A_1263 = math.exp %logistic3A_1262 : vector<64x32xf32>
      %logistic3A_1264 = arith.constant 1.000000e+00 : f32
      %logistic3A_1265 = vector.broadcast %logistic3A_1264 : f32 to vector<64x32xf32>
      %logistic3A_1266 = arith.addf %logistic3A_1265, %logistic3A_1263 : vector<64x32xf32>
      %logistic3A_1267 = arith.divf %logistic3A_1265, %logistic3A_1266 : vector<64x32xf32>
      %get3A_1268 = arith.constant 17 : index
      %get3A_1269 = arith.constant 0 : index
      %get3A_1270 = vector.load %arg11[%get3A_1268, %get3A_1269] : memref<24x32xf32, #tpu.memory_space<vmem>>, vector<1x32xf32>
      %add3A_1271 = vector.broadcast %get3A_1270 : vector<1x32xf32> to vector<64x32xf32>
      %add3A_1272 = arith.addf %add3A_1244, %add3A_1271 : vector<64x32xf32>
      %logistic3A_1273 = arith.negf %add3A_1272 : vector<64x32xf32>
      %logistic3A_1274 = math.exp %logistic3A_1273 : vector<64x32xf32>
      %logistic3A_1275 = arith.constant 1.000000e+00 : f32
      %logistic3A_1276 = vector.broadcast %logistic3A_1275 : f32 to vector<64x32xf32>
      %logistic3A_1277 = arith.addf %logistic3A_1276, %logistic3A_1274 : vector<64x32xf32>
      %logistic3A_1278 = arith.divf %logistic3A_1276, %logistic3A_1277 : vector<64x32xf32>
      %get3A_1279 = arith.constant 17 : index
      %get3A_1280 = arith.constant 0 : index
      %get3A_1281 = vector.load %arg12[%get3A_1279, %get3A_1280] : memref<24x32xf32, #tpu.memory_space<vmem>>, vector<1x32xf32>
      %mul3A_1282 = vector.broadcast %get3A_1281 : vector<1x32xf32> to vector<64x32xf32>
      %mul3A_1283 = arith.mulf %logistic3A_1267, %mul3A_1282 : vector<64x32xf32>
      %add3A_1284 = arith.addf %add3A_1256, %mul3A_1283 : vector<64x32xf32>
      %tanh3A_1285 = math.tanh %add3A_1284 : vector<64x32xf32>
      %sub3A_1286 = arith.constant 1.000000e+00 : f32
      %sub3A_1287 = vector.broadcast %sub3A_1286 : f32 to vector<64x32xf32>
      %sub3A_1288 = arith.subf %sub3A_1287, %logistic3A_1278 : vector<64x32xf32>
      %mul3A_1289 = arith.mulf %sub3A_1288, %tanh3A_1285 : vector<64x32xf32>
      %concatenate3A_1290 = tpu.concatenate %mul3A_1220, %mul3A_1289 in 1 : vector<64x32xf32>, vector<64x32xf32> -> vector<64x64xf32>
      %get3A_1291 = arith.constant 3 : index
      %get3A_1292 = arith.constant 0 : index
      %get3A_1293 = arith.constant 0 : index
      %get3A_1294 = vector.load %arg3[%get3A_1291, %get3A_1292, %get3A_1293] : memref<4x64x64xf32, #tpu.memory_space<vmem>>, vector<1x64x64xf32>
      %get3A_1295 = vector.shape_cast %get3A_1294 : vector<1x64x64xf32> to vector<64x64xf32>
      %get3A_1296 = arith.constant 18 : index
      %get3A_1297 = arith.constant 0 : index
      %get3A_1298 = arith.constant 0 : index
      %get3A_1299 = vector.load %arg4[%get3A_1296, %get3A_1297, %get3A_1298] : memref<24x32x64xf32, #tpu.memory_space<vmem>>, vector<1x32x64xf32>
      %get3A_1300 = vector.shape_cast %get3A_1299 : vector<1x32x64xf32> to vector<32x64xf32>
      %dot_general3A_1301 = arith.constant dense<0.000000e+00> : vector<64x32xf32>
      %dot_general3A_1302 = tpu.matmul %get3A_1295, %get3A_1300, %dot_general3A_1301 {dimension_numbers = #tpu.dot_dimension_numbers<[1], [1], [0], [0], [0, 0, 1, 0], [], []>, transpose_lhs_hint = false} : vector<64x64xf32>, vector<32x64xf32>, vector<64x32xf32> -> vector<64x32xf32>
      %get3A_1303 = arith.constant 18 : index
      %get3A_1304 = arith.constant 0 : index
      %get3A_1305 = vector.load %arg7[%get3A_1303, %get3A_1304] : memref<24x32xf32, #tpu.memory_space<vmem>>, vector<1x32xf32>
      %add3A_1306 = vector.broadcast %get3A_1305 : vector<1x32xf32> to vector<64x32xf32>
      %add3A_1307 = arith.addf %dot_general3A_1302, %add3A_1306 : vector<64x32xf32>
      %get3A_1308 = arith.constant 18 : index
      %get3A_1309 = arith.constant 0 : index
      %get3A_1310 = arith.constant 0 : index
      %get3A_1311 = vector.load %arg5[%get3A_1308, %get3A_1309, %get3A_1310] : memref<24x32x64xf32, #tpu.memory_space<vmem>>, vector<1x32x64xf32>
      %get3A_1312 = vector.shape_cast %get3A_1311 : vector<1x32x64xf32> to vector<32x64xf32>
      %dot_general3A_1313 = arith.constant dense<0.000000e+00> : vector<64x32xf32>
      %dot_general3A_1314 = tpu.matmul %get3A_1295, %get3A_1312, %dot_general3A_1313 {dimension_numbers = #tpu.dot_dimension_numbers<[1], [1], [0], [0], [0, 0, 1, 0], [], []>, transpose_lhs_hint = false} : vector<64x64xf32>, vector<32x64xf32>, vector<64x32xf32> -> vector<64x32xf32>
      %get3A_1315 = arith.constant 18 : index
      %get3A_1316 = arith.constant 0 : index
      %get3A_1317 = vector.load %arg8[%get3A_1315, %get3A_1316] : memref<24x32xf32, #tpu.memory_space<vmem>>, vector<1x32xf32>
      %add3A_1318 = vector.broadcast %get3A_1317 : vector<1x32xf32> to vector<64x32xf32>
      %add3A_1319 = arith.addf %dot_general3A_1314, %add3A_1318 : vector<64x32xf32>
      %get3A_1320 = arith.constant 18 : index
      %get3A_1321 = arith.constant 0 : index
      %get3A_1322 = arith.constant 0 : index
      %get3A_1323 = vector.load %arg6[%get3A_1320, %get3A_1321, %get3A_1322] : memref<24x32x64xf32, #tpu.memory_space<vmem>>, vector<1x32x64xf32>
      %get3A_1324 = vector.shape_cast %get3A_1323 : vector<1x32x64xf32> to vector<32x64xf32>
      %dot_general3A_1325 = arith.constant dense<0.000000e+00> : vector<64x32xf32>
      %dot_general3A_1326 = tpu.matmul %get3A_1295, %get3A_1324, %dot_general3A_1325 {dimension_numbers = #tpu.dot_dimension_numbers<[1], [1], [0], [0], [0, 0, 1, 0], [], []>, transpose_lhs_hint = false} : vector<64x64xf32>, vector<32x64xf32>, vector<64x32xf32> -> vector<64x32xf32>
      %get3A_1327 = arith.constant 18 : index
      %get3A_1328 = arith.constant 0 : index
      %get3A_1329 = vector.load %arg9[%get3A_1327, %get3A_1328] : memref<24x32xf32, #tpu.memory_space<vmem>>, vector<1x32xf32>
      %add3A_1330 = vector.broadcast %get3A_1329 : vector<1x32xf32> to vector<64x32xf32>
      %add3A_1331 = arith.addf %dot_general3A_1326, %add3A_1330 : vector<64x32xf32>
      %get3A_1332 = arith.constant 18 : index
      %get3A_1333 = arith.constant 0 : index
      %get3A_1334 = vector.load %arg10[%get3A_1332, %get3A_1333] : memref<24x32xf32, #tpu.memory_space<vmem>>, vector<1x32xf32>
      %add3A_1335 = vector.broadcast %get3A_1334 : vector<1x32xf32> to vector<64x32xf32>
      %add3A_1336 = arith.addf %add3A_1307, %add3A_1335 : vector<64x32xf32>
      %logistic3A_1337 = arith.negf %add3A_1336 : vector<64x32xf32>
      %logistic3A_1338 = math.exp %logistic3A_1337 : vector<64x32xf32>
      %logistic3A_1339 = arith.constant 1.000000e+00 : f32
      %logistic3A_1340 = vector.broadcast %logistic3A_1339 : f32 to vector<64x32xf32>
      %logistic3A_1341 = arith.addf %logistic3A_1340, %logistic3A_1338 : vector<64x32xf32>
      %logistic3A_1342 = arith.divf %logistic3A_1340, %logistic3A_1341 : vector<64x32xf32>
      %get3A_1343 = arith.constant 18 : index
      %get3A_1344 = arith.constant 0 : index
      %get3A_1345 = vector.load %arg11[%get3A_1343, %get3A_1344] : memref<24x32xf32, #tpu.memory_space<vmem>>, vector<1x32xf32>
      %add3A_1346 = vector.broadcast %get3A_1345 : vector<1x32xf32> to vector<64x32xf32>
      %add3A_1347 = arith.addf %add3A_1319, %add3A_1346 : vector<64x32xf32>
      %logistic3A_1348 = arith.negf %add3A_1347 : vector<64x32xf32>
      %logistic3A_1349 = math.exp %logistic3A_1348 : vector<64x32xf32>
      %logistic3A_1350 = arith.constant 1.000000e+00 : f32
      %logistic3A_1351 = vector.broadcast %logistic3A_1350 : f32 to vector<64x32xf32>
      %logistic3A_1352 = arith.addf %logistic3A_1351, %logistic3A_1349 : vector<64x32xf32>
      %logistic3A_1353 = arith.divf %logistic3A_1351, %logistic3A_1352 : vector<64x32xf32>
      %get3A_1354 = arith.constant 18 : index
      %get3A_1355 = arith.constant 0 : index
      %get3A_1356 = vector.load %arg12[%get3A_1354, %get3A_1355] : memref<24x32xf32, #tpu.memory_space<vmem>>, vector<1x32xf32>
      %mul3A_1357 = vector.broadcast %get3A_1356 : vector<1x32xf32> to vector<64x32xf32>
      %mul3A_1358 = arith.mulf %logistic3A_1342, %mul3A_1357 : vector<64x32xf32>
      %add3A_1359 = arith.addf %add3A_1331, %mul3A_1358 : vector<64x32xf32>
      %tanh3A_1360 = math.tanh %add3A_1359 : vector<64x32xf32>
      %sub3A_1361 = arith.constant 1.000000e+00 : f32
      %sub3A_1362 = vector.broadcast %sub3A_1361 : f32 to vector<64x32xf32>
      %sub3A_1363 = arith.subf %sub3A_1362, %logistic3A_1353 : vector<64x32xf32>
      %mul3A_1364 = arith.mulf %sub3A_1363, %tanh3A_1360 : vector<64x32xf32>
      %get3A_1365 = arith.constant 19 : index
      %get3A_1366 = arith.constant 0 : index
      %get3A_1367 = arith.constant 0 : index
      %get3A_1368 = vector.load %arg4[%get3A_1365, %get3A_1366, %get3A_1367] : memref<24x32x64xf32, #tpu.memory_space<vmem>>, vector<1x32x64xf32>
      %get3A_1369 = vector.shape_cast %get3A_1368 : vector<1x32x64xf32> to vector<32x64xf32>
      %dot_general3A_1370 = arith.constant dense<0.000000e+00> : vector<64x32xf32>
      %dot_general3A_1371 = tpu.matmul %get3A_1295, %get3A_1369, %dot_general3A_1370 {dimension_numbers = #tpu.dot_dimension_numbers<[1], [1], [0], [0], [0, 0, 1, 0], [], []>, transpose_lhs_hint = false} : vector<64x64xf32>, vector<32x64xf32>, vector<64x32xf32> -> vector<64x32xf32>
      %get3A_1372 = arith.constant 19 : index
      %get3A_1373 = arith.constant 0 : index
      %get3A_1374 = vector.load %arg7[%get3A_1372, %get3A_1373] : memref<24x32xf32, #tpu.memory_space<vmem>>, vector<1x32xf32>
      %add3A_1375 = vector.broadcast %get3A_1374 : vector<1x32xf32> to vector<64x32xf32>
      %add3A_1376 = arith.addf %dot_general3A_1371, %add3A_1375 : vector<64x32xf32>
      %get3A_1377 = arith.constant 19 : index
      %get3A_1378 = arith.constant 0 : index
      %get3A_1379 = arith.constant 0 : index
      %get3A_1380 = vector.load %arg5[%get3A_1377, %get3A_1378, %get3A_1379] : memref<24x32x64xf32, #tpu.memory_space<vmem>>, vector<1x32x64xf32>
      %get3A_1381 = vector.shape_cast %get3A_1380 : vector<1x32x64xf32> to vector<32x64xf32>
      %dot_general3A_1382 = arith.constant dense<0.000000e+00> : vector<64x32xf32>
      %dot_general3A_1383 = tpu.matmul %get3A_1295, %get3A_1381, %dot_general3A_1382 {dimension_numbers = #tpu.dot_dimension_numbers<[1], [1], [0], [0], [0, 0, 1, 0], [], []>, transpose_lhs_hint = false} : vector<64x64xf32>, vector<32x64xf32>, vector<64x32xf32> -> vector<64x32xf32>
      %get3A_1384 = arith.constant 19 : index
      %get3A_1385 = arith.constant 0 : index
      %get3A_1386 = vector.load %arg8[%get3A_1384, %get3A_1385] : memref<24x32xf32, #tpu.memory_space<vmem>>, vector<1x32xf32>
      %add3A_1387 = vector.broadcast %get3A_1386 : vector<1x32xf32> to vector<64x32xf32>
      %add3A_1388 = arith.addf %dot_general3A_1383, %add3A_1387 : vector<64x32xf32>
      %get3A_1389 = arith.constant 19 : index
      %get3A_1390 = arith.constant 0 : index
      %get3A_1391 = arith.constant 0 : index
      %get3A_1392 = vector.load %arg6[%get3A_1389, %get3A_1390, %get3A_1391] : memref<24x32x64xf32, #tpu.memory_space<vmem>>, vector<1x32x64xf32>
      %get3A_1393 = vector.shape_cast %get3A_1392 : vector<1x32x64xf32> to vector<32x64xf32>
      %dot_general3A_1394 = arith.constant dense<0.000000e+00> : vector<64x32xf32>
      %dot_general3A_1395 = tpu.matmul %get3A_1295, %get3A_1393, %dot_general3A_1394 {dimension_numbers = #tpu.dot_dimension_numbers<[1], [1], [0], [0], [0, 0, 1, 0], [], []>, transpose_lhs_hint = false} : vector<64x64xf32>, vector<32x64xf32>, vector<64x32xf32> -> vector<64x32xf32>
      %get3A_1396 = arith.constant 19 : index
      %get3A_1397 = arith.constant 0 : index
      %get3A_1398 = vector.load %arg9[%get3A_1396, %get3A_1397] : memref<24x32xf32, #tpu.memory_space<vmem>>, vector<1x32xf32>
      %add3A_1399 = vector.broadcast %get3A_1398 : vector<1x32xf32> to vector<64x32xf32>
      %add3A_1400 = arith.addf %dot_general3A_1395, %add3A_1399 : vector<64x32xf32>
      %get3A_1401 = arith.constant 19 : index
      %get3A_1402 = arith.constant 0 : index
      %get3A_1403 = vector.load %arg10[%get3A_1401, %get3A_1402] : memref<24x32xf32, #tpu.memory_space<vmem>>, vector<1x32xf32>
      %add3A_1404 = vector.broadcast %get3A_1403 : vector<1x32xf32> to vector<64x32xf32>
      %add3A_1405 = arith.addf %add3A_1376, %add3A_1404 : vector<64x32xf32>
      %logistic3A_1406 = arith.negf %add3A_1405 : vector<64x32xf32>
      %logistic3A_1407 = math.exp %logistic3A_1406 : vector<64x32xf32>
      %logistic3A_1408 = arith.constant 1.000000e+00 : f32
      %logistic3A_1409 = vector.broadcast %logistic3A_1408 : f32 to vector<64x32xf32>
      %logistic3A_1410 = arith.addf %logistic3A_1409, %logistic3A_1407 : vector<64x32xf32>
      %logistic3A_1411 = arith.divf %logistic3A_1409, %logistic3A_1410 : vector<64x32xf32>
      %get3A_1412 = arith.constant 19 : index
      %get3A_1413 = arith.constant 0 : index
      %get3A_1414 = vector.load %arg11[%get3A_1412, %get3A_1413] : memref<24x32xf32, #tpu.memory_space<vmem>>, vector<1x32xf32>
      %add3A_1415 = vector.broadcast %get3A_1414 : vector<1x32xf32> to vector<64x32xf32>
      %add3A_1416 = arith.addf %add3A_1388, %add3A_1415 : vector<64x32xf32>
      %logistic3A_1417 = arith.negf %add3A_1416 : vector<64x32xf32>
      %logistic3A_1418 = math.exp %logistic3A_1417 : vector<64x32xf32>
      %logistic3A_1419 = arith.constant 1.000000e+00 : f32
      %logistic3A_1420 = vector.broadcast %logistic3A_1419 : f32 to vector<64x32xf32>
      %logistic3A_1421 = arith.addf %logistic3A_1420, %logistic3A_1418 : vector<64x32xf32>
      %logistic3A_1422 = arith.divf %logistic3A_1420, %logistic3A_1421 : vector<64x32xf32>
      %get3A_1423 = arith.constant 19 : index
      %get3A_1424 = arith.constant 0 : index
      %get3A_1425 = vector.load %arg12[%get3A_1423, %get3A_1424] : memref<24x32xf32, #tpu.memory_space<vmem>>, vector<1x32xf32>
      %mul3A_1426 = vector.broadcast %get3A_1425 : vector<1x32xf32> to vector<64x32xf32>
      %mul3A_1427 = arith.mulf %logistic3A_1411, %mul3A_1426 : vector<64x32xf32>
      %add3A_1428 = arith.addf %add3A_1400, %mul3A_1427 : vector<64x32xf32>
      %tanh3A_1429 = math.tanh %add3A_1428 : vector<64x32xf32>
      %sub3A_1430 = arith.constant 1.000000e+00 : f32
      %sub3A_1431 = vector.broadcast %sub3A_1430 : f32 to vector<64x32xf32>
      %sub3A_1432 = arith.subf %sub3A_1431, %logistic3A_1422 : vector<64x32xf32>
      %mul3A_1433 = arith.mulf %sub3A_1432, %tanh3A_1429 : vector<64x32xf32>
      %concatenate3A_1434 = tpu.concatenate %mul3A_1364, %mul3A_1433 in 1 : vector<64x32xf32>, vector<64x32xf32> -> vector<64x64xf32>
      %get3A_1435 = arith.constant 20 : index
      %get3A_1436 = arith.constant 0 : index
      %get3A_1437 = arith.constant 0 : index
      %get3A_1438 = vector.load %arg4[%get3A_1435, %get3A_1436, %get3A_1437] : memref<24x32x64xf32, #tpu.memory_space<vmem>>, vector<1x32x64xf32>
      %get3A_1439 = vector.shape_cast %get3A_1438 : vector<1x32x64xf32> to vector<32x64xf32>
      %dot_general3A_1440 = arith.constant dense<0.000000e+00> : vector<64x32xf32>
      %dot_general3A_1441 = tpu.matmul %concatenate3A_1434, %get3A_1439, %dot_general3A_1440 {dimension_numbers = #tpu.dot_dimension_numbers<[1], [1], [0], [0], [0, 0, 1, 0], [], []>, transpose_lhs_hint = false} : vector<64x64xf32>, vector<32x64xf32>, vector<64x32xf32> -> vector<64x32xf32>
      %get3A_1442 = arith.constant 20 : index
      %get3A_1443 = arith.constant 0 : index
      %get3A_1444 = vector.load %arg7[%get3A_1442, %get3A_1443] : memref<24x32xf32, #tpu.memory_space<vmem>>, vector<1x32xf32>
      %add3A_1445 = vector.broadcast %get3A_1444 : vector<1x32xf32> to vector<64x32xf32>
      %add3A_1446 = arith.addf %dot_general3A_1441, %add3A_1445 : vector<64x32xf32>
      %get3A_1447 = arith.constant 20 : index
      %get3A_1448 = arith.constant 0 : index
      %get3A_1449 = arith.constant 0 : index
      %get3A_1450 = vector.load %arg5[%get3A_1447, %get3A_1448, %get3A_1449] : memref<24x32x64xf32, #tpu.memory_space<vmem>>, vector<1x32x64xf32>
      %get3A_1451 = vector.shape_cast %get3A_1450 : vector<1x32x64xf32> to vector<32x64xf32>
      %dot_general3A_1452 = arith.constant dense<0.000000e+00> : vector<64x32xf32>
      %dot_general3A_1453 = tpu.matmul %concatenate3A_1434, %get3A_1451, %dot_general3A_1452 {dimension_numbers = #tpu.dot_dimension_numbers<[1], [1], [0], [0], [0, 0, 1, 0], [], []>, transpose_lhs_hint = false} : vector<64x64xf32>, vector<32x64xf32>, vector<64x32xf32> -> vector<64x32xf32>
      %get3A_1454 = arith.constant 20 : index
      %get3A_1455 = arith.constant 0 : index
      %get3A_1456 = vector.load %arg8[%get3A_1454, %get3A_1455] : memref<24x32xf32, #tpu.memory_space<vmem>>, vector<1x32xf32>
      %add3A_1457 = vector.broadcast %get3A_1456 : vector<1x32xf32> to vector<64x32xf32>
      %add3A_1458 = arith.addf %dot_general3A_1453, %add3A_1457 : vector<64x32xf32>
      %get3A_1459 = arith.constant 20 : index
      %get3A_1460 = arith.constant 0 : index
      %get3A_1461 = arith.constant 0 : index
      %get3A_1462 = vector.load %arg6[%get3A_1459, %get3A_1460, %get3A_1461] : memref<24x32x64xf32, #tpu.memory_space<vmem>>, vector<1x32x64xf32>
      %get3A_1463 = vector.shape_cast %get3A_1462 : vector<1x32x64xf32> to vector<32x64xf32>
      %dot_general3A_1464 = arith.constant dense<0.000000e+00> : vector<64x32xf32>
      %dot_general3A_1465 = tpu.matmul %concatenate3A_1434, %get3A_1463, %dot_general3A_1464 {dimension_numbers = #tpu.dot_dimension_numbers<[1], [1], [0], [0], [0, 0, 1, 0], [], []>, transpose_lhs_hint = false} : vector<64x64xf32>, vector<32x64xf32>, vector<64x32xf32> -> vector<64x32xf32>
      %get3A_1466 = arith.constant 20 : index
      %get3A_1467 = arith.constant 0 : index
      %get3A_1468 = vector.load %arg9[%get3A_1466, %get3A_1467] : memref<24x32xf32, #tpu.memory_space<vmem>>, vector<1x32xf32>
      %add3A_1469 = vector.broadcast %get3A_1468 : vector<1x32xf32> to vector<64x32xf32>
      %add3A_1470 = arith.addf %dot_general3A_1465, %add3A_1469 : vector<64x32xf32>
      %get3A_1471 = arith.constant 20 : index
      %get3A_1472 = arith.constant 0 : index
      %get3A_1473 = vector.load %arg10[%get3A_1471, %get3A_1472] : memref<24x32xf32, #tpu.memory_space<vmem>>, vector<1x32xf32>
      %add3A_1474 = vector.broadcast %get3A_1473 : vector<1x32xf32> to vector<64x32xf32>
      %add3A_1475 = arith.addf %add3A_1446, %add3A_1474 : vector<64x32xf32>
      %logistic3A_1476 = arith.negf %add3A_1475 : vector<64x32xf32>
      %logistic3A_1477 = math.exp %logistic3A_1476 : vector<64x32xf32>
      %logistic3A_1478 = arith.constant 1.000000e+00 : f32
      %logistic3A_1479 = vector.broadcast %logistic3A_1478 : f32 to vector<64x32xf32>
      %logistic3A_1480 = arith.addf %logistic3A_1479, %logistic3A_1477 : vector<64x32xf32>
      %logistic3A_1481 = arith.divf %logistic3A_1479, %logistic3A_1480 : vector<64x32xf32>
      %get3A_1482 = arith.constant 20 : index
      %get3A_1483 = arith.constant 0 : index
      %get3A_1484 = vector.load %arg11[%get3A_1482, %get3A_1483] : memref<24x32xf32, #tpu.memory_space<vmem>>, vector<1x32xf32>
      %add3A_1485 = vector.broadcast %get3A_1484 : vector<1x32xf32> to vector<64x32xf32>
      %add3A_1486 = arith.addf %add3A_1458, %add3A_1485 : vector<64x32xf32>
      %logistic3A_1487 = arith.negf %add3A_1486 : vector<64x32xf32>
      %logistic3A_1488 = math.exp %logistic3A_1487 : vector<64x32xf32>
      %logistic3A_1489 = arith.constant 1.000000e+00 : f32
      %logistic3A_1490 = vector.broadcast %logistic3A_1489 : f32 to vector<64x32xf32>
      %logistic3A_1491 = arith.addf %logistic3A_1490, %logistic3A_1488 : vector<64x32xf32>
      %logistic3A_1492 = arith.divf %logistic3A_1490, %logistic3A_1491 : vector<64x32xf32>
      %get3A_1493 = arith.constant 20 : index
      %get3A_1494 = arith.constant 0 : index
      %get3A_1495 = vector.load %arg12[%get3A_1493, %get3A_1494] : memref<24x32xf32, #tpu.memory_space<vmem>>, vector<1x32xf32>
      %mul3A_1496 = vector.broadcast %get3A_1495 : vector<1x32xf32> to vector<64x32xf32>
      %mul3A_1497 = arith.mulf %logistic3A_1481, %mul3A_1496 : vector<64x32xf32>
      %add3A_1498 = arith.addf %add3A_1470, %mul3A_1497 : vector<64x32xf32>
      %tanh3A_1499 = math.tanh %add3A_1498 : vector<64x32xf32>
      %sub3A_1500 = arith.constant 1.000000e+00 : f32
      %sub3A_1501 = vector.broadcast %sub3A_1500 : f32 to vector<64x32xf32>
      %sub3A_1502 = arith.subf %sub3A_1501, %logistic3A_1492 : vector<64x32xf32>
      %mul3A_1503 = arith.mulf %sub3A_1502, %tanh3A_1499 : vector<64x32xf32>
      %get3A_1504 = arith.constant 21 : index
      %get3A_1505 = arith.constant 0 : index
      %get3A_1506 = arith.constant 0 : index
      %get3A_1507 = vector.load %arg4[%get3A_1504, %get3A_1505, %get3A_1506] : memref<24x32x64xf32, #tpu.memory_space<vmem>>, vector<1x32x64xf32>
      %get3A_1508 = vector.shape_cast %get3A_1507 : vector<1x32x64xf32> to vector<32x64xf32>
      %dot_general3A_1509 = arith.constant dense<0.000000e+00> : vector<64x32xf32>
      %dot_general3A_1510 = tpu.matmul %concatenate3A_1434, %get3A_1508, %dot_general3A_1509 {dimension_numbers = #tpu.dot_dimension_numbers<[1], [1], [0], [0], [0, 0, 1, 0], [], []>, transpose_lhs_hint = false} : vector<64x64xf32>, vector<32x64xf32>, vector<64x32xf32> -> vector<64x32xf32>
      %get3A_1511 = arith.constant 21 : index
      %get3A_1512 = arith.constant 0 : index
      %get3A_1513 = vector.load %arg7[%get3A_1511, %get3A_1512] : memref<24x32xf32, #tpu.memory_space<vmem>>, vector<1x32xf32>
      %add3A_1514 = vector.broadcast %get3A_1513 : vector<1x32xf32> to vector<64x32xf32>
      %add3A_1515 = arith.addf %dot_general3A_1510, %add3A_1514 : vector<64x32xf32>
      %get3A_1516 = arith.constant 21 : index
      %get3A_1517 = arith.constant 0 : index
      %get3A_1518 = arith.constant 0 : index
      %get3A_1519 = vector.load %arg5[%get3A_1516, %get3A_1517, %get3A_1518] : memref<24x32x64xf32, #tpu.memory_space<vmem>>, vector<1x32x64xf32>
      %get3A_1520 = vector.shape_cast %get3A_1519 : vector<1x32x64xf32> to vector<32x64xf32>
      %dot_general3A_1521 = arith.constant dense<0.000000e+00> : vector<64x32xf32>
      %dot_general3A_1522 = tpu.matmul %concatenate3A_1434, %get3A_1520, %dot_general3A_1521 {dimension_numbers = #tpu.dot_dimension_numbers<[1], [1], [0], [0], [0, 0, 1, 0], [], []>, transpose_lhs_hint = false} : vector<64x64xf32>, vector<32x64xf32>, vector<64x32xf32> -> vector<64x32xf32>
      %get3A_1523 = arith.constant 21 : index
      %get3A_1524 = arith.constant 0 : index
      %get3A_1525 = vector.load %arg8[%get3A_1523, %get3A_1524] : memref<24x32xf32, #tpu.memory_space<vmem>>, vector<1x32xf32>
      %add3A_1526 = vector.broadcast %get3A_1525 : vector<1x32xf32> to vector<64x32xf32>
      %add3A_1527 = arith.addf %dot_general3A_1522, %add3A_1526 : vector<64x32xf32>
      %get3A_1528 = arith.constant 21 : index
      %get3A_1529 = arith.constant 0 : index
      %get3A_1530 = arith.constant 0 : index
      %get3A_1531 = vector.load %arg6[%get3A_1528, %get3A_1529, %get3A_1530] : memref<24x32x64xf32, #tpu.memory_space<vmem>>, vector<1x32x64xf32>
      %get3A_1532 = vector.shape_cast %get3A_1531 : vector<1x32x64xf32> to vector<32x64xf32>
      %dot_general3A_1533 = arith.constant dense<0.000000e+00> : vector<64x32xf32>
      %dot_general3A_1534 = tpu.matmul %concatenate3A_1434, %get3A_1532, %dot_general3A_1533 {dimension_numbers = #tpu.dot_dimension_numbers<[1], [1], [0], [0], [0, 0, 1, 0], [], []>, transpose_lhs_hint = false} : vector<64x64xf32>, vector<32x64xf32>, vector<64x32xf32> -> vector<64x32xf32>
      %get3A_1535 = arith.constant 21 : index
      %get3A_1536 = arith.constant 0 : index
      %get3A_1537 = vector.load %arg9[%get3A_1535, %get3A_1536] : memref<24x32xf32, #tpu.memory_space<vmem>>, vector<1x32xf32>
      %add3A_1538 = vector.broadcast %get3A_1537 : vector<1x32xf32> to vector<64x32xf32>
      %add3A_1539 = arith.addf %dot_general3A_1534, %add3A_1538 : vector<64x32xf32>
      %get3A_1540 = arith.constant 21 : index
      %get3A_1541 = arith.constant 0 : index
      %get3A_1542 = vector.load %arg10[%get3A_1540, %get3A_1541] : memref<24x32xf32, #tpu.memory_space<vmem>>, vector<1x32xf32>
      %add3A_1543 = vector.broadcast %get3A_1542 : vector<1x32xf32> to vector<64x32xf32>
      %add3A_1544 = arith.addf %add3A_1515, %add3A_1543 : vector<64x32xf32>
      %logistic3A_1545 = arith.negf %add3A_1544 : vector<64x32xf32>
      %logistic3A_1546 = math.exp %logistic3A_1545 : vector<64x32xf32>
      %logistic3A_1547 = arith.constant 1.000000e+00 : f32
      %logistic3A_1548 = vector.broadcast %logistic3A_1547 : f32 to vector<64x32xf32>
      %logistic3A_1549 = arith.addf %logistic3A_1548, %logistic3A_1546 : vector<64x32xf32>
      %logistic3A_1550 = arith.divf %logistic3A_1548, %logistic3A_1549 : vector<64x32xf32>
      %get3A_1551 = arith.constant 21 : index
      %get3A_1552 = arith.constant 0 : index
      %get3A_1553 = vector.load %arg11[%get3A_1551, %get3A_1552] : memref<24x32xf32, #tpu.memory_space<vmem>>, vector<1x32xf32>
      %add3A_1554 = vector.broadcast %get3A_1553 : vector<1x32xf32> to vector<64x32xf32>
      %add3A_1555 = arith.addf %add3A_1527, %add3A_1554 : vector<64x32xf32>
      %logistic3A_1556 = arith.negf %add3A_1555 : vector<64x32xf32>
      %logistic3A_1557 = math.exp %logistic3A_1556 : vector<64x32xf32>
      %logistic3A_1558 = arith.constant 1.000000e+00 : f32
      %logistic3A_1559 = vector.broadcast %logistic3A_1558 : f32 to vector<64x32xf32>
      %logistic3A_1560 = arith.addf %logistic3A_1559, %logistic3A_1557 : vector<64x32xf32>
      %logistic3A_1561 = arith.divf %logistic3A_1559, %logistic3A_1560 : vector<64x32xf32>
      %get3A_1562 = arith.constant 21 : index
      %get3A_1563 = arith.constant 0 : index
      %get3A_1564 = vector.load %arg12[%get3A_1562, %get3A_1563] : memref<24x32xf32, #tpu.memory_space<vmem>>, vector<1x32xf32>
      %mul3A_1565 = vector.broadcast %get3A_1564 : vector<1x32xf32> to vector<64x32xf32>
      %mul3A_1566 = arith.mulf %logistic3A_1550, %mul3A_1565 : vector<64x32xf32>
      %add3A_1567 = arith.addf %add3A_1539, %mul3A_1566 : vector<64x32xf32>
      %tanh3A_1568 = math.tanh %add3A_1567 : vector<64x32xf32>
      %sub3A_1569 = arith.constant 1.000000e+00 : f32
      %sub3A_1570 = vector.broadcast %sub3A_1569 : f32 to vector<64x32xf32>
      %sub3A_1571 = arith.subf %sub3A_1570, %logistic3A_1561 : vector<64x32xf32>
      %mul3A_1572 = arith.mulf %sub3A_1571, %tanh3A_1568 : vector<64x32xf32>
      %concatenate3A_1573 = tpu.concatenate %mul3A_1503, %mul3A_1572 in 1 : vector<64x32xf32>, vector<64x32xf32> -> vector<64x64xf32>
      %get3A_1574 = arith.constant 22 : index
      %get3A_1575 = arith.constant 0 : index
      %get3A_1576 = arith.constant 0 : index
      %get3A_1577 = vector.load %arg4[%get3A_1574, %get3A_1575, %get3A_1576] : memref<24x32x64xf32, #tpu.memory_space<vmem>>, vector<1x32x64xf32>
      %get3A_1578 = vector.shape_cast %get3A_1577 : vector<1x32x64xf32> to vector<32x64xf32>
      %dot_general3A_1579 = arith.constant dense<0.000000e+00> : vector<64x32xf32>
      %dot_general3A_1580 = tpu.matmul %concatenate3A_1573, %get3A_1578, %dot_general3A_1579 {dimension_numbers = #tpu.dot_dimension_numbers<[1], [1], [0], [0], [0, 0, 1, 0], [], []>, transpose_lhs_hint = false} : vector<64x64xf32>, vector<32x64xf32>, vector<64x32xf32> -> vector<64x32xf32>
      %get3A_1581 = arith.constant 22 : index
      %get3A_1582 = arith.constant 0 : index
      %get3A_1583 = vector.load %arg7[%get3A_1581, %get3A_1582] : memref<24x32xf32, #tpu.memory_space<vmem>>, vector<1x32xf32>
      %add3A_1584 = vector.broadcast %get3A_1583 : vector<1x32xf32> to vector<64x32xf32>
      %add3A_1585 = arith.addf %dot_general3A_1580, %add3A_1584 : vector<64x32xf32>
      %get3A_1586 = arith.constant 22 : index
      %get3A_1587 = arith.constant 0 : index
      %get3A_1588 = arith.constant 0 : index
      %get3A_1589 = vector.load %arg5[%get3A_1586, %get3A_1587, %get3A_1588] : memref<24x32x64xf32, #tpu.memory_space<vmem>>, vector<1x32x64xf32>
      %get3A_1590 = vector.shape_cast %get3A_1589 : vector<1x32x64xf32> to vector<32x64xf32>
      %dot_general3A_1591 = arith.constant dense<0.000000e+00> : vector<64x32xf32>
      %dot_general3A_1592 = tpu.matmul %concatenate3A_1573, %get3A_1590, %dot_general3A_1591 {dimension_numbers = #tpu.dot_dimension_numbers<[1], [1], [0], [0], [0, 0, 1, 0], [], []>, transpose_lhs_hint = false} : vector<64x64xf32>, vector<32x64xf32>, vector<64x32xf32> -> vector<64x32xf32>
      %get3A_1593 = arith.constant 22 : index
      %get3A_1594 = arith.constant 0 : index
      %get3A_1595 = vector.load %arg8[%get3A_1593, %get3A_1594] : memref<24x32xf32, #tpu.memory_space<vmem>>, vector<1x32xf32>
      %add3A_1596 = vector.broadcast %get3A_1595 : vector<1x32xf32> to vector<64x32xf32>
      %add3A_1597 = arith.addf %dot_general3A_1592, %add3A_1596 : vector<64x32xf32>
      %get3A_1598 = arith.constant 22 : index
      %get3A_1599 = arith.constant 0 : index
      %get3A_1600 = arith.constant 0 : index
      %get3A_1601 = vector.load %arg6[%get3A_1598, %get3A_1599, %get3A_1600] : memref<24x32x64xf32, #tpu.memory_space<vmem>>, vector<1x32x64xf32>
      %get3A_1602 = vector.shape_cast %get3A_1601 : vector<1x32x64xf32> to vector<32x64xf32>
      %dot_general3A_1603 = arith.constant dense<0.000000e+00> : vector<64x32xf32>
      %dot_general3A_1604 = tpu.matmul %concatenate3A_1573, %get3A_1602, %dot_general3A_1603 {dimension_numbers = #tpu.dot_dimension_numbers<[1], [1], [0], [0], [0, 0, 1, 0], [], []>, transpose_lhs_hint = false} : vector<64x64xf32>, vector<32x64xf32>, vector<64x32xf32> -> vector<64x32xf32>
      %get3A_1605 = arith.constant 22 : index
      %get3A_1606 = arith.constant 0 : index
      %get3A_1607 = vector.load %arg9[%get3A_1605, %get3A_1606] : memref<24x32xf32, #tpu.memory_space<vmem>>, vector<1x32xf32>
      %add3A_1608 = vector.broadcast %get3A_1607 : vector<1x32xf32> to vector<64x32xf32>
      %add3A_1609 = arith.addf %dot_general3A_1604, %add3A_1608 : vector<64x32xf32>
      %get3A_1610 = arith.constant 22 : index
      %get3A_1611 = arith.constant 0 : index
      %get3A_1612 = vector.load %arg10[%get3A_1610, %get3A_1611] : memref<24x32xf32, #tpu.memory_space<vmem>>, vector<1x32xf32>
      %add3A_1613 = vector.broadcast %get3A_1612 : vector<1x32xf32> to vector<64x32xf32>
      %add3A_1614 = arith.addf %add3A_1585, %add3A_1613 : vector<64x32xf32>
      %logistic3A_1615 = arith.negf %add3A_1614 : vector<64x32xf32>
      %logistic3A_1616 = math.exp %logistic3A_1615 : vector<64x32xf32>
      %logistic3A_1617 = arith.constant 1.000000e+00 : f32
      %logistic3A_1618 = vector.broadcast %logistic3A_1617 : f32 to vector<64x32xf32>
      %logistic3A_1619 = arith.addf %logistic3A_1618, %logistic3A_1616 : vector<64x32xf32>
      %logistic3A_1620 = arith.divf %logistic3A_1618, %logistic3A_1619 : vector<64x32xf32>
      %get3A_1621 = arith.constant 22 : index
      %get3A_1622 = arith.constant 0 : index
      %get3A_1623 = vector.load %arg11[%get3A_1621, %get3A_1622] : memref<24x32xf32, #tpu.memory_space<vmem>>, vector<1x32xf32>
      %add3A_1624 = vector.broadcast %get3A_1623 : vector<1x32xf32> to vector<64x32xf32>
      %add3A_1625 = arith.addf %add3A_1597, %add3A_1624 : vector<64x32xf32>
      %logistic3A_1626 = arith.negf %add3A_1625 : vector<64x32xf32>
      %logistic3A_1627 = math.exp %logistic3A_1626 : vector<64x32xf32>
      %logistic3A_1628 = arith.constant 1.000000e+00 : f32
      %logistic3A_1629 = vector.broadcast %logistic3A_1628 : f32 to vector<64x32xf32>
      %logistic3A_1630 = arith.addf %logistic3A_1629, %logistic3A_1627 : vector<64x32xf32>
      %logistic3A_1631 = arith.divf %logistic3A_1629, %logistic3A_1630 : vector<64x32xf32>
      %get3A_1632 = arith.constant 22 : index
      %get3A_1633 = arith.constant 0 : index
      %get3A_1634 = vector.load %arg12[%get3A_1632, %get3A_1633] : memref<24x32xf32, #tpu.memory_space<vmem>>, vector<1x32xf32>
      %mul3A_1635 = vector.broadcast %get3A_1634 : vector<1x32xf32> to vector<64x32xf32>
      %mul3A_1636 = arith.mulf %logistic3A_1620, %mul3A_1635 : vector<64x32xf32>
      %add3A_1637 = arith.addf %add3A_1609, %mul3A_1636 : vector<64x32xf32>
      %tanh3A_1638 = math.tanh %add3A_1637 : vector<64x32xf32>
      %sub3A_1639 = arith.constant 1.000000e+00 : f32
      %sub3A_1640 = vector.broadcast %sub3A_1639 : f32 to vector<64x32xf32>
      %sub3A_1641 = arith.subf %sub3A_1640, %logistic3A_1631 : vector<64x32xf32>
      %mul3A_1642 = arith.mulf %sub3A_1641, %tanh3A_1638 : vector<64x32xf32>
      %get3A_1643 = arith.constant 23 : index
      %get3A_1644 = arith.constant 0 : index
      %get3A_1645 = arith.constant 0 : index
      %get3A_1646 = vector.load %arg4[%get3A_1643, %get3A_1644, %get3A_1645] : memref<24x32x64xf32, #tpu.memory_space<vmem>>, vector<1x32x64xf32>
      %get3A_1647 = vector.shape_cast %get3A_1646 : vector<1x32x64xf32> to vector<32x64xf32>
      %dot_general3A_1648 = arith.constant dense<0.000000e+00> : vector<64x32xf32>
      %dot_general3A_1649 = tpu.matmul %concatenate3A_1573, %get3A_1647, %dot_general3A_1648 {dimension_numbers = #tpu.dot_dimension_numbers<[1], [1], [0], [0], [0, 0, 1, 0], [], []>, transpose_lhs_hint = false} : vector<64x64xf32>, vector<32x64xf32>, vector<64x32xf32> -> vector<64x32xf32>
      %get3A_1650 = arith.constant 23 : index
      %get3A_1651 = arith.constant 0 : index
      %get3A_1652 = vector.load %arg7[%get3A_1650, %get3A_1651] : memref<24x32xf32, #tpu.memory_space<vmem>>, vector<1x32xf32>
      %add3A_1653 = vector.broadcast %get3A_1652 : vector<1x32xf32> to vector<64x32xf32>
      %add3A_1654 = arith.addf %dot_general3A_1649, %add3A_1653 : vector<64x32xf32>
      %get3A_1655 = arith.constant 23 : index
      %get3A_1656 = arith.constant 0 : index
      %get3A_1657 = arith.constant 0 : index
      %get3A_1658 = vector.load %arg5[%get3A_1655, %get3A_1656, %get3A_1657] : memref<24x32x64xf32, #tpu.memory_space<vmem>>, vector<1x32x64xf32>
      %get3A_1659 = vector.shape_cast %get3A_1658 : vector<1x32x64xf32> to vector<32x64xf32>
      %dot_general3A_1660 = arith.constant dense<0.000000e+00> : vector<64x32xf32>
      %dot_general3A_1661 = tpu.matmul %concatenate3A_1573, %get3A_1659, %dot_general3A_1660 {dimension_numbers = #tpu.dot_dimension_numbers<[1], [1], [0], [0], [0, 0, 1, 0], [], []>, transpose_lhs_hint = false} : vector<64x64xf32>, vector<32x64xf32>, vector<64x32xf32> -> vector<64x32xf32>
      %get3A_1662 = arith.constant 23 : index
      %get3A_1663 = arith.constant 0 : index
      %get3A_1664 = vector.load %arg8[%get3A_1662, %get3A_1663] : memref<24x32xf32, #tpu.memory_space<vmem>>, vector<1x32xf32>
      %add3A_1665 = vector.broadcast %get3A_1664 : vector<1x32xf32> to vector<64x32xf32>
      %add3A_1666 = arith.addf %dot_general3A_1661, %add3A_1665 : vector<64x32xf32>
      %get3A_1667 = arith.constant 23 : index
      %get3A_1668 = arith.constant 0 : index
      %get3A_1669 = arith.constant 0 : index
      %get3A_1670 = vector.load %arg6[%get3A_1667, %get3A_1668, %get3A_1669] : memref<24x32x64xf32, #tpu.memory_space<vmem>>, vector<1x32x64xf32>
      %get3A_1671 = vector.shape_cast %get3A_1670 : vector<1x32x64xf32> to vector<32x64xf32>
      %dot_general3A_1672 = arith.constant dense<0.000000e+00> : vector<64x32xf32>
      %dot_general3A_1673 = tpu.matmul %concatenate3A_1573, %get3A_1671, %dot_general3A_1672 {dimension_numbers = #tpu.dot_dimension_numbers<[1], [1], [0], [0], [0, 0, 1, 0], [], []>, transpose_lhs_hint = false} : vector<64x64xf32>, vector<32x64xf32>, vector<64x32xf32> -> vector<64x32xf32>
      %get3A_1674 = arith.constant 23 : index
      %get3A_1675 = arith.constant 0 : index
      %get3A_1676 = vector.load %arg9[%get3A_1674, %get3A_1675] : memref<24x32xf32, #tpu.memory_space<vmem>>, vector<1x32xf32>
      %add3A_1677 = vector.broadcast %get3A_1676 : vector<1x32xf32> to vector<64x32xf32>
      %add3A_1678 = arith.addf %dot_general3A_1673, %add3A_1677 : vector<64x32xf32>
      %get3A_1679 = arith.constant 23 : index
      %get3A_1680 = arith.constant 0 : index
      %get3A_1681 = vector.load %arg10[%get3A_1679, %get3A_1680] : memref<24x32xf32, #tpu.memory_space<vmem>>, vector<1x32xf32>
      %add3A_1682 = vector.broadcast %get3A_1681 : vector<1x32xf32> to vector<64x32xf32>
      %add3A_1683 = arith.addf %add3A_1654, %add3A_1682 : vector<64x32xf32>
      %logistic3A_1684 = arith.negf %add3A_1683 : vector<64x32xf32>
      %logistic3A_1685 = math.exp %logistic3A_1684 : vector<64x32xf32>
      %logistic3A_1686 = arith.constant 1.000000e+00 : f32
      %logistic3A_1687 = vector.broadcast %logistic3A_1686 : f32 to vector<64x32xf32>
      %logistic3A_1688 = arith.addf %logistic3A_1687, %logistic3A_1685 : vector<64x32xf32>
      %logistic3A_1689 = arith.divf %logistic3A_1687, %logistic3A_1688 : vector<64x32xf32>
      %get3A_1690 = arith.constant 23 : index
      %get3A_1691 = arith.constant 0 : index
      %get3A_1692 = vector.load %arg11[%get3A_1690, %get3A_1691] : memref<24x32xf32, #tpu.memory_space<vmem>>, vector<1x32xf32>
      %add3A_1693 = vector.broadcast %get3A_1692 : vector<1x32xf32> to vector<64x32xf32>
      %add3A_1694 = arith.addf %add3A_1666, %add3A_1693 : vector<64x32xf32>
      %logistic3A_1695 = arith.negf %add3A_1694 : vector<64x32xf32>
      %logistic3A_1696 = math.exp %logistic3A_1695 : vector<64x32xf32>
      %logistic3A_1697 = arith.constant 1.000000e+00 : f32
      %logistic3A_1698 = vector.broadcast %logistic3A_1697 : f32 to vector<64x32xf32>
      %logistic3A_1699 = arith.addf %logistic3A_1698, %logistic3A_1696 : vector<64x32xf32>
      %logistic3A_1700 = arith.divf %logistic3A_1698, %logistic3A_1699 : vector<64x32xf32>
      %get3A_1701 = arith.constant 23 : index
      %get3A_1702 = arith.constant 0 : index
      %get3A_1703 = vector.load %arg12[%get3A_1701, %get3A_1702] : memref<24x32xf32, #tpu.memory_space<vmem>>, vector<1x32xf32>
      %mul3A_1704 = vector.broadcast %get3A_1703 : vector<1x32xf32> to vector<64x32xf32>
      %mul3A_1705 = arith.mulf %logistic3A_1689, %mul3A_1704 : vector<64x32xf32>
      %add3A_1706 = arith.addf %add3A_1678, %mul3A_1705 : vector<64x32xf32>
      %tanh3A_1707 = math.tanh %add3A_1706 : vector<64x32xf32>
      %sub3A_1708 = arith.constant 1.000000e+00 : f32
      %sub3A_1709 = vector.broadcast %sub3A_1708 : f32 to vector<64x32xf32>
      %sub3A_1710 = arith.subf %sub3A_1709, %logistic3A_1700 : vector<64x32xf32>
      %mul3A_1711 = arith.mulf %sub3A_1710, %tanh3A_1707 : vector<64x32xf32>
      %concatenate3A_1712 = tpu.concatenate %mul3A_1642, %mul3A_1711 in 1 : vector<64x32xf32>, vector<64x32xf32> -> vector<64x64xf32>
      %concatenate3A_1713 = tpu.concatenate %concatenate3A_446, %concatenate3A_868, %concatenate3A_1290, %concatenate3A_1712 in 0 : vector<64x64xf32>, vector<64x64xf32>, vector<64x64xf32>, vector<64x64xf32> -> vector<256x64xf32>
      %swap3A = arith.constant 0 : index
      %swap3A_1714 = arith.constant 0 : index
      %swap3A_1715 = vector.load %arg25[%swap3A, %swap3A_1714] : memref<256x64xf32, #tpu.memory_space<vmem>>, vector<256x64xf32>
      tpu.vector_store %arg25[%swap3A, %swap3A_1714], %concatenate3A_1713 {strides = array<i32>} : memref<256x64xf32, #tpu.memory_space<vmem>>, vector<256x64xf32>,
      %concatenate3A_1716 = tpu.concatenate %concatenate3A_1713, %concatenate3A_1713, %concatenate3A_1713, %concatenate3A_1713, %concatenate3A_1713, %concatenate3A_1713, %concatenate3A_1713, %concatenate3A_1713 in 0 : vector<256x64xf32>, vector<256x64xf32>, vector<256x64xf32>, vector<256x64xf32>, vector<256x64xf32>, vector<256x64xf32>, vector<256x64xf32>, vector<256x64xf32> -> vector<2048x64xf32>
      %swap3A_1717 = arith.constant 0 : index
      %swap3A_1718 = arith.constant 0 : index
      %swap3A_1719 = vector.load %arg26[%swap3A_1717, %swap3A_1718] : memref<2048x64xf32, #tpu.memory_space<vmem>>, vector<2048x64xf32>
      tpu.vector_store %arg26[%swap3A_1717, %swap3A_1718], %concatenate3A_1716 {strides = array<i32>} : memref<2048x64xf32, #tpu.memory_space<vmem>>, vector<2048x64xf32>,
      %broadcast_in_dim3A = arith.constant 0.000000e+00 : f32
      %broadcast_in_dim3A_1720 = vector.broadcast %broadcast_in_dim3A : f32 to vector<2x64xf32>
      %swap3A_1721 = arith.constant 0 : index
      %swap3A_1722 = arith.constant 0 : index
      %swap3A_1723 = vector.load %arg28[%swap3A_1721, %swap3A_1722] : memref<2x64xf32, #tpu.memory_space<vmem>>, vector<2x64xf32>
      tpu.vector_store %arg28[%swap3A_1721, %swap3A_1722], %broadcast_in_dim3A_1720 {strides = array<i32>} : memref<2x64xf32, #tpu.memory_space<vmem>>, vector<2x64xf32>,
      %broadcast_in_dim3A_1724 = arith.constant 0.000000e+00 : f32
      %broadcast_in_dim3A_1725 = vector.broadcast %broadcast_in_dim3A_1724 : f32 to vector<2x64xf32>
      %swap3A_1726 = arith.constant 0 : index
      %swap3A_1727 = arith.constant 0 : index
      %swap3A_1728 = vector.load %arg29[%swap3A_1726, %swap3A_1727] : memref<2x64xf32, #tpu.memory_space<vmem>>, vector<2x64xf32>
      tpu.vector_store %arg29[%swap3A_1726, %swap3A_1727], %broadcast_in_dim3A_1725 {strides = array<i32>} : memref<2x64xf32, #tpu.memory_space<vmem>>, vector<2x64xf32>,
      %get3A_1729 = arith.constant 0 : index
      %get3A_1730 = arith.constant 0 : index
      %get3A_1731 = arith.constant 0 : index
      %get3A_1732 = vector.load %arg2[%get3A_1729, %get3A_1730, %get3A_1731] : memref<4x256x256xf32, #tpu.memory_space<vmem>>, vector<1x256x256xf32>
      %get3A_1733 = vector.shape_cast %get3A_1732 : vector<1x256x256xf32> to vector<256x256xf32>
      %get3A_1734 = arith.constant 1 : index
      %get3A_1735 = arith.constant 0 : index
      %get3A_1736 = arith.constant 0 : index
      %get3A_1737 = vector.load %arg2[%get3A_1734, %get3A_1735, %get3A_1736] : memref<4x256x256xf32, #tpu.memory_space<vmem>>, vector<1x256x256xf32>
      %get3A_1738 = vector.shape_cast %get3A_1737 : vector<1x256x256xf32> to vector<256x256xf32>
      %add3A_1739 = arith.addf %get3A_1733, %get3A_1738 : vector<256x256xf32>
      %get3A_1740 = arith.constant 2 : index
      %get3A_1741 = arith.constant 0 : index
      %get3A_1742 = arith.constant 0 : index
      %get3A_1743 = vector.load %arg2[%get3A_1740, %get3A_1741, %get3A_1742] : memref<4x256x256xf32, #tpu.memory_space<vmem>>, vector<1x256x256xf32>
      %get3A_1744 = vector.shape_cast %get3A_1743 : vector<1x256x256xf32> to vector<256x256xf32>
      %get3A_1745 = arith.constant 3 : index
      %get3A_1746 = arith.constant 0 : index
      %get3A_1747 = arith.constant 0 : index
      %get3A_1748 = vector.load %arg2[%get3A_1745, %get3A_1746, %get3A_1747] : memref<4x256x256xf32, #tpu.memory_space<vmem>>, vector<1x256x256xf32>
      %get3A_1749 = vector.shape_cast %get3A_1748 : vector<1x256x256xf32> to vector<256x256xf32>
      %add3A_1750 = arith.addf %get3A_1744, %get3A_1749 : vector<256x256xf32>
      %add3A_1751 = arith.addf %add3A_1739, %add3A_1750 : vector<256x256xf32>
      %swap3A_1752 = arith.constant 0 : index
      %swap3A_1753 = arith.constant 0 : index
      %swap3A_1754 = vector.load %arg30[%swap3A_1752, %swap3A_1753] : memref<256x256xf32, #tpu.memory_space<vmem>>, vector<256x256xf32>
      tpu.vector_store %arg30[%swap3A_1752, %swap3A_1753], %add3A_1751 {strides = array<i32>} : memref<256x256xf32, #tpu.memory_space<vmem>>, vector<256x256xf32>,
    } else {
    }
    %lt3A = arith.constant 4 : i32
    %lt3A_2 = arith.cmpi slt, %arg0, %lt3A : i32
    %convert_element_type3A_3 = arith.extui %lt3A_2 : i1 to i32
    %cond3A_4 = arith.constant 0 : i32
    %cond3A_5 = arith.cmpi ne, %convert_element_type3A_3, %cond3A_4 : i32
    scf.if %cond3A_5 {
      %mul3A = arith.constant 8 : i32
      %mul3A_33 = arith.muli %arg0, %mul3A : i32
      %add3A = arith.constant 0 : i32
      %add3A_34 = arith.addi %mul3A_33, %add3A : i32
      %mul3A_35 = arith.constant 256 : i32
      %mul3A_36 = arith.muli %add3A_34, %mul3A_35 : i32
      %get3A = arith.index_cast %mul3A_36 : i32 to index
      %get3A_37 = arith.constant 0 : index
      %get3A_38 = vector.load %arg1[%get3A, %get3A_37] : memref<8192x16xf32, #tpu.memory_space<vmem>>, vector<256x16xf32>
      %get3A_39 = arith.constant 0 : index
      %get3A_40 = arith.constant 0 : index
      %get3A_41 = vector.load %arg13[%get3A_39, %get3A_40] : memref<16x64xf32, #tpu.memory_space<vmem>>, vector<16x64xf32>
      %dot_general3A = arith.constant dense<0.000000e+00> : vector<256x64xf32>
      %dot_general3A_42 = tpu.matmul %get3A_38, %get3A_41, %dot_general3A {dimension_numbers = #tpu.dot_dimension_numbers<[1], [0], [0], [1], [0, 0, 1, 1], [], []>, transpose_lhs_hint = false} : vector<256x16xf32>, vector<16x64xf32>, vector<256x64xf32> -> vector<256x64xf32>
      %mul3A_43 = arith.constant 256 : i32
      %mul3A_44 = arith.muli %add3A_34, %mul3A_43 : i32
      %swap3A = arith.index_cast %mul3A_44 : i32 to index
      %swap3A_45 = arith.constant 0 : index
      %swap3A_46 = vector.load %arg24[%swap3A, %swap3A_45] : memref<8192x64xf32, #tpu.memory_space<vmem>>, vector<256x64xf32>
      tpu.vector_store %arg24[%swap3A, %swap3A_45], %dot_general3A_42 {strides = array<i32>} : memref<8192x64xf32, #tpu.memory_space<vmem>>, vector<256x64xf32>,
      %get3A_47 = arith.constant 0 : index
      %get3A_48 = arith.constant 0 : index
      %get3A_49 = vector.load %arg25[%get3A_47, %get3A_48] : memref<256x64xf32, #tpu.memory_space<vmem>>, vector<256x64xf32>
      %concatenate3A = tpu.concatenate %dot_general3A_42, %get3A_49 in 1 : vector<256x64xf32>, vector<256x64xf32> -> vector<256x128xf32>
      %get3A_50 = arith.constant 0 : index
      %get3A_51 = arith.constant 0 : index
      %get3A_52 = vector.load %arg14[%get3A_50, %get3A_51] : memref<1x128xf32, #tpu.memory_space<vmem>>, vector<1x128xf32>
      %dot_general3A_53 = arith.constant dense<0.000000e+00> : vector<256x1xf32>
      %dot_general3A_54 = tpu.matmul %concatenate3A, %get3A_52, %dot_general3A_53 {dimension_numbers = #tpu.dot_dimension_numbers<[1], [1], [0], [0], [0, 0, 1, 0], [], []>, transpose_lhs_hint = false} : vector<256x128xf32>, vector<1x128xf32>, vector<256x1xf32> -> vector<256x1xf32>
      %get3A_55 = arith.constant 0 : index
      %get3A_56 = arith.constant 0 : index
      %get3A_57 = vector.load %arg15[%get3A_55, %get3A_56] : memref<1x128xf32, #tpu.memory_space<vmem>>, vector<1x128xf32>
      %dot_general3A_58 = arith.constant dense<0.000000e+00> : vector<1x256xf32>
      %dot_general3A_59 = tpu.matmul %get3A_57, %concatenate3A, %dot_general3A_58 {dimension_numbers = #tpu.dot_dimension_numbers<[1], [1], [0], [0], [0, 0, 1, 0], [], []>, transpose_lhs_hint = false} : vector<1x128xf32>, vector<256x128xf32>, vector<1x256xf32> -> vector<1x256xf32>
      %broadcast_in_dim3A = vector.shape_cast %dot_general3A_54 : vector<256x1xf32> to vector<256x1xf32>
      %broadcast_in_dim3A_60 = vector.broadcast %broadcast_in_dim3A : vector<256x1xf32> to vector<256x256xf32>
      %add3A_61 = vector.broadcast %dot_general3A_59 : vector<1x256xf32> to vector<256x256xf32>
      %add3A_62 = arith.addf %broadcast_in_dim3A_60, %add3A_61 : vector<256x256xf32>
      %ge3A_63 = arith.constant 0.000000e+00 : f32
      %ge3A_64 = vector.broadcast %ge3A_63 : f32 to vector<256x256xf32>
      %ge3A_65 = arith.cmpf oge, %add3A_62, %ge3A_64 : vector<256x256xf32>
      %mul3A_66 = arith.constant 2.000000e-01 : f32
      %mul3A_67 = vector.broadcast %mul3A_66 : f32 to vector<256x256xf32>
      %mul3A_68 = arith.mulf %mul3A_67, %add3A_62 : vector<256x256xf32>
      %select_n3A = arith.select %ge3A_65, %add3A_62, %mul3A_68 : vector<256x256xi1>, vector<256x256xf32>
      %get3A_69 = arith.constant 0 : index
      %get3A_70 = arith.constant 0 : index
      %get3A_71 = vector.load %arg30[%get3A_69, %get3A_70] : memref<256x256xf32, #tpu.memory_space<vmem>>, vector<256x256xf32>
      %gt3A = arith.constant 0.000000e+00 : f32
      %gt3A_72 = vector.broadcast %gt3A : f32 to vector<256x256xf32>
      %gt3A_73 = arith.cmpf ogt, %get3A_71, %gt3A_72 : vector<256x256xf32>
      %jit3A = arith.constant -1.000000e+30 : f32
      %broadcast_in_dim3A_74 = vector.broadcast %jit3A : f32 to vector<256x256xf32>
      %select_n3A_75 = arith.select %gt3A_73, %select_n3A, %broadcast_in_dim3A_74 : vector<256x256xi1>, vector<256x256xf32>
      %reduce_max3A = arith.constant dense<0xFF800000> : vector<256xf32>
      %reduce_max3A_76 = vector.multi_reduction <maximumf>, %select_n3A_75, %reduce_max3A [1] : vector<256x256xf32> to vector<256xf32>
      %broadcast_in_dim3A_77 = vector.shape_cast %reduce_max3A_76 : vector<256xf32> to vector<256x1xf32>
      %gt3A_78 = arith.constant -1.000000e+29 : f32
      %gt3A_79 = vector.broadcast %gt3A_78 : f32 to vector<256x1xf32>
      %gt3A_80 = arith.cmpf ogt, %broadcast_in_dim3A_77, %gt3A_79 : vector<256x1xf32>
      %jit3A_81 = arith.constant 0.000000e+00 : f32
      %broadcast_in_dim3A_82 = vector.broadcast %jit3A_81 : f32 to vector<256x1xf32>
      %select_n3A_83 = arith.select %gt3A_80, %broadcast_in_dim3A_77, %broadcast_in_dim3A_82 : vector<256x1xi1>, vector<256x1xf32>
      %broadcast_in_dim3A_84 = vector.shape_cast %select_n3A_83 : vector<256x1xf32> to vector<256x1xf32>
      %broadcast_in_dim3A_85 = vector.broadcast %broadcast_in_dim3A_84 : vector<256x1xf32> to vector<256x256xf32>
      %sub3A = arith.subf %select_n3A, %broadcast_in_dim3A_85 : vector<256x256xf32>
      %exp3A = math.exp %sub3A : vector<256x256xf32>
      %jit3A_86 = arith.constant 0.000000e+00 : f32
      %broadcast_in_dim3A_87 = vector.broadcast %jit3A_86 : f32 to vector<256x256xf32>
      %select_n3A_88 = arith.select %gt3A_73, %exp3A, %broadcast_in_dim3A_87 : vector<256x256xi1>, vector<256x256xf32>
      %mul3A_89 = arith.mulf %get3A_71, %select_n3A_88 : vector<256x256xf32>
      %reduce_sum3A = arith.constant dense<0.000000e+00> : vector<256xf32>
      %reduce_sum3A_90 = vector.multi_reduction <add>, %mul3A_89, %reduce_sum3A [1] : vector<256x256xf32> to vector<256xf32>
      %broadcast_in_dim3A_91 = vector.shape_cast %reduce_sum3A_90 : vector<256xf32> to vector<256x1xf32>
      %dot_general3A_92 = arith.constant dense<0.000000e+00> : vector<256x64xf32>
      %dot_general3A_93 = tpu.matmul %mul3A_89, %dot_general3A_42, %dot_general3A_92 {dimension_numbers = #tpu.dot_dimension_numbers<[1], [0], [0], [1], [0, 0, 1, 1], [], []>, precision = #tpu.contract_precision<fp32>, transpose_lhs_hint = false} : vector<256x256xf32>, vector<256x64xf32>, vector<256x64xf32> -> vector<256x64xf32>
      %broadcast_in_dim3A_94 = vector.shape_cast %broadcast_in_dim3A_91 : vector<256x1xf32> to vector<256x1xf32>
      %broadcast_in_dim3A_95 = vector.broadcast %broadcast_in_dim3A_94 : vector<256x1xf32> to vector<256x64xf32>
      %add3A_96 = arith.constant 1.000000e-16 : f32
      %add3A_97 = vector.broadcast %add3A_96 : f32 to vector<256x64xf32>
      %add3A_98 = arith.addf %broadcast_in_dim3A_95, %add3A_97 : vector<256x64xf32>
      %div3A = arith.divf %dot_general3A_93, %add3A_98 : vector<256x64xf32>
      %get3A_99 = arith.constant 0 : index
      %get3A_100 = arith.constant 0 : index
      %get3A_101 = vector.load %arg16[%get3A_99, %get3A_100] : memref<1x64xf32, #tpu.memory_space<vmem>>, vector<1x64xf32>
      %add3A_102 = vector.broadcast %get3A_101 : vector<1x64xf32> to vector<256x64xf32>
      %add3A_103 = arith.addf %div3A, %add3A_102 : vector<256x64xf32>
      %mul3A_104 = arith.constant 256 : i32
      %mul3A_105 = arith.muli %add3A_34, %mul3A_104 : i32
      %swap3A_106 = arith.index_cast %mul3A_105 : i32 to index
      %swap3A_107 = arith.constant 0 : index
      %swap3A_108 = vector.load %arg27[%swap3A_106, %swap3A_107] : memref<8192x64xf32, #tpu.memory_space<vmem>>, vector<256x64xf32>
      tpu.vector_store %arg27[%swap3A_106, %swap3A_107], %add3A_103 {strides = array<i32>} : memref<8192x64xf32, #tpu.memory_space<vmem>>, vector<256x64xf32>,
      %get3A_109 = arith.constant 0 : index
      %get3A_110 = arith.constant 0 : index
      %get3A_111 = vector.load %arg28[%get3A_109, %get3A_110] : memref<2x64xf32, #tpu.memory_space<vmem>>, vector<1x64xf32>
      %reduce_sum3A_112 = arith.constant dense<0.000000e+00> : vector<64xf32>
      %reduce_sum3A_113 = vector.multi_reduction <add>, %add3A_103, %reduce_sum3A_112 [0] : vector<256x64xf32> to vector<64xf32>
      %broadcast_in_dim3A_114 = vector.shape_cast %reduce_sum3A_113 : vector<64xf32> to vector<1x64xf32>
      %add3A_115 = arith.addf %get3A_111, %broadcast_in_dim3A_114 : vector<1x64xf32>
      %swap3A_116 = arith.constant 0 : index
      %swap3A_117 = arith.constant 0 : index
      %swap3A_118 = vector.load %arg28[%swap3A_116, %swap3A_117] : memref<2x64xf32, #tpu.memory_space<vmem>>, vector<1x64xf32>
      tpu.vector_store %arg28[%swap3A_116, %swap3A_117], %add3A_115 {strides = array<i32>} : memref<2x64xf32, #tpu.memory_space<vmem>>, vector<1x64xf32>,
      %mul3A_119 = arith.constant 8 : i32
      %mul3A_120 = arith.muli %arg0, %mul3A_119 : i32
      %add3A_121 = arith.constant 1 : i32
      %add3A_122 = arith.addi %mul3A_120, %add3A_121 : i32
      %mul3A_123 = arith.constant 256 : i32
      %mul3A_124 = arith.muli %add3A_122, %mul3A_123 : i32
      %get3A_125 = arith.index_cast %mul3A_124 : i32 to index
      %get3A_126 = arith.constant 0 : index
      %get3A_127 = vector.load %arg1[%get3A_125, %get3A_126] : memref<8192x16xf32, #tpu.memory_space<vmem>>, vector<256x16xf32>
      %get3A_128 = arith.constant 0 : index
      %get3A_129 = arith.constant 0 : index
      %get3A_130 = vector.load %arg13[%get3A_128, %get3A_129] : memref<16x64xf32, #tpu.memory_space<vmem>>, vector<16x64xf32>
      %dot_general3A_131 = arith.constant dense<0.000000e+00> : vector<256x64xf32>
      %dot_general3A_132 = tpu.matmul %get3A_127, %get3A_130, %dot_general3A_131 {dimension_numbers = #tpu.dot_dimension_numbers<[1], [0], [0], [1], [0, 0, 1, 1], [], []>, transpose_lhs_hint = false} : vector<256x16xf32>, vector<16x64xf32>, vector<256x64xf32> -> vector<256x64xf32>
      %mul3A_133 = arith.constant 256 : i32
      %mul3A_134 = arith.muli %add3A_122, %mul3A_133 : i32
      %swap3A_135 = arith.index_cast %mul3A_134 : i32 to index
      %swap3A_136 = arith.constant 0 : index
      %swap3A_137 = vector.load %arg24[%swap3A_135, %swap3A_136] : memref<8192x64xf32, #tpu.memory_space<vmem>>, vector<256x64xf32>
      tpu.vector_store %arg24[%swap3A_135, %swap3A_136], %dot_general3A_132 {strides = array<i32>} : memref<8192x64xf32, #tpu.memory_space<vmem>>, vector<256x64xf32>,
      %get3A_138 = arith.constant 0 : index
      %get3A_139 = arith.constant 0 : index
      %get3A_140 = vector.load %arg25[%get3A_138, %get3A_139] : memref<256x64xf32, #tpu.memory_space<vmem>>, vector<256x64xf32>
      %concatenate3A_141 = tpu.concatenate %dot_general3A_132, %get3A_140 in 1 : vector<256x64xf32>, vector<256x64xf32> -> vector<256x128xf32>
      %get3A_142 = arith.constant 0 : index
      %get3A_143 = arith.constant 0 : index
      %get3A_144 = vector.load %arg14[%get3A_142, %get3A_143] : memref<1x128xf32, #tpu.memory_space<vmem>>, vector<1x128xf32>
      %dot_general3A_145 = arith.constant dense<0.000000e+00> : vector<256x1xf32>
      %dot_general3A_146 = tpu.matmul %concatenate3A_141, %get3A_144, %dot_general3A_145 {dimension_numbers = #tpu.dot_dimension_numbers<[1], [1], [0], [0], [0, 0, 1, 0], [], []>, transpose_lhs_hint = false} : vector<256x128xf32>, vector<1x128xf32>, vector<256x1xf32> -> vector<256x1xf32>
      %get3A_147 = arith.constant 0 : index
      %get3A_148 = arith.constant 0 : index
      %get3A_149 = vector.load %arg15[%get3A_147, %get3A_148] : memref<1x128xf32, #tpu.memory_space<vmem>>, vector<1x128xf32>
      %dot_general3A_150 = arith.constant dense<0.000000e+00> : vector<1x256xf32>
      %dot_general3A_151 = tpu.matmul %get3A_149, %concatenate3A_141, %dot_general3A_150 {dimension_numbers = #tpu.dot_dimension_numbers<[1], [1], [0], [0], [0, 0, 1, 0], [], []>, transpose_lhs_hint = false} : vector<1x128xf32>, vector<256x128xf32>, vector<1x256xf32> -> vector<1x256xf32>
      %broadcast_in_dim3A_152 = vector.shape_cast %dot_general3A_146 : vector<256x1xf32> to vector<256x1xf32>
      %broadcast_in_dim3A_153 = vector.broadcast %broadcast_in_dim3A_152 : vector<256x1xf32> to vector<256x256xf32>
      %add3A_154 = vector.broadcast %dot_general3A_151 : vector<1x256xf32> to vector<256x256xf32>
      %add3A_155 = arith.addf %broadcast_in_dim3A_153, %add3A_154 : vector<256x256xf32>
      %ge3A_156 = arith.constant 0.000000e+00 : f32
      %ge3A_157 = vector.broadcast %ge3A_156 : f32 to vector<256x256xf32>
      %ge3A_158 = arith.cmpf oge, %add3A_155, %ge3A_157 : vector<256x256xf32>
      %mul3A_159 = arith.constant 2.000000e-01 : f32
      %mul3A_160 = vector.broadcast %mul3A_159 : f32 to vector<256x256xf32>
      %mul3A_161 = arith.mulf %mul3A_160, %add3A_155 : vector<256x256xf32>
      %select_n3A_162 = arith.select %ge3A_158, %add3A_155, %mul3A_161 : vector<256x256xi1>, vector<256x256xf32>
      %get3A_163 = arith.constant 0 : index
      %get3A_164 = arith.constant 0 : index
      %get3A_165 = vector.load %arg30[%get3A_163, %get3A_164] : memref<256x256xf32, #tpu.memory_space<vmem>>, vector<256x256xf32>
      %gt3A_166 = arith.constant 0.000000e+00 : f32
      %gt3A_167 = vector.broadcast %gt3A_166 : f32 to vector<256x256xf32>
      %gt3A_168 = arith.cmpf ogt, %get3A_165, %gt3A_167 : vector<256x256xf32>
      %jit3A_169 = arith.constant -1.000000e+30 : f32
      %broadcast_in_dim3A_170 = vector.broadcast %jit3A_169 : f32 to vector<256x256xf32>
      %select_n3A_171 = arith.select %gt3A_168, %select_n3A_162, %broadcast_in_dim3A_170 : vector<256x256xi1>, vector<256x256xf32>
      %reduce_max3A_172 = arith.constant dense<0xFF800000> : vector<256xf32>
      %reduce_max3A_173 = vector.multi_reduction <maximumf>, %select_n3A_171, %reduce_max3A_172 [1] : vector<256x256xf32> to vector<256xf32>
      %broadcast_in_dim3A_174 = vector.shape_cast %reduce_max3A_173 : vector<256xf32> to vector<256x1xf32>
      %gt3A_175 = arith.constant -1.000000e+29 : f32
      %gt3A_176 = vector.broadcast %gt3A_175 : f32 to vector<256x1xf32>
      %gt3A_177 = arith.cmpf ogt, %broadcast_in_dim3A_174, %gt3A_176 : vector<256x1xf32>
      %jit3A_178 = arith.constant 0.000000e+00 : f32
      %broadcast_in_dim3A_179 = vector.broadcast %jit3A_178 : f32 to vector<256x1xf32>
      %select_n3A_180 = arith.select %gt3A_177, %broadcast_in_dim3A_174, %broadcast_in_dim3A_179 : vector<256x1xi1>, vector<256x1xf32>
      %broadcast_in_dim3A_181 = vector.shape_cast %select_n3A_180 : vector<256x1xf32> to vector<256x1xf32>
      %broadcast_in_dim3A_182 = vector.broadcast %broadcast_in_dim3A_181 : vector<256x1xf32> to vector<256x256xf32>
      %sub3A_183 = arith.subf %select_n3A_162, %broadcast_in_dim3A_182 : vector<256x256xf32>
      %exp3A_184 = math.exp %sub3A_183 : vector<256x256xf32>
      %jit3A_185 = arith.constant 0.000000e+00 : f32
      %broadcast_in_dim3A_186 = vector.broadcast %jit3A_185 : f32 to vector<256x256xf32>
      %select_n3A_187 = arith.select %gt3A_168, %exp3A_184, %broadcast_in_dim3A_186 : vector<256x256xi1>, vector<256x256xf32>
      %mul3A_188 = arith.mulf %get3A_165, %select_n3A_187 : vector<256x256xf32>
      %reduce_sum3A_189 = arith.constant dense<0.000000e+00> : vector<256xf32>
      %reduce_sum3A_190 = vector.multi_reduction <add>, %mul3A_188, %reduce_sum3A_189 [1] : vector<256x256xf32> to vector<256xf32>
      %broadcast_in_dim3A_191 = vector.shape_cast %reduce_sum3A_190 : vector<256xf32> to vector<256x1xf32>
      %dot_general3A_192 = arith.constant dense<0.000000e+00> : vector<256x64xf32>
      %dot_general3A_193 = tpu.matmul %mul3A_188, %dot_general3A_132, %dot_general3A_192 {dimension_numbers = #tpu.dot_dimension_numbers<[1], [0], [0], [1], [0, 0, 1, 1], [], []>, precision = #tpu.contract_precision<fp32>, transpose_lhs_hint = false} : vector<256x256xf32>, vector<256x64xf32>, vector<256x64xf32> -> vector<256x64xf32>
      %broadcast_in_dim3A_194 = vector.shape_cast %broadcast_in_dim3A_191 : vector<256x1xf32> to vector<256x1xf32>
      %broadcast_in_dim3A_195 = vector.broadcast %broadcast_in_dim3A_194 : vector<256x1xf32> to vector<256x64xf32>
      %add3A_196 = arith.constant 1.000000e-16 : f32
      %add3A_197 = vector.broadcast %add3A_196 : f32 to vector<256x64xf32>
      %add3A_198 = arith.addf %broadcast_in_dim3A_195, %add3A_197 : vector<256x64xf32>
      %div3A_199 = arith.divf %dot_general3A_193, %add3A_198 : vector<256x64xf32>
      %get3A_200 = arith.constant 0 : index
      %get3A_201 = arith.constant 0 : index
      %get3A_202 = vector.load %arg16[%get3A_200, %get3A_201] : memref<1x64xf32, #tpu.memory_space<vmem>>, vector<1x64xf32>
      %add3A_203 = vector.broadcast %get3A_202 : vector<1x64xf32> to vector<256x64xf32>
      %add3A_204 = arith.addf %div3A_199, %add3A_203 : vector<256x64xf32>
      %mul3A_205 = arith.constant 256 : i32
      %mul3A_206 = arith.muli %add3A_122, %mul3A_205 : i32
      %swap3A_207 = arith.index_cast %mul3A_206 : i32 to index
      %swap3A_208 = arith.constant 0 : index
      %swap3A_209 = vector.load %arg27[%swap3A_207, %swap3A_208] : memref<8192x64xf32, #tpu.memory_space<vmem>>, vector<256x64xf32>
      tpu.vector_store %arg27[%swap3A_207, %swap3A_208], %add3A_204 {strides = array<i32>} : memref<8192x64xf32, #tpu.memory_space<vmem>>, vector<256x64xf32>,
      %get3A_210 = arith.constant 0 : index
      %get3A_211 = arith.constant 0 : index
      %get3A_212 = vector.load %arg28[%get3A_210, %get3A_211] : memref<2x64xf32, #tpu.memory_space<vmem>>, vector<1x64xf32>
      %reduce_sum3A_213 = arith.constant dense<0.000000e+00> : vector<64xf32>
      %reduce_sum3A_214 = vector.multi_reduction <add>, %add3A_204, %reduce_sum3A_213 [0] : vector<256x64xf32> to vector<64xf32>
      %broadcast_in_dim3A_215 = vector.shape_cast %reduce_sum3A_214 : vector<64xf32> to vector<1x64xf32>
      %add3A_216 = arith.addf %get3A_212, %broadcast_in_dim3A_215 : vector<1x64xf32>
      %swap3A_217 = arith.constant 0 : index
      %swap3A_218 = arith.constant 0 : index
      %swap3A_219 = vector.load %arg28[%swap3A_217, %swap3A_218] : memref<2x64xf32, #tpu.memory_space<vmem>>, vector<1x64xf32>
      tpu.vector_store %arg28[%swap3A_217, %swap3A_218], %add3A_216 {strides = array<i32>} : memref<2x64xf32, #tpu.memory_space<vmem>>, vector<1x64xf32>,
      %mul3A_220 = arith.constant 8 : i32
      %mul3A_221 = arith.muli %arg0, %mul3A_220 : i32
      %add3A_222 = arith.constant 2 : i32
      %add3A_223 = arith.addi %mul3A_221, %add3A_222 : i32
      %mul3A_224 = arith.constant 256 : i32
      %mul3A_225 = arith.muli %add3A_223, %mul3A_224 : i32
      %get3A_226 = arith.index_cast %mul3A_225 : i32 to index
      %get3A_227 = arith.constant 0 : index
      %get3A_228 = vector.load %arg1[%get3A_226, %get3A_227] : memref<8192x16xf32, #tpu.memory_space<vmem>>, vector<256x16xf32>
      %get3A_229 = arith.constant 0 : index
      %get3A_230 = arith.constant 0 : index
      %get3A_231 = vector.load %arg13[%get3A_229, %get3A_230] : memref<16x64xf32, #tpu.memory_space<vmem>>, vector<16x64xf32>
      %dot_general3A_232 = arith.constant dense<0.000000e+00> : vector<256x64xf32>
      %dot_general3A_233 = tpu.matmul %get3A_228, %get3A_231, %dot_general3A_232 {dimension_numbers = #tpu.dot_dimension_numbers<[1], [0], [0], [1], [0, 0, 1, 1], [], []>, transpose_lhs_hint = false} : vector<256x16xf32>, vector<16x64xf32>, vector<256x64xf32> -> vector<256x64xf32>
      %mul3A_234 = arith.constant 256 : i32
      %mul3A_235 = arith.muli %add3A_223, %mul3A_234 : i32
      %swap3A_236 = arith.index_cast %mul3A_235 : i32 to index
      %swap3A_237 = arith.constant 0 : index
      %swap3A_238 = vector.load %arg24[%swap3A_236, %swap3A_237] : memref<8192x64xf32, #tpu.memory_space<vmem>>, vector<256x64xf32>
      tpu.vector_store %arg24[%swap3A_236, %swap3A_237], %dot_general3A_233 {strides = array<i32>} : memref<8192x64xf32, #tpu.memory_space<vmem>>, vector<256x64xf32>,
      %get3A_239 = arith.constant 0 : index
      %get3A_240 = arith.constant 0 : index
      %get3A_241 = vector.load %arg25[%get3A_239, %get3A_240] : memref<256x64xf32, #tpu.memory_space<vmem>>, vector<256x64xf32>
      %concatenate3A_242 = tpu.concatenate %dot_general3A_233, %get3A_241 in 1 : vector<256x64xf32>, vector<256x64xf32> -> vector<256x128xf32>
      %get3A_243 = arith.constant 0 : index
      %get3A_244 = arith.constant 0 : index
      %get3A_245 = vector.load %arg14[%get3A_243, %get3A_244] : memref<1x128xf32, #tpu.memory_space<vmem>>, vector<1x128xf32>
      %dot_general3A_246 = arith.constant dense<0.000000e+00> : vector<256x1xf32>
      %dot_general3A_247 = tpu.matmul %concatenate3A_242, %get3A_245, %dot_general3A_246 {dimension_numbers = #tpu.dot_dimension_numbers<[1], [1], [0], [0], [0, 0, 1, 0], [], []>, transpose_lhs_hint = false} : vector<256x128xf32>, vector<1x128xf32>, vector<256x1xf32> -> vector<256x1xf32>
      %get3A_248 = arith.constant 0 : index
      %get3A_249 = arith.constant 0 : index
      %get3A_250 = vector.load %arg15[%get3A_248, %get3A_249] : memref<1x128xf32, #tpu.memory_space<vmem>>, vector<1x128xf32>
      %dot_general3A_251 = arith.constant dense<0.000000e+00> : vector<1x256xf32>
      %dot_general3A_252 = tpu.matmul %get3A_250, %concatenate3A_242, %dot_general3A_251 {dimension_numbers = #tpu.dot_dimension_numbers<[1], [1], [0], [0], [0, 0, 1, 0], [], []>, transpose_lhs_hint = false} : vector<1x128xf32>, vector<256x128xf32>, vector<1x256xf32> -> vector<1x256xf32>
      %broadcast_in_dim3A_253 = vector.shape_cast %dot_general3A_247 : vector<256x1xf32> to vector<256x1xf32>
      %broadcast_in_dim3A_254 = vector.broadcast %broadcast_in_dim3A_253 : vector<256x1xf32> to vector<256x256xf32>
      %add3A_255 = vector.broadcast %dot_general3A_252 : vector<1x256xf32> to vector<256x256xf32>
      %add3A_256 = arith.addf %broadcast_in_dim3A_254, %add3A_255 : vector<256x256xf32>
      %ge3A_257 = arith.constant 0.000000e+00 : f32
      %ge3A_258 = vector.broadcast %ge3A_257 : f32 to vector<256x256xf32>
      %ge3A_259 = arith.cmpf oge, %add3A_256, %ge3A_258 : vector<256x256xf32>
      %mul3A_260 = arith.constant 2.000000e-01 : f32
      %mul3A_261 = vector.broadcast %mul3A_260 : f32 to vector<256x256xf32>
      %mul3A_262 = arith.mulf %mul3A_261, %add3A_256 : vector<256x256xf32>
      %select_n3A_263 = arith.select %ge3A_259, %add3A_256, %mul3A_262 : vector<256x256xi1>, vector<256x256xf32>
      %get3A_264 = arith.constant 0 : index
      %get3A_265 = arith.constant 0 : index
      %get3A_266 = vector.load %arg30[%get3A_264, %get3A_265] : memref<256x256xf32, #tpu.memory_space<vmem>>, vector<256x256xf32>
      %gt3A_267 = arith.constant 0.000000e+00 : f32
      %gt3A_268 = vector.broadcast %gt3A_267 : f32 to vector<256x256xf32>
      %gt3A_269 = arith.cmpf ogt, %get3A_266, %gt3A_268 : vector<256x256xf32>
      %jit3A_270 = arith.constant -1.000000e+30 : f32
      %broadcast_in_dim3A_271 = vector.broadcast %jit3A_270 : f32 to vector<256x256xf32>
      %select_n3A_272 = arith.select %gt3A_269, %select_n3A_263, %broadcast_in_dim3A_271 : vector<256x256xi1>, vector<256x256xf32>
      %reduce_max3A_273 = arith.constant dense<0xFF800000> : vector<256xf32>
      %reduce_max3A_274 = vector.multi_reduction <maximumf>, %select_n3A_272, %reduce_max3A_273 [1] : vector<256x256xf32> to vector<256xf32>
      %broadcast_in_dim3A_275 = vector.shape_cast %reduce_max3A_274 : vector<256xf32> to vector<256x1xf32>
      %gt3A_276 = arith.constant -1.000000e+29 : f32
      %gt3A_277 = vector.broadcast %gt3A_276 : f32 to vector<256x1xf32>
      %gt3A_278 = arith.cmpf ogt, %broadcast_in_dim3A_275, %gt3A_277 : vector<256x1xf32>
      %jit3A_279 = arith.constant 0.000000e+00 : f32
      %broadcast_in_dim3A_280 = vector.broadcast %jit3A_279 : f32 to vector<256x1xf32>
      %select_n3A_281 = arith.select %gt3A_278, %broadcast_in_dim3A_275, %broadcast_in_dim3A_280 : vector<256x1xi1>, vector<256x1xf32>
      %broadcast_in_dim3A_282 = vector.shape_cast %select_n3A_281 : vector<256x1xf32> to vector<256x1xf32>
      %broadcast_in_dim3A_283 = vector.broadcast %broadcast_in_dim3A_282 : vector<256x1xf32> to vector<256x256xf32>
      %sub3A_284 = arith.subf %select_n3A_263, %broadcast_in_dim3A_283 : vector<256x256xf32>
      %exp3A_285 = math.exp %sub3A_284 : vector<256x256xf32>
      %jit3A_286 = arith.constant 0.000000e+00 : f32
      %broadcast_in_dim3A_287 = vector.broadcast %jit3A_286 : f32 to vector<256x256xf32>
      %select_n3A_288 = arith.select %gt3A_269, %exp3A_285, %broadcast_in_dim3A_287 : vector<256x256xi1>, vector<256x256xf32>
      %mul3A_289 = arith.mulf %get3A_266, %select_n3A_288 : vector<256x256xf32>
      %reduce_sum3A_290 = arith.constant dense<0.000000e+00> : vector<256xf32>
      %reduce_sum3A_291 = vector.multi_reduction <add>, %mul3A_289, %reduce_sum3A_290 [1] : vector<256x256xf32> to vector<256xf32>
      %broadcast_in_dim3A_292 = vector.shape_cast %reduce_sum3A_291 : vector<256xf32> to vector<256x1xf32>
      %dot_general3A_293 = arith.constant dense<0.000000e+00> : vector<256x64xf32>
      %dot_general3A_294 = tpu.matmul %mul3A_289, %dot_general3A_233, %dot_general3A_293 {dimension_numbers = #tpu.dot_dimension_numbers<[1], [0], [0], [1], [0, 0, 1, 1], [], []>, precision = #tpu.contract_precision<fp32>, transpose_lhs_hint = false} : vector<256x256xf32>, vector<256x64xf32>, vector<256x64xf32> -> vector<256x64xf32>
      %broadcast_in_dim3A_295 = vector.shape_cast %broadcast_in_dim3A_292 : vector<256x1xf32> to vector<256x1xf32>
      %broadcast_in_dim3A_296 = vector.broadcast %broadcast_in_dim3A_295 : vector<256x1xf32> to vector<256x64xf32>
      %add3A_297 = arith.constant 1.000000e-16 : f32
      %add3A_298 = vector.broadcast %add3A_297 : f32 to vector<256x64xf32>
      %add3A_299 = arith.addf %broadcast_in_dim3A_296, %add3A_298 : vector<256x64xf32>
      %div3A_300 = arith.divf %dot_general3A_294, %add3A_299 : vector<256x64xf32>
      %get3A_301 = arith.constant 0 : index
      %get3A_302 = arith.constant 0 : index
      %get3A_303 = vector.load %arg16[%get3A_301, %get3A_302] : memref<1x64xf32, #tpu.memory_space<vmem>>, vector<1x64xf32>
      %add3A_304 = vector.broadcast %get3A_303 : vector<1x64xf32> to vector<256x64xf32>
      %add3A_305 = arith.addf %div3A_300, %add3A_304 : vector<256x64xf32>
      %mul3A_306 = arith.constant 256 : i32
      %mul3A_307 = arith.muli %add3A_223, %mul3A_306 : i32
      %swap3A_308 = arith.index_cast %mul3A_307 : i32 to index
      %swap3A_309 = arith.constant 0 : index
      %swap3A_310 = vector.load %arg27[%swap3A_308, %swap3A_309] : memref<8192x64xf32, #tpu.memory_space<vmem>>, vector<256x64xf32>
      tpu.vector_store %arg27[%swap3A_308, %swap3A_309], %add3A_305 {strides = array<i32>} : memref<8192x64xf32, #tpu.memory_space<vmem>>, vector<256x64xf32>,
      %get3A_311 = arith.constant 0 : index
      %get3A_312 = arith.constant 0 : index
      %get3A_313 = vector.load %arg28[%get3A_311, %get3A_312] : memref<2x64xf32, #tpu.memory_space<vmem>>, vector<1x64xf32>
      %reduce_sum3A_314 = arith.constant dense<0.000000e+00> : vector<64xf32>
      %reduce_sum3A_315 = vector.multi_reduction <add>, %add3A_305, %reduce_sum3A_314 [0] : vector<256x64xf32> to vector<64xf32>
      %broadcast_in_dim3A_316 = vector.shape_cast %reduce_sum3A_315 : vector<64xf32> to vector<1x64xf32>
      %add3A_317 = arith.addf %get3A_313, %broadcast_in_dim3A_316 : vector<1x64xf32>
      %swap3A_318 = arith.constant 0 : index
      %swap3A_319 = arith.constant 0 : index
      %swap3A_320 = vector.load %arg28[%swap3A_318, %swap3A_319] : memref<2x64xf32, #tpu.memory_space<vmem>>, vector<1x64xf32>
      tpu.vector_store %arg28[%swap3A_318, %swap3A_319], %add3A_317 {strides = array<i32>} : memref<2x64xf32, #tpu.memory_space<vmem>>, vector<1x64xf32>,
      %mul3A_321 = arith.constant 8 : i32
      %mul3A_322 = arith.muli %arg0, %mul3A_321 : i32
      %add3A_323 = arith.constant 3 : i32
      %add3A_324 = arith.addi %mul3A_322, %add3A_323 : i32
      %mul3A_325 = arith.constant 256 : i32
      %mul3A_326 = arith.muli %add3A_324, %mul3A_325 : i32
      %get3A_327 = arith.index_cast %mul3A_326 : i32 to index
      %get3A_328 = arith.constant 0 : index
      %get3A_329 = vector.load %arg1[%get3A_327, %get3A_328] : memref<8192x16xf32, #tpu.memory_space<vmem>>, vector<256x16xf32>
      %get3A_330 = arith.constant 0 : index
      %get3A_331 = arith.constant 0 : index
      %get3A_332 = vector.load %arg13[%get3A_330, %get3A_331] : memref<16x64xf32, #tpu.memory_space<vmem>>, vector<16x64xf32>
      %dot_general3A_333 = arith.constant dense<0.000000e+00> : vector<256x64xf32>
      %dot_general3A_334 = tpu.matmul %get3A_329, %get3A_332, %dot_general3A_333 {dimension_numbers = #tpu.dot_dimension_numbers<[1], [0], [0], [1], [0, 0, 1, 1], [], []>, transpose_lhs_hint = false} : vector<256x16xf32>, vector<16x64xf32>, vector<256x64xf32> -> vector<256x64xf32>
      %mul3A_335 = arith.constant 256 : i32
      %mul3A_336 = arith.muli %add3A_324, %mul3A_335 : i32
      %swap3A_337 = arith.index_cast %mul3A_336 : i32 to index
      %swap3A_338 = arith.constant 0 : index
      %swap3A_339 = vector.load %arg24[%swap3A_337, %swap3A_338] : memref<8192x64xf32, #tpu.memory_space<vmem>>, vector<256x64xf32>
      tpu.vector_store %arg24[%swap3A_337, %swap3A_338], %dot_general3A_334 {strides = array<i32>} : memref<8192x64xf32, #tpu.memory_space<vmem>>, vector<256x64xf32>,
      %get3A_340 = arith.constant 0 : index
      %get3A_341 = arith.constant 0 : index
      %get3A_342 = vector.load %arg25[%get3A_340, %get3A_341] : memref<256x64xf32, #tpu.memory_space<vmem>>, vector<256x64xf32>
      %concatenate3A_343 = tpu.concatenate %dot_general3A_334, %get3A_342 in 1 : vector<256x64xf32>, vector<256x64xf32> -> vector<256x128xf32>
      %get3A_344 = arith.constant 0 : index
      %get3A_345 = arith.constant 0 : index
      %get3A_346 = vector.load %arg14[%get3A_344, %get3A_345] : memref<1x128xf32, #tpu.memory_space<vmem>>, vector<1x128xf32>
      %dot_general3A_347 = arith.constant dense<0.000000e+00> : vector<256x1xf32>
      %dot_general3A_348 = tpu.matmul %concatenate3A_343, %get3A_346, %dot_general3A_347 {dimension_numbers = #tpu.dot_dimension_numbers<[1], [1], [0], [0], [0, 0, 1, 0], [], []>, transpose_lhs_hint = false} : vector<256x128xf32>, vector<1x128xf32>, vector<256x1xf32> -> vector<256x1xf32>
      %get3A_349 = arith.constant 0 : index
      %get3A_350 = arith.constant 0 : index
      %get3A_351 = vector.load %arg15[%get3A_349, %get3A_350] : memref<1x128xf32, #tpu.memory_space<vmem>>, vector<1x128xf32>
      %dot_general3A_352 = arith.constant dense<0.000000e+00> : vector<1x256xf32>
      %dot_general3A_353 = tpu.matmul %get3A_351, %concatenate3A_343, %dot_general3A_352 {dimension_numbers = #tpu.dot_dimension_numbers<[1], [1], [0], [0], [0, 0, 1, 0], [], []>, transpose_lhs_hint = false} : vector<1x128xf32>, vector<256x128xf32>, vector<1x256xf32> -> vector<1x256xf32>
      %broadcast_in_dim3A_354 = vector.shape_cast %dot_general3A_348 : vector<256x1xf32> to vector<256x1xf32>
      %broadcast_in_dim3A_355 = vector.broadcast %broadcast_in_dim3A_354 : vector<256x1xf32> to vector<256x256xf32>
      %add3A_356 = vector.broadcast %dot_general3A_353 : vector<1x256xf32> to vector<256x256xf32>
      %add3A_357 = arith.addf %broadcast_in_dim3A_355, %add3A_356 : vector<256x256xf32>
      %ge3A_358 = arith.constant 0.000000e+00 : f32
      %ge3A_359 = vector.broadcast %ge3A_358 : f32 to vector<256x256xf32>
      %ge3A_360 = arith.cmpf oge, %add3A_357, %ge3A_359 : vector<256x256xf32>
      %mul3A_361 = arith.constant 2.000000e-01 : f32
      %mul3A_362 = vector.broadcast %mul3A_361 : f32 to vector<256x256xf32>
      %mul3A_363 = arith.mulf %mul3A_362, %add3A_357 : vector<256x256xf32>
      %select_n3A_364 = arith.select %ge3A_360, %add3A_357, %mul3A_363 : vector<256x256xi1>, vector<256x256xf32>
      %get3A_365 = arith.constant 0 : index
      %get3A_366 = arith.constant 0 : index
      %get3A_367 = vector.load %arg30[%get3A_365, %get3A_366] : memref<256x256xf32, #tpu.memory_space<vmem>>, vector<256x256xf32>
      %gt3A_368 = arith.constant 0.000000e+00 : f32
      %gt3A_369 = vector.broadcast %gt3A_368 : f32 to vector<256x256xf32>
      %gt3A_370 = arith.cmpf ogt, %get3A_367, %gt3A_369 : vector<256x256xf32>
      %jit3A_371 = arith.constant -1.000000e+30 : f32
      %broadcast_in_dim3A_372 = vector.broadcast %jit3A_371 : f32 to vector<256x256xf32>
      %select_n3A_373 = arith.select %gt3A_370, %select_n3A_364, %broadcast_in_dim3A_372 : vector<256x256xi1>, vector<256x256xf32>
      %reduce_max3A_374 = arith.constant dense<0xFF800000> : vector<256xf32>
      %reduce_max3A_375 = vector.multi_reduction <maximumf>, %select_n3A_373, %reduce_max3A_374 [1] : vector<256x256xf32> to vector<256xf32>
      %broadcast_in_dim3A_376 = vector.shape_cast %reduce_max3A_375 : vector<256xf32> to vector<256x1xf32>
      %gt3A_377 = arith.constant -1.000000e+29 : f32
      %gt3A_378 = vector.broadcast %gt3A_377 : f32 to vector<256x1xf32>
      %gt3A_379 = arith.cmpf ogt, %broadcast_in_dim3A_376, %gt3A_378 : vector<256x1xf32>
      %jit3A_380 = arith.constant 0.000000e+00 : f32
      %broadcast_in_dim3A_381 = vector.broadcast %jit3A_380 : f32 to vector<256x1xf32>
      %select_n3A_382 = arith.select %gt3A_379, %broadcast_in_dim3A_376, %broadcast_in_dim3A_381 : vector<256x1xi1>, vector<256x1xf32>
      %broadcast_in_dim3A_383 = vector.shape_cast %select_n3A_382 : vector<256x1xf32> to vector<256x1xf32>
      %broadcast_in_dim3A_384 = vector.broadcast %broadcast_in_dim3A_383 : vector<256x1xf32> to vector<256x256xf32>
      %sub3A_385 = arith.subf %select_n3A_364, %broadcast_in_dim3A_384 : vector<256x256xf32>
      %exp3A_386 = math.exp %sub3A_385 : vector<256x256xf32>
      %jit3A_387 = arith.constant 0.000000e+00 : f32
      %broadcast_in_dim3A_388 = vector.broadcast %jit3A_387 : f32 to vector<256x256xf32>
      %select_n3A_389 = arith.select %gt3A_370, %exp3A_386, %broadcast_in_dim3A_388 : vector<256x256xi1>, vector<256x256xf32>
      %mul3A_390 = arith.mulf %get3A_367, %select_n3A_389 : vector<256x256xf32>
      %reduce_sum3A_391 = arith.constant dense<0.000000e+00> : vector<256xf32>
      %reduce_sum3A_392 = vector.multi_reduction <add>, %mul3A_390, %reduce_sum3A_391 [1] : vector<256x256xf32> to vector<256xf32>
      %broadcast_in_dim3A_393 = vector.shape_cast %reduce_sum3A_392 : vector<256xf32> to vector<256x1xf32>
      %dot_general3A_394 = arith.constant dense<0.000000e+00> : vector<256x64xf32>
      %dot_general3A_395 = tpu.matmul %mul3A_390, %dot_general3A_334, %dot_general3A_394 {dimension_numbers = #tpu.dot_dimension_numbers<[1], [0], [0], [1], [0, 0, 1, 1], [], []>, precision = #tpu.contract_precision<fp32>, transpose_lhs_hint = false} : vector<256x256xf32>, vector<256x64xf32>, vector<256x64xf32> -> vector<256x64xf32>
      %broadcast_in_dim3A_396 = vector.shape_cast %broadcast_in_dim3A_393 : vector<256x1xf32> to vector<256x1xf32>
      %broadcast_in_dim3A_397 = vector.broadcast %broadcast_in_dim3A_396 : vector<256x1xf32> to vector<256x64xf32>
      %add3A_398 = arith.constant 1.000000e-16 : f32
      %add3A_399 = vector.broadcast %add3A_398 : f32 to vector<256x64xf32>
      %add3A_400 = arith.addf %broadcast_in_dim3A_397, %add3A_399 : vector<256x64xf32>
      %div3A_401 = arith.divf %dot_general3A_395, %add3A_400 : vector<256x64xf32>
      %get3A_402 = arith.constant 0 : index
      %get3A_403 = arith.constant 0 : index
      %get3A_404 = vector.load %arg16[%get3A_402, %get3A_403] : memref<1x64xf32, #tpu.memory_space<vmem>>, vector<1x64xf32>
      %add3A_405 = vector.broadcast %get3A_404 : vector<1x64xf32> to vector<256x64xf32>
      %add3A_406 = arith.addf %div3A_401, %add3A_405 : vector<256x64xf32>
      %mul3A_407 = arith.constant 256 : i32
      %mul3A_408 = arith.muli %add3A_324, %mul3A_407 : i32
      %swap3A_409 = arith.index_cast %mul3A_408 : i32 to index
      %swap3A_410 = arith.constant 0 : index
      %swap3A_411 = vector.load %arg27[%swap3A_409, %swap3A_410] : memref<8192x64xf32, #tpu.memory_space<vmem>>, vector<256x64xf32>
      tpu.vector_store %arg27[%swap3A_409, %swap3A_410], %add3A_406 {strides = array<i32>} : memref<8192x64xf32, #tpu.memory_space<vmem>>, vector<256x64xf32>,
      %get3A_412 = arith.constant 0 : index
      %get3A_413 = arith.constant 0 : index
      %get3A_414 = vector.load %arg28[%get3A_412, %get3A_413] : memref<2x64xf32, #tpu.memory_space<vmem>>, vector<1x64xf32>
      %reduce_sum3A_415 = arith.constant dense<0.000000e+00> : vector<64xf32>
      %reduce_sum3A_416 = vector.multi_reduction <add>, %add3A_406, %reduce_sum3A_415 [0] : vector<256x64xf32> to vector<64xf32>
      %broadcast_in_dim3A_417 = vector.shape_cast %reduce_sum3A_416 : vector<64xf32> to vector<1x64xf32>
      %add3A_418 = arith.addf %get3A_414, %broadcast_in_dim3A_417 : vector<1x64xf32>
      %swap3A_419 = arith.constant 0 : index
      %swap3A_420 = arith.constant 0 : index
      %swap3A_421 = vector.load %arg28[%swap3A_419, %swap3A_420] : memref<2x64xf32, #tpu.memory_space<vmem>>, vector<1x64xf32>
      tpu.vector_store %arg28[%swap3A_419, %swap3A_420], %add3A_418 {strides = array<i32>} : memref<2x64xf32, #tpu.memory_space<vmem>>, vector<1x64xf32>,
      %mul3A_422 = arith.constant 8 : i32
      %mul3A_423 = arith.muli %arg0, %mul3A_422 : i32
      %add3A_424 = arith.constant 4 : i32
      %add3A_425 = arith.addi %mul3A_423, %add3A_424 : i32
      %mul3A_426 = arith.constant 256 : i32
      %mul3A_427 = arith.muli %add3A_425, %mul3A_426 : i32
      %get3A_428 = arith.index_cast %mul3A_427 : i32 to index
      %get3A_429 = arith.constant 0 : index
      %get3A_430 = vector.load %arg1[%get3A_428, %get3A_429] : memref<8192x16xf32, #tpu.memory_space<vmem>>, vector<256x16xf32>
      %get3A_431 = arith.constant 0 : index
      %get3A_432 = arith.constant 0 : index
      %get3A_433 = vector.load %arg13[%get3A_431, %get3A_432] : memref<16x64xf32, #tpu.memory_space<vmem>>, vector<16x64xf32>
      %dot_general3A_434 = arith.constant dense<0.000000e+00> : vector<256x64xf32>
      %dot_general3A_435 = tpu.matmul %get3A_430, %get3A_433, %dot_general3A_434 {dimension_numbers = #tpu.dot_dimension_numbers<[1], [0], [0], [1], [0, 0, 1, 1], [], []>, transpose_lhs_hint = false} : vector<256x16xf32>, vector<16x64xf32>, vector<256x64xf32> -> vector<256x64xf32>
      %mul3A_436 = arith.constant 256 : i32
      %mul3A_437 = arith.muli %add3A_425, %mul3A_436 : i32
      %swap3A_438 = arith.index_cast %mul3A_437 : i32 to index
      %swap3A_439 = arith.constant 0 : index
      %swap3A_440 = vector.load %arg24[%swap3A_438, %swap3A_439] : memref<8192x64xf32, #tpu.memory_space<vmem>>, vector<256x64xf32>
      tpu.vector_store %arg24[%swap3A_438, %swap3A_439], %dot_general3A_435 {strides = array<i32>} : memref<8192x64xf32, #tpu.memory_space<vmem>>, vector<256x64xf32>,
      %get3A_441 = arith.constant 0 : index
      %get3A_442 = arith.constant 0 : index
      %get3A_443 = vector.load %arg25[%get3A_441, %get3A_442] : memref<256x64xf32, #tpu.memory_space<vmem>>, vector<256x64xf32>
      %concatenate3A_444 = tpu.concatenate %dot_general3A_435, %get3A_443 in 1 : vector<256x64xf32>, vector<256x64xf32> -> vector<256x128xf32>
      %get3A_445 = arith.constant 0 : index
      %get3A_446 = arith.constant 0 : index
      %get3A_447 = vector.load %arg14[%get3A_445, %get3A_446] : memref<1x128xf32, #tpu.memory_space<vmem>>, vector<1x128xf32>
      %dot_general3A_448 = arith.constant dense<0.000000e+00> : vector<256x1xf32>
      %dot_general3A_449 = tpu.matmul %concatenate3A_444, %get3A_447, %dot_general3A_448 {dimension_numbers = #tpu.dot_dimension_numbers<[1], [1], [0], [0], [0, 0, 1, 0], [], []>, transpose_lhs_hint = false} : vector<256x128xf32>, vector<1x128xf32>, vector<256x1xf32> -> vector<256x1xf32>
      %get3A_450 = arith.constant 0 : index
      %get3A_451 = arith.constant 0 : index
      %get3A_452 = vector.load %arg15[%get3A_450, %get3A_451] : memref<1x128xf32, #tpu.memory_space<vmem>>, vector<1x128xf32>
      %dot_general3A_453 = arith.constant dense<0.000000e+00> : vector<1x256xf32>
      %dot_general3A_454 = tpu.matmul %get3A_452, %concatenate3A_444, %dot_general3A_453 {dimension_numbers = #tpu.dot_dimension_numbers<[1], [1], [0], [0], [0, 0, 1, 0], [], []>, transpose_lhs_hint = false} : vector<1x128xf32>, vector<256x128xf32>, vector<1x256xf32> -> vector<1x256xf32>
      %broadcast_in_dim3A_455 = vector.shape_cast %dot_general3A_449 : vector<256x1xf32> to vector<256x1xf32>
      %broadcast_in_dim3A_456 = vector.broadcast %broadcast_in_dim3A_455 : vector<256x1xf32> to vector<256x256xf32>
      %add3A_457 = vector.broadcast %dot_general3A_454 : vector<1x256xf32> to vector<256x256xf32>
      %add3A_458 = arith.addf %broadcast_in_dim3A_456, %add3A_457 : vector<256x256xf32>
      %ge3A_459 = arith.constant 0.000000e+00 : f32
      %ge3A_460 = vector.broadcast %ge3A_459 : f32 to vector<256x256xf32>
      %ge3A_461 = arith.cmpf oge, %add3A_458, %ge3A_460 : vector<256x256xf32>
      %mul3A_462 = arith.constant 2.000000e-01 : f32
      %mul3A_463 = vector.broadcast %mul3A_462 : f32 to vector<256x256xf32>
      %mul3A_464 = arith.mulf %mul3A_463, %add3A_458 : vector<256x256xf32>
      %select_n3A_465 = arith.select %ge3A_461, %add3A_458, %mul3A_464 : vector<256x256xi1>, vector<256x256xf32>
      %get3A_466 = arith.constant 0 : index
      %get3A_467 = arith.constant 0 : index
      %get3A_468 = vector.load %arg30[%get3A_466, %get3A_467] : memref<256x256xf32, #tpu.memory_space<vmem>>, vector<256x256xf32>
      %gt3A_469 = arith.constant 0.000000e+00 : f32
      %gt3A_470 = vector.broadcast %gt3A_469 : f32 to vector<256x256xf32>
      %gt3A_471 = arith.cmpf ogt, %get3A_468, %gt3A_470 : vector<256x256xf32>
      %jit3A_472 = arith.constant -1.000000e+30 : f32
      %broadcast_in_dim3A_473 = vector.broadcast %jit3A_472 : f32 to vector<256x256xf32>
      %select_n3A_474 = arith.select %gt3A_471, %select_n3A_465, %broadcast_in_dim3A_473 : vector<256x256xi1>, vector<256x256xf32>
      %reduce_max3A_475 = arith.constant dense<0xFF800000> : vector<256xf32>
      %reduce_max3A_476 = vector.multi_reduction <maximumf>, %select_n3A_474, %reduce_max3A_475 [1] : vector<256x256xf32> to vector<256xf32>
      %broadcast_in_dim3A_477 = vector.shape_cast %reduce_max3A_476 : vector<256xf32> to vector<256x1xf32>
      %gt3A_478 = arith.constant -1.000000e+29 : f32
      %gt3A_479 = vector.broadcast %gt3A_478 : f32 to vector<256x1xf32>
      %gt3A_480 = arith.cmpf ogt, %broadcast_in_dim3A_477, %gt3A_479 : vector<256x1xf32>
      %jit3A_481 = arith.constant 0.000000e+00 : f32
      %broadcast_in_dim3A_482 = vector.broadcast %jit3A_481 : f32 to vector<256x1xf32>
      %select_n3A_483 = arith.select %gt3A_480, %broadcast_in_dim3A_477, %broadcast_in_dim3A_482 : vector<256x1xi1>, vector<256x1xf32>
      %broadcast_in_dim3A_484 = vector.shape_cast %select_n3A_483 : vector<256x1xf32> to vector<256x1xf32>
      %broadcast_in_dim3A_485 = vector.broadcast %broadcast_in_dim3A_484 : vector<256x1xf32> to vector<256x256xf32>
      %sub3A_486 = arith.subf %select_n3A_465, %broadcast_in_dim3A_485 : vector<256x256xf32>
      %exp3A_487 = math.exp %sub3A_486 : vector<256x256xf32>
      %jit3A_488 = arith.constant 0.000000e+00 : f32
      %broadcast_in_dim3A_489 = vector.broadcast %jit3A_488 : f32 to vector<256x256xf32>
      %select_n3A_490 = arith.select %gt3A_471, %exp3A_487, %broadcast_in_dim3A_489 : vector<256x256xi1>, vector<256x256xf32>
      %mul3A_491 = arith.mulf %get3A_468, %select_n3A_490 : vector<256x256xf32>
      %reduce_sum3A_492 = arith.constant dense<0.000000e+00> : vector<256xf32>
      %reduce_sum3A_493 = vector.multi_reduction <add>, %mul3A_491, %reduce_sum3A_492 [1] : vector<256x256xf32> to vector<256xf32>
      %broadcast_in_dim3A_494 = vector.shape_cast %reduce_sum3A_493 : vector<256xf32> to vector<256x1xf32>
      %dot_general3A_495 = arith.constant dense<0.000000e+00> : vector<256x64xf32>
      %dot_general3A_496 = tpu.matmul %mul3A_491, %dot_general3A_435, %dot_general3A_495 {dimension_numbers = #tpu.dot_dimension_numbers<[1], [0], [0], [1], [0, 0, 1, 1], [], []>, precision = #tpu.contract_precision<fp32>, transpose_lhs_hint = false} : vector<256x256xf32>, vector<256x64xf32>, vector<256x64xf32> -> vector<256x64xf32>
      %broadcast_in_dim3A_497 = vector.shape_cast %broadcast_in_dim3A_494 : vector<256x1xf32> to vector<256x1xf32>
      %broadcast_in_dim3A_498 = vector.broadcast %broadcast_in_dim3A_497 : vector<256x1xf32> to vector<256x64xf32>
      %add3A_499 = arith.constant 1.000000e-16 : f32
      %add3A_500 = vector.broadcast %add3A_499 : f32 to vector<256x64xf32>
      %add3A_501 = arith.addf %broadcast_in_dim3A_498, %add3A_500 : vector<256x64xf32>
      %div3A_502 = arith.divf %dot_general3A_496, %add3A_501 : vector<256x64xf32>
      %get3A_503 = arith.constant 0 : index
      %get3A_504 = arith.constant 0 : index
      %get3A_505 = vector.load %arg16[%get3A_503, %get3A_504] : memref<1x64xf32, #tpu.memory_space<vmem>>, vector<1x64xf32>
      %add3A_506 = vector.broadcast %get3A_505 : vector<1x64xf32> to vector<256x64xf32>
      %add3A_507 = arith.addf %div3A_502, %add3A_506 : vector<256x64xf32>
      %mul3A_508 = arith.constant 256 : i32
      %mul3A_509 = arith.muli %add3A_425, %mul3A_508 : i32
      %swap3A_510 = arith.index_cast %mul3A_509 : i32 to index
      %swap3A_511 = arith.constant 0 : index
      %swap3A_512 = vector.load %arg27[%swap3A_510, %swap3A_511] : memref<8192x64xf32, #tpu.memory_space<vmem>>, vector<256x64xf32>
      tpu.vector_store %arg27[%swap3A_510, %swap3A_511], %add3A_507 {strides = array<i32>} : memref<8192x64xf32, #tpu.memory_space<vmem>>, vector<256x64xf32>,
      %get3A_513 = arith.constant 0 : index
      %get3A_514 = arith.constant 0 : index
      %get3A_515 = vector.load %arg28[%get3A_513, %get3A_514] : memref<2x64xf32, #tpu.memory_space<vmem>>, vector<1x64xf32>
      %reduce_sum3A_516 = arith.constant dense<0.000000e+00> : vector<64xf32>
      %reduce_sum3A_517 = vector.multi_reduction <add>, %add3A_507, %reduce_sum3A_516 [0] : vector<256x64xf32> to vector<64xf32>
      %broadcast_in_dim3A_518 = vector.shape_cast %reduce_sum3A_517 : vector<64xf32> to vector<1x64xf32>
      %add3A_519 = arith.addf %get3A_515, %broadcast_in_dim3A_518 : vector<1x64xf32>
      %swap3A_520 = arith.constant 0 : index
      %swap3A_521 = arith.constant 0 : index
      %swap3A_522 = vector.load %arg28[%swap3A_520, %swap3A_521] : memref<2x64xf32, #tpu.memory_space<vmem>>, vector<1x64xf32>
      tpu.vector_store %arg28[%swap3A_520, %swap3A_521], %add3A_519 {strides = array<i32>} : memref<2x64xf32, #tpu.memory_space<vmem>>, vector<1x64xf32>,
      %mul3A_523 = arith.constant 8 : i32
      %mul3A_524 = arith.muli %arg0, %mul3A_523 : i32
      %add3A_525 = arith.constant 5 : i32
      %add3A_526 = arith.addi %mul3A_524, %add3A_525 : i32
      %mul3A_527 = arith.constant 256 : i32
      %mul3A_528 = arith.muli %add3A_526, %mul3A_527 : i32
      %get3A_529 = arith.index_cast %mul3A_528 : i32 to index
      %get3A_530 = arith.constant 0 : index
      %get3A_531 = vector.load %arg1[%get3A_529, %get3A_530] : memref<8192x16xf32, #tpu.memory_space<vmem>>, vector<256x16xf32>
      %get3A_532 = arith.constant 0 : index
      %get3A_533 = arith.constant 0 : index
      %get3A_534 = vector.load %arg13[%get3A_532, %get3A_533] : memref<16x64xf32, #tpu.memory_space<vmem>>, vector<16x64xf32>
      %dot_general3A_535 = arith.constant dense<0.000000e+00> : vector<256x64xf32>
      %dot_general3A_536 = tpu.matmul %get3A_531, %get3A_534, %dot_general3A_535 {dimension_numbers = #tpu.dot_dimension_numbers<[1], [0], [0], [1], [0, 0, 1, 1], [], []>, transpose_lhs_hint = false} : vector<256x16xf32>, vector<16x64xf32>, vector<256x64xf32> -> vector<256x64xf32>
      %mul3A_537 = arith.constant 256 : i32
      %mul3A_538 = arith.muli %add3A_526, %mul3A_537 : i32
      %swap3A_539 = arith.index_cast %mul3A_538 : i32 to index
      %swap3A_540 = arith.constant 0 : index
      %swap3A_541 = vector.load %arg24[%swap3A_539, %swap3A_540] : memref<8192x64xf32, #tpu.memory_space<vmem>>, vector<256x64xf32>
      tpu.vector_store %arg24[%swap3A_539, %swap3A_540], %dot_general3A_536 {strides = array<i32>} : memref<8192x64xf32, #tpu.memory_space<vmem>>, vector<256x64xf32>,
      %get3A_542 = arith.constant 0 : index
      %get3A_543 = arith.constant 0 : index
      %get3A_544 = vector.load %arg25[%get3A_542, %get3A_543] : memref<256x64xf32, #tpu.memory_space<vmem>>, vector<256x64xf32>
      %concatenate3A_545 = tpu.concatenate %dot_general3A_536, %get3A_544 in 1 : vector<256x64xf32>, vector<256x64xf32> -> vector<256x128xf32>
      %get3A_546 = arith.constant 0 : index
      %get3A_547 = arith.constant 0 : index
      %get3A_548 = vector.load %arg14[%get3A_546, %get3A_547] : memref<1x128xf32, #tpu.memory_space<vmem>>, vector<1x128xf32>
      %dot_general3A_549 = arith.constant dense<0.000000e+00> : vector<256x1xf32>
      %dot_general3A_550 = tpu.matmul %concatenate3A_545, %get3A_548, %dot_general3A_549 {dimension_numbers = #tpu.dot_dimension_numbers<[1], [1], [0], [0], [0, 0, 1, 0], [], []>, transpose_lhs_hint = false} : vector<256x128xf32>, vector<1x128xf32>, vector<256x1xf32> -> vector<256x1xf32>
      %get3A_551 = arith.constant 0 : index
      %get3A_552 = arith.constant 0 : index
      %get3A_553 = vector.load %arg15[%get3A_551, %get3A_552] : memref<1x128xf32, #tpu.memory_space<vmem>>, vector<1x128xf32>
      %dot_general3A_554 = arith.constant dense<0.000000e+00> : vector<1x256xf32>
      %dot_general3A_555 = tpu.matmul %get3A_553, %concatenate3A_545, %dot_general3A_554 {dimension_numbers = #tpu.dot_dimension_numbers<[1], [1], [0], [0], [0, 0, 1, 0], [], []>, transpose_lhs_hint = false} : vector<1x128xf32>, vector<256x128xf32>, vector<1x256xf32> -> vector<1x256xf32>
      %broadcast_in_dim3A_556 = vector.shape_cast %dot_general3A_550 : vector<256x1xf32> to vector<256x1xf32>
      %broadcast_in_dim3A_557 = vector.broadcast %broadcast_in_dim3A_556 : vector<256x1xf32> to vector<256x256xf32>
      %add3A_558 = vector.broadcast %dot_general3A_555 : vector<1x256xf32> to vector<256x256xf32>
      %add3A_559 = arith.addf %broadcast_in_dim3A_557, %add3A_558 : vector<256x256xf32>
      %ge3A_560 = arith.constant 0.000000e+00 : f32
      %ge3A_561 = vector.broadcast %ge3A_560 : f32 to vector<256x256xf32>
      %ge3A_562 = arith.cmpf oge, %add3A_559, %ge3A_561 : vector<256x256xf32>
      %mul3A_563 = arith.constant 2.000000e-01 : f32
      %mul3A_564 = vector.broadcast %mul3A_563 : f32 to vector<256x256xf32>
      %mul3A_565 = arith.mulf %mul3A_564, %add3A_559 : vector<256x256xf32>
      %select_n3A_566 = arith.select %ge3A_562, %add3A_559, %mul3A_565 : vector<256x256xi1>, vector<256x256xf32>
      %get3A_567 = arith.constant 0 : index
      %get3A_568 = arith.constant 0 : index
      %get3A_569 = vector.load %arg30[%get3A_567, %get3A_568] : memref<256x256xf32, #tpu.memory_space<vmem>>, vector<256x256xf32>
      %gt3A_570 = arith.constant 0.000000e+00 : f32
      %gt3A_571 = vector.broadcast %gt3A_570 : f32 to vector<256x256xf32>
      %gt3A_572 = arith.cmpf ogt, %get3A_569, %gt3A_571 : vector<256x256xf32>
      %jit3A_573 = arith.constant -1.000000e+30 : f32
      %broadcast_in_dim3A_574 = vector.broadcast %jit3A_573 : f32 to vector<256x256xf32>
      %select_n3A_575 = arith.select %gt3A_572, %select_n3A_566, %broadcast_in_dim3A_574 : vector<256x256xi1>, vector<256x256xf32>
      %reduce_max3A_576 = arith.constant dense<0xFF800000> : vector<256xf32>
      %reduce_max3A_577 = vector.multi_reduction <maximumf>, %select_n3A_575, %reduce_max3A_576 [1] : vector<256x256xf32> to vector<256xf32>
      %broadcast_in_dim3A_578 = vector.shape_cast %reduce_max3A_577 : vector<256xf32> to vector<256x1xf32>
      %gt3A_579 = arith.constant -1.000000e+29 : f32
      %gt3A_580 = vector.broadcast %gt3A_579 : f32 to vector<256x1xf32>
      %gt3A_581 = arith.cmpf ogt, %broadcast_in_dim3A_578, %gt3A_580 : vector<256x1xf32>
      %jit3A_582 = arith.constant 0.000000e+00 : f32
      %broadcast_in_dim3A_583 = vector.broadcast %jit3A_582 : f32 to vector<256x1xf32>
      %select_n3A_584 = arith.select %gt3A_581, %broadcast_in_dim3A_578, %broadcast_in_dim3A_583 : vector<256x1xi1>, vector<256x1xf32>
      %broadcast_in_dim3A_585 = vector.shape_cast %select_n3A_584 : vector<256x1xf32> to vector<256x1xf32>
      %broadcast_in_dim3A_586 = vector.broadcast %broadcast_in_dim3A_585 : vector<256x1xf32> to vector<256x256xf32>
      %sub3A_587 = arith.subf %select_n3A_566, %broadcast_in_dim3A_586 : vector<256x256xf32>
      %exp3A_588 = math.exp %sub3A_587 : vector<256x256xf32>
      %jit3A_589 = arith.constant 0.000000e+00 : f32
      %broadcast_in_dim3A_590 = vector.broadcast %jit3A_589 : f32 to vector<256x256xf32>
      %select_n3A_591 = arith.select %gt3A_572, %exp3A_588, %broadcast_in_dim3A_590 : vector<256x256xi1>, vector<256x256xf32>
      %mul3A_592 = arith.mulf %get3A_569, %select_n3A_591 : vector<256x256xf32>
      %reduce_sum3A_593 = arith.constant dense<0.000000e+00> : vector<256xf32>
      %reduce_sum3A_594 = vector.multi_reduction <add>, %mul3A_592, %reduce_sum3A_593 [1] : vector<256x256xf32> to vector<256xf32>
      %broadcast_in_dim3A_595 = vector.shape_cast %reduce_sum3A_594 : vector<256xf32> to vector<256x1xf32>
      %dot_general3A_596 = arith.constant dense<0.000000e+00> : vector<256x64xf32>
      %dot_general3A_597 = tpu.matmul %mul3A_592, %dot_general3A_536, %dot_general3A_596 {dimension_numbers = #tpu.dot_dimension_numbers<[1], [0], [0], [1], [0, 0, 1, 1], [], []>, precision = #tpu.contract_precision<fp32>, transpose_lhs_hint = false} : vector<256x256xf32>, vector<256x64xf32>, vector<256x64xf32> -> vector<256x64xf32>
      %broadcast_in_dim3A_598 = vector.shape_cast %broadcast_in_dim3A_595 : vector<256x1xf32> to vector<256x1xf32>
      %broadcast_in_dim3A_599 = vector.broadcast %broadcast_in_dim3A_598 : vector<256x1xf32> to vector<256x64xf32>
      %add3A_600 = arith.constant 1.000000e-16 : f32
      %add3A_601 = vector.broadcast %add3A_600 : f32 to vector<256x64xf32>
      %add3A_602 = arith.addf %broadcast_in_dim3A_599, %add3A_601 : vector<256x64xf32>
      %div3A_603 = arith.divf %dot_general3A_597, %add3A_602 : vector<256x64xf32>
      %get3A_604 = arith.constant 0 : index
      %get3A_605 = arith.constant 0 : index
      %get3A_606 = vector.load %arg16[%get3A_604, %get3A_605] : memref<1x64xf32, #tpu.memory_space<vmem>>, vector<1x64xf32>
      %add3A_607 = vector.broadcast %get3A_606 : vector<1x64xf32> to vector<256x64xf32>
      %add3A_608 = arith.addf %div3A_603, %add3A_607 : vector<256x64xf32>
      %mul3A_609 = arith.constant 256 : i32
      %mul3A_610 = arith.muli %add3A_526, %mul3A_609 : i32
      %swap3A_611 = arith.index_cast %mul3A_610 : i32 to index
      %swap3A_612 = arith.constant 0 : index
      %swap3A_613 = vector.load %arg27[%swap3A_611, %swap3A_612] : memref<8192x64xf32, #tpu.memory_space<vmem>>, vector<256x64xf32>
      tpu.vector_store %arg27[%swap3A_611, %swap3A_612], %add3A_608 {strides = array<i32>} : memref<8192x64xf32, #tpu.memory_space<vmem>>, vector<256x64xf32>,
      %get3A_614 = arith.constant 0 : index
      %get3A_615 = arith.constant 0 : index
      %get3A_616 = vector.load %arg28[%get3A_614, %get3A_615] : memref<2x64xf32, #tpu.memory_space<vmem>>, vector<1x64xf32>
      %reduce_sum3A_617 = arith.constant dense<0.000000e+00> : vector<64xf32>
      %reduce_sum3A_618 = vector.multi_reduction <add>, %add3A_608, %reduce_sum3A_617 [0] : vector<256x64xf32> to vector<64xf32>
      %broadcast_in_dim3A_619 = vector.shape_cast %reduce_sum3A_618 : vector<64xf32> to vector<1x64xf32>
      %add3A_620 = arith.addf %get3A_616, %broadcast_in_dim3A_619 : vector<1x64xf32>
      %swap3A_621 = arith.constant 0 : index
      %swap3A_622 = arith.constant 0 : index
      %swap3A_623 = vector.load %arg28[%swap3A_621, %swap3A_622] : memref<2x64xf32, #tpu.memory_space<vmem>>, vector<1x64xf32>
      tpu.vector_store %arg28[%swap3A_621, %swap3A_622], %add3A_620 {strides = array<i32>} : memref<2x64xf32, #tpu.memory_space<vmem>>, vector<1x64xf32>,
      %mul3A_624 = arith.constant 8 : i32
      %mul3A_625 = arith.muli %arg0, %mul3A_624 : i32
      %add3A_626 = arith.constant 6 : i32
      %add3A_627 = arith.addi %mul3A_625, %add3A_626 : i32
      %mul3A_628 = arith.constant 256 : i32
      %mul3A_629 = arith.muli %add3A_627, %mul3A_628 : i32
      %get3A_630 = arith.index_cast %mul3A_629 : i32 to index
      %get3A_631 = arith.constant 0 : index
      %get3A_632 = vector.load %arg1[%get3A_630, %get3A_631] : memref<8192x16xf32, #tpu.memory_space<vmem>>, vector<256x16xf32>
      %get3A_633 = arith.constant 0 : index
      %get3A_634 = arith.constant 0 : index
      %get3A_635 = vector.load %arg13[%get3A_633, %get3A_634] : memref<16x64xf32, #tpu.memory_space<vmem>>, vector<16x64xf32>
      %dot_general3A_636 = arith.constant dense<0.000000e+00> : vector<256x64xf32>
      %dot_general3A_637 = tpu.matmul %get3A_632, %get3A_635, %dot_general3A_636 {dimension_numbers = #tpu.dot_dimension_numbers<[1], [0], [0], [1], [0, 0, 1, 1], [], []>, transpose_lhs_hint = false} : vector<256x16xf32>, vector<16x64xf32>, vector<256x64xf32> -> vector<256x64xf32>
      %mul3A_638 = arith.constant 256 : i32
      %mul3A_639 = arith.muli %add3A_627, %mul3A_638 : i32
      %swap3A_640 = arith.index_cast %mul3A_639 : i32 to index
      %swap3A_641 = arith.constant 0 : index
      %swap3A_642 = vector.load %arg24[%swap3A_640, %swap3A_641] : memref<8192x64xf32, #tpu.memory_space<vmem>>, vector<256x64xf32>
      tpu.vector_store %arg24[%swap3A_640, %swap3A_641], %dot_general3A_637 {strides = array<i32>} : memref<8192x64xf32, #tpu.memory_space<vmem>>, vector<256x64xf32>,
      %get3A_643 = arith.constant 0 : index
      %get3A_644 = arith.constant 0 : index
      %get3A_645 = vector.load %arg25[%get3A_643, %get3A_644] : memref<256x64xf32, #tpu.memory_space<vmem>>, vector<256x64xf32>
      %concatenate3A_646 = tpu.concatenate %dot_general3A_637, %get3A_645 in 1 : vector<256x64xf32>, vector<256x64xf32> -> vector<256x128xf32>
      %get3A_647 = arith.constant 0 : index
      %get3A_648 = arith.constant 0 : index
      %get3A_649 = vector.load %arg14[%get3A_647, %get3A_648] : memref<1x128xf32, #tpu.memory_space<vmem>>, vector<1x128xf32>
      %dot_general3A_650 = arith.constant dense<0.000000e+00> : vector<256x1xf32>
      %dot_general3A_651 = tpu.matmul %concatenate3A_646, %get3A_649, %dot_general3A_650 {dimension_numbers = #tpu.dot_dimension_numbers<[1], [1], [0], [0], [0, 0, 1, 0], [], []>, transpose_lhs_hint = false} : vector<256x128xf32>, vector<1x128xf32>, vector<256x1xf32> -> vector<256x1xf32>
      %get3A_652 = arith.constant 0 : index
      %get3A_653 = arith.constant 0 : index
      %get3A_654 = vector.load %arg15[%get3A_652, %get3A_653] : memref<1x128xf32, #tpu.memory_space<vmem>>, vector<1x128xf32>
      %dot_general3A_655 = arith.constant dense<0.000000e+00> : vector<1x256xf32>
      %dot_general3A_656 = tpu.matmul %get3A_654, %concatenate3A_646, %dot_general3A_655 {dimension_numbers = #tpu.dot_dimension_numbers<[1], [1], [0], [0], [0, 0, 1, 0], [], []>, transpose_lhs_hint = false} : vector<1x128xf32>, vector<256x128xf32>, vector<1x256xf32> -> vector<1x256xf32>
      %broadcast_in_dim3A_657 = vector.shape_cast %dot_general3A_651 : vector<256x1xf32> to vector<256x1xf32>
      %broadcast_in_dim3A_658 = vector.broadcast %broadcast_in_dim3A_657 : vector<256x1xf32> to vector<256x256xf32>
      %add3A_659 = vector.broadcast %dot_general3A_656 : vector<1x256xf32> to vector<256x256xf32>
      %add3A_660 = arith.addf %broadcast_in_dim3A_658, %add3A_659 : vector<256x256xf32>
      %ge3A_661 = arith.constant 0.000000e+00 : f32
      %ge3A_662 = vector.broadcast %ge3A_661 : f32 to vector<256x256xf32>
      %ge3A_663 = arith.cmpf oge, %add3A_660, %ge3A_662 : vector<256x256xf32>
      %mul3A_664 = arith.constant 2.000000e-01 : f32
      %mul3A_665 = vector.broadcast %mul3A_664 : f32 to vector<256x256xf32>
      %mul3A_666 = arith.mulf %mul3A_665, %add3A_660 : vector<256x256xf32>
      %select_n3A_667 = arith.select %ge3A_663, %add3A_660, %mul3A_666 : vector<256x256xi1>, vector<256x256xf32>
      %get3A_668 = arith.constant 0 : index
      %get3A_669 = arith.constant 0 : index
      %get3A_670 = vector.load %arg30[%get3A_668, %get3A_669] : memref<256x256xf32, #tpu.memory_space<vmem>>, vector<256x256xf32>
      %gt3A_671 = arith.constant 0.000000e+00 : f32
      %gt3A_672 = vector.broadcast %gt3A_671 : f32 to vector<256x256xf32>
      %gt3A_673 = arith.cmpf ogt, %get3A_670, %gt3A_672 : vector<256x256xf32>
      %jit3A_674 = arith.constant -1.000000e+30 : f32
      %broadcast_in_dim3A_675 = vector.broadcast %jit3A_674 : f32 to vector<256x256xf32>
      %select_n3A_676 = arith.select %gt3A_673, %select_n3A_667, %broadcast_in_dim3A_675 : vector<256x256xi1>, vector<256x256xf32>
      %reduce_max3A_677 = arith.constant dense<0xFF800000> : vector<256xf32>
      %reduce_max3A_678 = vector.multi_reduction <maximumf>, %select_n3A_676, %reduce_max3A_677 [1] : vector<256x256xf32> to vector<256xf32>
      %broadcast_in_dim3A_679 = vector.shape_cast %reduce_max3A_678 : vector<256xf32> to vector<256x1xf32>
      %gt3A_680 = arith.constant -1.000000e+29 : f32
      %gt3A_681 = vector.broadcast %gt3A_680 : f32 to vector<256x1xf32>
      %gt3A_682 = arith.cmpf ogt, %broadcast_in_dim3A_679, %gt3A_681 : vector<256x1xf32>
      %jit3A_683 = arith.constant 0.000000e+00 : f32
      %broadcast_in_dim3A_684 = vector.broadcast %jit3A_683 : f32 to vector<256x1xf32>
      %select_n3A_685 = arith.select %gt3A_682, %broadcast_in_dim3A_679, %broadcast_in_dim3A_684 : vector<256x1xi1>, vector<256x1xf32>
      %broadcast_in_dim3A_686 = vector.shape_cast %select_n3A_685 : vector<256x1xf32> to vector<256x1xf32>
      %broadcast_in_dim3A_687 = vector.broadcast %broadcast_in_dim3A_686 : vector<256x1xf32> to vector<256x256xf32>
      %sub3A_688 = arith.subf %select_n3A_667, %broadcast_in_dim3A_687 : vector<256x256xf32>
      %exp3A_689 = math.exp %sub3A_688 : vector<256x256xf32>
      %jit3A_690 = arith.constant 0.000000e+00 : f32
      %broadcast_in_dim3A_691 = vector.broadcast %jit3A_690 : f32 to vector<256x256xf32>
      %select_n3A_692 = arith.select %gt3A_673, %exp3A_689, %broadcast_in_dim3A_691 : vector<256x256xi1>, vector<256x256xf32>
      %mul3A_693 = arith.mulf %get3A_670, %select_n3A_692 : vector<256x256xf32>
      %reduce_sum3A_694 = arith.constant dense<0.000000e+00> : vector<256xf32>
      %reduce_sum3A_695 = vector.multi_reduction <add>, %mul3A_693, %reduce_sum3A_694 [1] : vector<256x256xf32> to vector<256xf32>
      %broadcast_in_dim3A_696 = vector.shape_cast %reduce_sum3A_695 : vector<256xf32> to vector<256x1xf32>
      %dot_general3A_697 = arith.constant dense<0.000000e+00> : vector<256x64xf32>
      %dot_general3A_698 = tpu.matmul %mul3A_693, %dot_general3A_637, %dot_general3A_697 {dimension_numbers = #tpu.dot_dimension_numbers<[1], [0], [0], [1], [0, 0, 1, 1], [], []>, precision = #tpu.contract_precision<fp32>, transpose_lhs_hint = false} : vector<256x256xf32>, vector<256x64xf32>, vector<256x64xf32> -> vector<256x64xf32>
      %broadcast_in_dim3A_699 = vector.shape_cast %broadcast_in_dim3A_696 : vector<256x1xf32> to vector<256x1xf32>
      %broadcast_in_dim3A_700 = vector.broadcast %broadcast_in_dim3A_699 : vector<256x1xf32> to vector<256x64xf32>
      %add3A_701 = arith.constant 1.000000e-16 : f32
      %add3A_702 = vector.broadcast %add3A_701 : f32 to vector<256x64xf32>
      %add3A_703 = arith.addf %broadcast_in_dim3A_700, %add3A_702 : vector<256x64xf32>
      %div3A_704 = arith.divf %dot_general3A_698, %add3A_703 : vector<256x64xf32>
      %get3A_705 = arith.constant 0 : index
      %get3A_706 = arith.constant 0 : index
      %get3A_707 = vector.load %arg16[%get3A_705, %get3A_706] : memref<1x64xf32, #tpu.memory_space<vmem>>, vector<1x64xf32>
      %add3A_708 = vector.broadcast %get3A_707 : vector<1x64xf32> to vector<256x64xf32>
      %add3A_709 = arith.addf %div3A_704, %add3A_708 : vector<256x64xf32>
      %mul3A_710 = arith.constant 256 : i32
      %mul3A_711 = arith.muli %add3A_627, %mul3A_710 : i32
      %swap3A_712 = arith.index_cast %mul3A_711 : i32 to index
      %swap3A_713 = arith.constant 0 : index
      %swap3A_714 = vector.load %arg27[%swap3A_712, %swap3A_713] : memref<8192x64xf32, #tpu.memory_space<vmem>>, vector<256x64xf32>
      tpu.vector_store %arg27[%swap3A_712, %swap3A_713], %add3A_709 {strides = array<i32>} : memref<8192x64xf32, #tpu.memory_space<vmem>>, vector<256x64xf32>,
      %get3A_715 = arith.constant 0 : index
      %get3A_716 = arith.constant 0 : index
      %get3A_717 = vector.load %arg28[%get3A_715, %get3A_716] : memref<2x64xf32, #tpu.memory_space<vmem>>, vector<1x64xf32>
      %reduce_sum3A_718 = arith.constant dense<0.000000e+00> : vector<64xf32>
      %reduce_sum3A_719 = vector.multi_reduction <add>, %add3A_709, %reduce_sum3A_718 [0] : vector<256x64xf32> to vector<64xf32>
      %broadcast_in_dim3A_720 = vector.shape_cast %reduce_sum3A_719 : vector<64xf32> to vector<1x64xf32>
      %add3A_721 = arith.addf %get3A_717, %broadcast_in_dim3A_720 : vector<1x64xf32>
      %swap3A_722 = arith.constant 0 : index
      %swap3A_723 = arith.constant 0 : index
      %swap3A_724 = vector.load %arg28[%swap3A_722, %swap3A_723] : memref<2x64xf32, #tpu.memory_space<vmem>>, vector<1x64xf32>
      tpu.vector_store %arg28[%swap3A_722, %swap3A_723], %add3A_721 {strides = array<i32>} : memref<2x64xf32, #tpu.memory_space<vmem>>, vector<1x64xf32>,
      %mul3A_725 = arith.constant 8 : i32
      %mul3A_726 = arith.muli %arg0, %mul3A_725 : i32
      %add3A_727 = arith.constant 7 : i32
      %add3A_728 = arith.addi %mul3A_726, %add3A_727 : i32
      %mul3A_729 = arith.constant 256 : i32
      %mul3A_730 = arith.muli %add3A_728, %mul3A_729 : i32
      %get3A_731 = arith.index_cast %mul3A_730 : i32 to index
      %get3A_732 = arith.constant 0 : index
      %get3A_733 = vector.load %arg1[%get3A_731, %get3A_732] : memref<8192x16xf32, #tpu.memory_space<vmem>>, vector<256x16xf32>
      %get3A_734 = arith.constant 0 : index
      %get3A_735 = arith.constant 0 : index
      %get3A_736 = vector.load %arg13[%get3A_734, %get3A_735] : memref<16x64xf32, #tpu.memory_space<vmem>>, vector<16x64xf32>
      %dot_general3A_737 = arith.constant dense<0.000000e+00> : vector<256x64xf32>
      %dot_general3A_738 = tpu.matmul %get3A_733, %get3A_736, %dot_general3A_737 {dimension_numbers = #tpu.dot_dimension_numbers<[1], [0], [0], [1], [0, 0, 1, 1], [], []>, transpose_lhs_hint = false} : vector<256x16xf32>, vector<16x64xf32>, vector<256x64xf32> -> vector<256x64xf32>
      %mul3A_739 = arith.constant 256 : i32
      %mul3A_740 = arith.muli %add3A_728, %mul3A_739 : i32
      %swap3A_741 = arith.index_cast %mul3A_740 : i32 to index
      %swap3A_742 = arith.constant 0 : index
      %swap3A_743 = vector.load %arg24[%swap3A_741, %swap3A_742] : memref<8192x64xf32, #tpu.memory_space<vmem>>, vector<256x64xf32>
      tpu.vector_store %arg24[%swap3A_741, %swap3A_742], %dot_general3A_738 {strides = array<i32>} : memref<8192x64xf32, #tpu.memory_space<vmem>>, vector<256x64xf32>,
      %get3A_744 = arith.constant 0 : index
      %get3A_745 = arith.constant 0 : index
      %get3A_746 = vector.load %arg25[%get3A_744, %get3A_745] : memref<256x64xf32, #tpu.memory_space<vmem>>, vector<256x64xf32>
      %concatenate3A_747 = tpu.concatenate %dot_general3A_738, %get3A_746 in 1 : vector<256x64xf32>, vector<256x64xf32> -> vector<256x128xf32>
      %get3A_748 = arith.constant 0 : index
      %get3A_749 = arith.constant 0 : index
      %get3A_750 = vector.load %arg14[%get3A_748, %get3A_749] : memref<1x128xf32, #tpu.memory_space<vmem>>, vector<1x128xf32>
      %dot_general3A_751 = arith.constant dense<0.000000e+00> : vector<256x1xf32>
      %dot_general3A_752 = tpu.matmul %concatenate3A_747, %get3A_750, %dot_general3A_751 {dimension_numbers = #tpu.dot_dimension_numbers<[1], [1], [0], [0], [0, 0, 1, 0], [], []>, transpose_lhs_hint = false} : vector<256x128xf32>, vector<1x128xf32>, vector<256x1xf32> -> vector<256x1xf32>
      %get3A_753 = arith.constant 0 : index
      %get3A_754 = arith.constant 0 : index
      %get3A_755 = vector.load %arg15[%get3A_753, %get3A_754] : memref<1x128xf32, #tpu.memory_space<vmem>>, vector<1x128xf32>
      %dot_general3A_756 = arith.constant dense<0.000000e+00> : vector<1x256xf32>
      %dot_general3A_757 = tpu.matmul %get3A_755, %concatenate3A_747, %dot_general3A_756 {dimension_numbers = #tpu.dot_dimension_numbers<[1], [1], [0], [0], [0, 0, 1, 0], [], []>, transpose_lhs_hint = false} : vector<1x128xf32>, vector<256x128xf32>, vector<1x256xf32> -> vector<1x256xf32>
      %broadcast_in_dim3A_758 = vector.shape_cast %dot_general3A_752 : vector<256x1xf32> to vector<256x1xf32>
      %broadcast_in_dim3A_759 = vector.broadcast %broadcast_in_dim3A_758 : vector<256x1xf32> to vector<256x256xf32>
      %add3A_760 = vector.broadcast %dot_general3A_757 : vector<1x256xf32> to vector<256x256xf32>
      %add3A_761 = arith.addf %broadcast_in_dim3A_759, %add3A_760 : vector<256x256xf32>
      %ge3A_762 = arith.constant 0.000000e+00 : f32
      %ge3A_763 = vector.broadcast %ge3A_762 : f32 to vector<256x256xf32>
      %ge3A_764 = arith.cmpf oge, %add3A_761, %ge3A_763 : vector<256x256xf32>
      %mul3A_765 = arith.constant 2.000000e-01 : f32
      %mul3A_766 = vector.broadcast %mul3A_765 : f32 to vector<256x256xf32>
      %mul3A_767 = arith.mulf %mul3A_766, %add3A_761 : vector<256x256xf32>
      %select_n3A_768 = arith.select %ge3A_764, %add3A_761, %mul3A_767 : vector<256x256xi1>, vector<256x256xf32>
      %get3A_769 = arith.constant 0 : index
      %get3A_770 = arith.constant 0 : index
      %get3A_771 = vector.load %arg30[%get3A_769, %get3A_770] : memref<256x256xf32, #tpu.memory_space<vmem>>, vector<256x256xf32>
      %gt3A_772 = arith.constant 0.000000e+00 : f32
      %gt3A_773 = vector.broadcast %gt3A_772 : f32 to vector<256x256xf32>
      %gt3A_774 = arith.cmpf ogt, %get3A_771, %gt3A_773 : vector<256x256xf32>
      %jit3A_775 = arith.constant -1.000000e+30 : f32
      %broadcast_in_dim3A_776 = vector.broadcast %jit3A_775 : f32 to vector<256x256xf32>
      %select_n3A_777 = arith.select %gt3A_774, %select_n3A_768, %broadcast_in_dim3A_776 : vector<256x256xi1>, vector<256x256xf32>
      %reduce_max3A_778 = arith.constant dense<0xFF800000> : vector<256xf32>
      %reduce_max3A_779 = vector.multi_reduction <maximumf>, %select_n3A_777, %reduce_max3A_778 [1] : vector<256x256xf32> to vector<256xf32>
      %broadcast_in_dim3A_780 = vector.shape_cast %reduce_max3A_779 : vector<256xf32> to vector<256x1xf32>
      %gt3A_781 = arith.constant -1.000000e+29 : f32
      %gt3A_782 = vector.broadcast %gt3A_781 : f32 to vector<256x1xf32>
      %gt3A_783 = arith.cmpf ogt, %broadcast_in_dim3A_780, %gt3A_782 : vector<256x1xf32>
      %jit3A_784 = arith.constant 0.000000e+00 : f32
      %broadcast_in_dim3A_785 = vector.broadcast %jit3A_784 : f32 to vector<256x1xf32>
      %select_n3A_786 = arith.select %gt3A_783, %broadcast_in_dim3A_780, %broadcast_in_dim3A_785 : vector<256x1xi1>, vector<256x1xf32>
      %broadcast_in_dim3A_787 = vector.shape_cast %select_n3A_786 : vector<256x1xf32> to vector<256x1xf32>
      %broadcast_in_dim3A_788 = vector.broadcast %broadcast_in_dim3A_787 : vector<256x1xf32> to vector<256x256xf32>
      %sub3A_789 = arith.subf %select_n3A_768, %broadcast_in_dim3A_788 : vector<256x256xf32>
      %exp3A_790 = math.exp %sub3A_789 : vector<256x256xf32>
      %jit3A_791 = arith.constant 0.000000e+00 : f32
      %broadcast_in_dim3A_792 = vector.broadcast %jit3A_791 : f32 to vector<256x256xf32>
      %select_n3A_793 = arith.select %gt3A_774, %exp3A_790, %broadcast_in_dim3A_792 : vector<256x256xi1>, vector<256x256xf32>
      %mul3A_794 = arith.mulf %get3A_771, %select_n3A_793 : vector<256x256xf32>
      %reduce_sum3A_795 = arith.constant dense<0.000000e+00> : vector<256xf32>
      %reduce_sum3A_796 = vector.multi_reduction <add>, %mul3A_794, %reduce_sum3A_795 [1] : vector<256x256xf32> to vector<256xf32>
      %broadcast_in_dim3A_797 = vector.shape_cast %reduce_sum3A_796 : vector<256xf32> to vector<256x1xf32>
      %dot_general3A_798 = arith.constant dense<0.000000e+00> : vector<256x64xf32>
      %dot_general3A_799 = tpu.matmul %mul3A_794, %dot_general3A_738, %dot_general3A_798 {dimension_numbers = #tpu.dot_dimension_numbers<[1], [0], [0], [1], [0, 0, 1, 1], [], []>, precision = #tpu.contract_precision<fp32>, transpose_lhs_hint = false} : vector<256x256xf32>, vector<256x64xf32>, vector<256x64xf32> -> vector<256x64xf32>
      %broadcast_in_dim3A_800 = vector.shape_cast %broadcast_in_dim3A_797 : vector<256x1xf32> to vector<256x1xf32>
      %broadcast_in_dim3A_801 = vector.broadcast %broadcast_in_dim3A_800 : vector<256x1xf32> to vector<256x64xf32>
      %add3A_802 = arith.constant 1.000000e-16 : f32
      %add3A_803 = vector.broadcast %add3A_802 : f32 to vector<256x64xf32>
      %add3A_804 = arith.addf %broadcast_in_dim3A_801, %add3A_803 : vector<256x64xf32>
      %div3A_805 = arith.divf %dot_general3A_799, %add3A_804 : vector<256x64xf32>
      %get3A_806 = arith.constant 0 : index
      %get3A_807 = arith.constant 0 : index
      %get3A_808 = vector.load %arg16[%get3A_806, %get3A_807] : memref<1x64xf32, #tpu.memory_space<vmem>>, vector<1x64xf32>
      %add3A_809 = vector.broadcast %get3A_808 : vector<1x64xf32> to vector<256x64xf32>
      %add3A_810 = arith.addf %div3A_805, %add3A_809 : vector<256x64xf32>
      %mul3A_811 = arith.constant 256 : i32
      %mul3A_812 = arith.muli %add3A_728, %mul3A_811 : i32
      %swap3A_813 = arith.index_cast %mul3A_812 : i32 to index
      %swap3A_814 = arith.constant 0 : index
      %swap3A_815 = vector.load %arg27[%swap3A_813, %swap3A_814] : memref<8192x64xf32, #tpu.memory_space<vmem>>, vector<256x64xf32>
      tpu.vector_store %arg27[%swap3A_813, %swap3A_814], %add3A_810 {strides = array<i32>} : memref<8192x64xf32, #tpu.memory_space<vmem>>, vector<256x64xf32>,
      %get3A_816 = arith.constant 0 : index
      %get3A_817 = arith.constant 0 : index
      %get3A_818 = vector.load %arg28[%get3A_816, %get3A_817] : memref<2x64xf32, #tpu.memory_space<vmem>>, vector<1x64xf32>
      %reduce_sum3A_819 = arith.constant dense<0.000000e+00> : vector<64xf32>
      %reduce_sum3A_820 = vector.multi_reduction <add>, %add3A_810, %reduce_sum3A_819 [0] : vector<256x64xf32> to vector<64xf32>
      %broadcast_in_dim3A_821 = vector.shape_cast %reduce_sum3A_820 : vector<64xf32> to vector<1x64xf32>
      %add3A_822 = arith.addf %get3A_818, %broadcast_in_dim3A_821 : vector<1x64xf32>
      %swap3A_823 = arith.constant 0 : index
      %swap3A_824 = arith.constant 0 : index
      %swap3A_825 = vector.load %arg28[%swap3A_823, %swap3A_824] : memref<2x64xf32, #tpu.memory_space<vmem>>, vector<1x64xf32>
      tpu.vector_store %arg28[%swap3A_823, %swap3A_824], %add3A_822 {strides = array<i32>} : memref<2x64xf32, #tpu.memory_space<vmem>>, vector<1x64xf32>,
    } else {
    }
    %ge3A = arith.constant 4 : i32
    %ge3A_6 = arith.cmpi sge, %arg0, %ge3A : i32
    %lt3A_7 = arith.constant 8 : i32
    %lt3A_8 = arith.cmpi slt, %arg0, %lt3A_7 : i32
    %and3A = arith.andi %ge3A_6, %lt3A_8 : i1
    %convert_element_type3A_9 = arith.extui %and3A : i1 to i32
    %cond3A_10 = arith.constant 0 : i32
    %cond3A_11 = arith.cmpi ne, %convert_element_type3A_9, %cond3A_10 : i32
    scf.if %cond3A_11 {
      %sub3A = arith.constant 4 : i32
      %sub3A_33 = arith.subi %arg0, %sub3A : i32
      %get3A = arith.constant 0 : index
      %get3A_34 = arith.constant 0 : index
      %get3A_35 = vector.load %arg28[%get3A, %get3A_34] : memref<2x64xf32, #tpu.memory_space<vmem>>, vector<1x64xf32>
      %div3A = arith.constant 8.192000e+03 : f32
      %div3A_36 = vector.broadcast %div3A : f32 to vector<1x64xf32>
      %div3A_37 = arith.divf %get3A_35, %div3A_36 : vector<1x64xf32>
      %mul3A = arith.constant 2048 : i32
      %mul3A_38 = arith.muli %sub3A_33, %mul3A : i32
      %get3A_39 = arith.index_cast %mul3A_38 : i32 to index
      %get3A_40 = arith.constant 0 : index
      %get3A_41 = vector.load %arg27[%get3A_39, %get3A_40] : memref<8192x64xf32, #tpu.memory_space<vmem>>, vector<2048x64xf32>
      %sub3A_42 = vector.broadcast %div3A_37 : vector<1x64xf32> to vector<2048x64xf32>
      %sub3A_43 = arith.subf %get3A_41, %sub3A_42 : vector<2048x64xf32>
      %get3A_44 = arith.constant 1 : index
      %get3A_45 = arith.constant 0 : index
      %get3A_46 = vector.load %arg28[%get3A_44, %get3A_45] : memref<2x64xf32, #tpu.memory_space<vmem>>, vector<1x64xf32>
      %mul3A_47 = arith.mulf %sub3A_43, %sub3A_43 : vector<2048x64xf32>
      %reduce_sum3A = arith.constant dense<0.000000e+00> : vector<64xf32>
      %reduce_sum3A_48 = vector.multi_reduction <add>, %mul3A_47, %reduce_sum3A [0] : vector<2048x64xf32> to vector<64xf32>
      %broadcast_in_dim3A = vector.shape_cast %reduce_sum3A_48 : vector<64xf32> to vector<1x64xf32>
      %add3A = arith.addf %get3A_46, %broadcast_in_dim3A : vector<1x64xf32>
      %swap3A = arith.constant 1 : index
      %swap3A_49 = arith.constant 0 : index
      %swap3A_50 = vector.load %arg28[%swap3A, %swap3A_49] : memref<2x64xf32, #tpu.memory_space<vmem>>, vector<1x64xf32>
      tpu.vector_store %arg28[%swap3A, %swap3A_49], %add3A {strides = array<i32>} : memref<2x64xf32, #tpu.memory_space<vmem>>, vector<1x64xf32>,
    } else {
    }
    %ge3A_12 = arith.constant 8 : i32
    %ge3A_13 = arith.cmpi sge, %arg0, %ge3A_12 : i32
    %lt3A_14 = arith.constant 12 : i32
    %lt3A_15 = arith.cmpi slt, %arg0, %lt3A_14 : i32
    %and3A_16 = arith.andi %ge3A_13, %lt3A_15 : i1
    %convert_element_type3A_17 = arith.extui %and3A_16 : i1 to i32
    %cond3A_18 = arith.constant 0 : i32
    %cond3A_19 = arith.cmpi ne, %convert_element_type3A_17, %cond3A_18 : i32
    scf.if %cond3A_19 {
      %sub3A = arith.constant 8 : i32
      %sub3A_33 = arith.subi %arg0, %sub3A : i32
      %get3A = arith.constant 0 : index
      %get3A_34 = arith.constant 0 : index
      %get3A_35 = vector.load %arg28[%get3A, %get3A_34] : memref<2x64xf32, #tpu.memory_space<vmem>>, vector<1x64xf32>
      %div3A = arith.constant 8.192000e+03 : f32
      %div3A_36 = vector.broadcast %div3A : f32 to vector<1x64xf32>
      %div3A_37 = arith.divf %get3A_35, %div3A_36 : vector<1x64xf32>
      %get3A_38 = arith.constant 1 : index
      %get3A_39 = arith.constant 0 : index
      %get3A_40 = vector.load %arg28[%get3A_38, %get3A_39] : memref<2x64xf32, #tpu.memory_space<vmem>>, vector<1x64xf32>
      %div3A_41 = arith.constant 8.192000e+03 : f32
      %div3A_42 = vector.broadcast %div3A_41 : f32 to vector<1x64xf32>
      %div3A_43 = arith.divf %get3A_40, %div3A_42 : vector<1x64xf32>
      %mul3A = arith.constant 2048 : i32
      %mul3A_44 = arith.muli %sub3A_33, %mul3A : i32
      %get3A_45 = arith.index_cast %mul3A_44 : i32 to index
      %get3A_46 = arith.constant 0 : index
      %get3A_47 = vector.load %arg27[%get3A_45, %get3A_46] : memref<8192x64xf32, #tpu.memory_space<vmem>>, vector<2048x64xf32>
      %sub3A_48 = vector.broadcast %div3A_37 : vector<1x64xf32> to vector<2048x64xf32>
      %sub3A_49 = arith.subf %get3A_47, %sub3A_48 : vector<2048x64xf32>
      %add3A = arith.constant 9.99999974E-6 : f32
      %add3A_50 = vector.broadcast %add3A : f32 to vector<1x64xf32>
      %add3A_51 = arith.addf %div3A_43, %add3A_50 : vector<1x64xf32>
      %sqrt3A = math.sqrt %add3A_51 : vector<1x64xf32>
      %div3A_52 = vector.broadcast %sqrt3A : vector<1x64xf32> to vector<2048x64xf32>
      %div3A_53 = arith.divf %sub3A_49, %div3A_52 : vector<2048x64xf32>
      %get3A_54 = arith.constant 0 : index
      %get3A_55 = arith.constant 0 : index
      %get3A_56 = vector.load %arg17[%get3A_54, %get3A_55] : memref<1x64xf32, #tpu.memory_space<vmem>>, vector<1x64xf32>
      %mul3A_57 = vector.broadcast %get3A_56 : vector<1x64xf32> to vector<2048x64xf32>
      %mul3A_58 = arith.mulf %div3A_53, %mul3A_57 : vector<2048x64xf32>
      %get3A_59 = arith.constant 0 : index
      %get3A_60 = arith.constant 0 : index
      %get3A_61 = vector.load %arg18[%get3A_59, %get3A_60] : memref<1x64xf32, #tpu.memory_space<vmem>>, vector<1x64xf32>
      %add3A_62 = vector.broadcast %get3A_61 : vector<1x64xf32> to vector<2048x64xf32>
      %add3A_63 = arith.addf %mul3A_58, %add3A_62 : vector<2048x64xf32>
      %max3A = arith.constant 0.000000e+00 : f32
      %max3A_64 = vector.broadcast %max3A : f32 to vector<2048x64xf32>
      %max3A_65 = arith.maximumf %add3A_63, %max3A_64 : vector<2048x64xf32>
      %get3A_66 = arith.constant 0 : index
      %get3A_67 = arith.constant 0 : index
      %get3A_68 = vector.load %arg26[%get3A_66, %get3A_67] : memref<2048x64xf32, #tpu.memory_space<vmem>>, vector<2048x64xf32>
      %mul3A_69 = arith.mulf %max3A_65, %get3A_68 : vector<2048x64xf32>
      %mul3A_70 = arith.constant 2048 : i32
      %mul3A_71 = arith.muli %sub3A_33, %mul3A_70 : i32
      %swap3A = arith.index_cast %mul3A_71 : i32 to index
      %swap3A_72 = arith.constant 0 : index
      %swap3A_73 = vector.load %arg27[%swap3A, %swap3A_72] : memref<8192x64xf32, #tpu.memory_space<vmem>>, vector<2048x64xf32>
      tpu.vector_store %arg27[%swap3A, %swap3A_72], %mul3A_69 {strides = array<i32>} : memref<8192x64xf32, #tpu.memory_space<vmem>>, vector<2048x64xf32>,
      %get3A_74 = arith.constant 0 : index
      %get3A_75 = arith.constant 0 : index
      %get3A_76 = vector.load %arg29[%get3A_74, %get3A_75] : memref<2x64xf32, #tpu.memory_space<vmem>>, vector<1x64xf32>
      %reduce_sum3A = arith.constant dense<0.000000e+00> : vector<64xf32>
      %reduce_sum3A_77 = vector.multi_reduction <add>, %mul3A_69, %reduce_sum3A [0] : vector<2048x64xf32> to vector<64xf32>
      %broadcast_in_dim3A = vector.shape_cast %reduce_sum3A_77 : vector<64xf32> to vector<1x64xf32>
      %add3A_78 = arith.addf %get3A_76, %broadcast_in_dim3A : vector<1x64xf32>
      %swap3A_79 = arith.constant 0 : index
      %swap3A_80 = arith.constant 0 : index
      %swap3A_81 = vector.load %arg29[%swap3A_79, %swap3A_80] : memref<2x64xf32, #tpu.memory_space<vmem>>, vector<1x64xf32>
      tpu.vector_store %arg29[%swap3A_79, %swap3A_80], %add3A_78 {strides = array<i32>} : memref<2x64xf32, #tpu.memory_space<vmem>>, vector<1x64xf32>,
    } else {
    }
    %ge3A_20 = arith.constant 12 : i32
    %ge3A_21 = arith.cmpi sge, %arg0, %ge3A_20 : i32
    %lt3A_22 = arith.constant 16 : i32
    %lt3A_23 = arith.cmpi slt, %arg0, %lt3A_22 : i32
    %and3A_24 = arith.andi %ge3A_21, %lt3A_23 : i1
    %convert_element_type3A_25 = arith.extui %and3A_24 : i1 to i32
    %cond3A_26 = arith.constant 0 : i32
    %cond3A_27 = arith.cmpi ne, %convert_element_type3A_25, %cond3A_26 : i32
    scf.if %cond3A_27 {
      %sub3A = arith.constant 12 : i32
      %sub3A_33 = arith.subi %arg0, %sub3A : i32
      %get3A = arith.constant 0 : index
      %get3A_34 = arith.constant 0 : index
      %get3A_35 = vector.load %arg29[%get3A, %get3A_34] : memref<2x64xf32, #tpu.memory_space<vmem>>, vector<1x64xf32>
      %div3A = arith.constant 8.192000e+03 : f32
      %div3A_36 = vector.broadcast %div3A : f32 to vector<1x64xf32>
      %div3A_37 = arith.divf %get3A_35, %div3A_36 : vector<1x64xf32>
      %mul3A = arith.constant 2048 : i32
      %mul3A_38 = arith.muli %sub3A_33, %mul3A : i32
      %get3A_39 = arith.index_cast %mul3A_38 : i32 to index
      %get3A_40 = arith.constant 0 : index
      %get3A_41 = vector.load %arg27[%get3A_39, %get3A_40] : memref<8192x64xf32, #tpu.memory_space<vmem>>, vector<2048x64xf32>
      %sub3A_42 = vector.broadcast %div3A_37 : vector<1x64xf32> to vector<2048x64xf32>
      %sub3A_43 = arith.subf %get3A_41, %sub3A_42 : vector<2048x64xf32>
      %get3A_44 = arith.constant 1 : index
      %get3A_45 = arith.constant 0 : index
      %get3A_46 = vector.load %arg29[%get3A_44, %get3A_45] : memref<2x64xf32, #tpu.memory_space<vmem>>, vector<1x64xf32>
      %mul3A_47 = arith.mulf %sub3A_43, %sub3A_43 : vector<2048x64xf32>
      %reduce_sum3A = arith.constant dense<0.000000e+00> : vector<64xf32>
      %reduce_sum3A_48 = vector.multi_reduction <add>, %mul3A_47, %reduce_sum3A [0] : vector<2048x64xf32> to vector<64xf32>
      %broadcast_in_dim3A = vector.shape_cast %reduce_sum3A_48 : vector<64xf32> to vector<1x64xf32>
      %add3A = arith.addf %get3A_46, %broadcast_in_dim3A : vector<1x64xf32>
      %swap3A = arith.constant 1 : index
      %swap3A_49 = arith.constant 0 : index
      %swap3A_50 = vector.load %arg29[%swap3A, %swap3A_49] : memref<2x64xf32, #tpu.memory_space<vmem>>, vector<1x64xf32>
      tpu.vector_store %arg29[%swap3A, %swap3A_49], %add3A {strides = array<i32>} : memref<2x64xf32, #tpu.memory_space<vmem>>, vector<1x64xf32>,
    } else {
    }
    %ge3A_28 = arith.constant 16 : i32
    %ge3A_29 = arith.cmpi sge, %arg0, %ge3A_28 : i32
    %convert_element_type3A_30 = arith.extui %ge3A_29 : i1 to i32
    %cond3A_31 = arith.constant 0 : i32
    %cond3A_32 = arith.cmpi ne, %convert_element_type3A_30, %cond3A_31 : i32
    scf.if %cond3A_32 {
      %get3A = arith.constant 0 : index
      %get3A_33 = arith.constant 0 : index
      %get3A_34 = vector.load %arg29[%get3A, %get3A_33] : memref<2x64xf32, #tpu.memory_space<vmem>>, vector<1x64xf32>
      %div3A = arith.constant 8.192000e+03 : f32
      %div3A_35 = vector.broadcast %div3A : f32 to vector<1x64xf32>
      %div3A_36 = arith.divf %get3A_34, %div3A_35 : vector<1x64xf32>
      %get3A_37 = arith.constant 1 : index
      %get3A_38 = arith.constant 0 : index
      %get3A_39 = vector.load %arg29[%get3A_37, %get3A_38] : memref<2x64xf32, #tpu.memory_space<vmem>>, vector<1x64xf32>
      %div3A_40 = arith.constant 8.192000e+03 : f32
      %div3A_41 = vector.broadcast %div3A_40 : f32 to vector<1x64xf32>
      %div3A_42 = arith.divf %get3A_39, %div3A_41 : vector<1x64xf32>
      %sub3A = arith.constant 16 : i32
      %sub3A_43 = arith.subi %arg0, %sub3A : i32
      %mul3A = arith.constant 2048 : i32
      %mul3A_44 = arith.muli %sub3A_43, %mul3A : i32
      %get3A_45 = arith.index_cast %mul3A_44 : i32 to index
      %get3A_46 = arith.constant 0 : index
      %get3A_47 = vector.load %arg27[%get3A_45, %get3A_46] : memref<8192x64xf32, #tpu.memory_space<vmem>>, vector<2048x64xf32>
      %sub3A_48 = vector.broadcast %div3A_36 : vector<1x64xf32> to vector<2048x64xf32>
      %sub3A_49 = arith.subf %get3A_47, %sub3A_48 : vector<2048x64xf32>
      %add3A = arith.constant 9.99999974E-6 : f32
      %add3A_50 = vector.broadcast %add3A : f32 to vector<1x64xf32>
      %add3A_51 = arith.addf %div3A_42, %add3A_50 : vector<1x64xf32>
      %sqrt3A = math.sqrt %add3A_51 : vector<1x64xf32>
      %div3A_52 = vector.broadcast %sqrt3A : vector<1x64xf32> to vector<2048x64xf32>
      %div3A_53 = arith.divf %sub3A_49, %div3A_52 : vector<2048x64xf32>
      %get3A_54 = arith.constant 0 : index
      %get3A_55 = arith.constant 0 : index
      %get3A_56 = vector.load %arg19[%get3A_54, %get3A_55] : memref<1x64xf32, #tpu.memory_space<vmem>>, vector<1x64xf32>
      %mul3A_57 = vector.broadcast %get3A_56 : vector<1x64xf32> to vector<2048x64xf32>
      %mul3A_58 = arith.mulf %div3A_53, %mul3A_57 : vector<2048x64xf32>
      %get3A_59 = arith.constant 0 : index
      %get3A_60 = arith.constant 0 : index
      %get3A_61 = vector.load %arg20[%get3A_59, %get3A_60] : memref<1x64xf32, #tpu.memory_space<vmem>>, vector<1x64xf32>
      %add3A_62 = vector.broadcast %get3A_61 : vector<1x64xf32> to vector<2048x64xf32>
      %add3A_63 = arith.addf %mul3A_58, %add3A_62 : vector<2048x64xf32>
      %max3A = arith.constant 0.000000e+00 : f32
      %max3A_64 = vector.broadcast %max3A : f32 to vector<2048x64xf32>
      %max3A_65 = arith.maximumf %add3A_63, %max3A_64 : vector<2048x64xf32>
      %get3A_66 = arith.constant 0 : index
      %get3A_67 = arith.constant 0 : index
      %get3A_68 = vector.load %arg21[%get3A_66, %get3A_67] : memref<1x64xf32, #tpu.memory_space<vmem>>, vector<1x64xf32>
      %dot_general3A = arith.constant dense<0.000000e+00> : vector<1x2048xf32>
      %dot_general3A_69 = tpu.matmul %get3A_68, %max3A_65, %dot_general3A {dimension_numbers = #tpu.dot_dimension_numbers<[1], [1], [0], [0], [0, 0, 1, 0], [], []>, transpose_lhs_hint = false} : vector<1x64xf32>, vector<2048x64xf32>, vector<1x2048xf32> -> vector<1x2048xf32>
      %get3A_70 = arith.constant 0 : index
      %get3A_71 = arith.constant 0 : index
      %get3A_72 = vector.load %arg22[%get3A_70, %get3A_71] : memref<1x1xf32, #tpu.memory_space<vmem>>, vector<1x1xf32>
      %get3A_73 = vector.extract %get3A_72[0, 0] : f32 from vector<1x1xf32>
      %add3A_74 = vector.broadcast %get3A_73 : f32 to vector<1x2048xf32>
      %add3A_75 = arith.addf %dot_general3A_69, %add3A_74 : vector<1x2048xf32>
      %swap3A = arith.constant 0 : index
      %swap3A_76 = arith.constant 0 : index
      %swap3A_77 = vector.load %arg23[%swap3A, %swap3A_76] : memref<1x2048xf32, #tpu.memory_space<vmem>>, vector<1x2048xf32>
      tpu.vector_store %arg23[%swap3A, %swap3A_76], %add3A_75 {strides = array<i32>} : memref<1x2048xf32, #tpu.memory_space<vmem>>, vector<1x2048xf32>,
    } else {
    }
    return
  }
  func.func @transform_0(%arg0: i32) -> (i32, i32) {
    %c0_i32 = arith.constant 0 : i32
    %c0_i32_0 = arith.constant 0 : i32
    %c0_i32_1 = arith.constant 0 : i32
    return %c0_i32, %c0_i32_0 : i32, i32
  }
  func.func @transform_1(%arg0: i32) -> (i32, i32, i32) {
    %c0_i32 = arith.constant 0 : i32
    %c0_i32_0 = arith.constant 0 : i32
    %c0_i32_1 = arith.constant 0 : i32
    %c0_i32_2 = arith.constant 0 : i32
    return %c0_i32, %c0_i32_0, %c0_i32_1 : i32, i32, i32
  }
  func.func @transform_2(%arg0: i32) -> (i32, i32, i32) {
    %c0_i32 = arith.constant 0 : i32
    %c0_i32_0 = arith.constant 0 : i32
    %c0_i32_1 = arith.constant 0 : i32
    %c0_i32_2 = arith.constant 0 : i32
    return %c0_i32, %c0_i32_0, %c0_i32_1 : i32, i32, i32
  }
  func.func @transform_3(%arg0: i32) -> (i32, i32, i32) {
    %c0_i32 = arith.constant 0 : i32
    %c0_i32_0 = arith.constant 0 : i32
    %c0_i32_1 = arith.constant 0 : i32
    %c0_i32_2 = arith.constant 0 : i32
    return %c0_i32, %c0_i32_0, %c0_i32_1 : i32, i32, i32
  }
  func.func @transform_4(%arg0: i32) -> (i32, i32, i32) {
    %c0_i32 = arith.constant 0 : i32
    %c0_i32_0 = arith.constant 0 : i32
    %c0_i32_1 = arith.constant 0 : i32
    %c0_i32_2 = arith.constant 0 : i32
    return %c0_i32, %c0_i32_0, %c0_i32_1 : i32, i32, i32
  }
  func.func @transform_5(%arg0: i32) -> (i32, i32, i32) {
    %c0_i32 = arith.constant 0 : i32
    %c0_i32_0 = arith.constant 0 : i32
    %c0_i32_1 = arith.constant 0 : i32
    %c0_i32_2 = arith.constant 0 : i32
    return %c0_i32, %c0_i32_0, %c0_i32_1 : i32, i32, i32
  }
  func.func @transform_6(%arg0: i32) -> (i32, i32) {
    %c0_i32 = arith.constant 0 : i32
    %c0_i32_0 = arith.constant 0 : i32
    %c0_i32_1 = arith.constant 0 : i32
    return %c0_i32, %c0_i32_0 : i32, i32
  }
  func.func @transform_7(%arg0: i32) -> (i32, i32) {
    %c0_i32 = arith.constant 0 : i32
    %c0_i32_0 = arith.constant 0 : i32
    %c0_i32_1 = arith.constant 0 : i32
    return %c0_i32, %c0_i32_0 : i32, i32
  }
  func.func @transform_8(%arg0: i32) -> (i32, i32) {
    %c0_i32 = arith.constant 0 : i32
    %c0_i32_0 = arith.constant 0 : i32
    %c0_i32_1 = arith.constant 0 : i32
    return %c0_i32, %c0_i32_0 : i32, i32
  }
  func.func @transform_9(%arg0: i32) -> (i32, i32) {
    %c0_i32 = arith.constant 0 : i32
    %c0_i32_0 = arith.constant 0 : i32
    %c0_i32_1 = arith.constant 0 : i32
    return %c0_i32, %c0_i32_0 : i32, i32
  }
  func.func @transform_10(%arg0: i32) -> (i32, i32) {
    %c0_i32 = arith.constant 0 : i32
    %c0_i32_0 = arith.constant 0 : i32
    %c0_i32_1 = arith.constant 0 : i32
    return %c0_i32, %c0_i32_0 : i32, i32
  }
  func.func @transform_11(%arg0: i32) -> (i32, i32) {
    %c0_i32 = arith.constant 0 : i32
    %c0_i32_0 = arith.constant 0 : i32
    %c0_i32_1 = arith.constant 0 : i32
    return %c0_i32, %c0_i32_0 : i32, i32
  }
  func.func @transform_12(%arg0: i32) -> (i32, i32) {
    %c0_i32 = arith.constant 0 : i32
    %c0_i32_0 = arith.constant 0 : i32
    %c0_i32_1 = arith.constant 0 : i32
    return %c0_i32, %c0_i32_0 : i32, i32
  }
  func.func @transform_13(%arg0: i32) -> (i32, i32) {
    %c0_i32 = arith.constant 0 : i32
    %c0_i32_0 = arith.constant 0 : i32
    %c0_i32_1 = arith.constant 0 : i32
    return %c0_i32, %c0_i32_0 : i32, i32
  }
  func.func @transform_14(%arg0: i32) -> (i32, i32) {
    %c0_i32 = arith.constant 0 : i32
    %c0_i32_0 = arith.constant 0 : i32
    %c0_i32_1 = arith.constant 0 : i32
    return %c0_i32, %c0_i32_0 : i32, i32
  }
  func.func @transform_15(%arg0: i32) -> (i32, i32) {
    %c0_i32 = arith.constant 0 : i32
    %c0_i32_0 = arith.constant 0 : i32
    %c0_i32_1 = arith.constant 0 : i32
    return %c0_i32, %c0_i32_0 : i32, i32
  }
  func.func @transform_16(%arg0: i32) -> (i32, i32) {
    %c0_i32 = arith.constant 0 : i32
    %c0_i32_0 = arith.constant 0 : i32
    %c0_i32_1 = arith.constant 0 : i32
    return %c0_i32, %c0_i32_0 : i32, i32
  }
  func.func @transform_17(%arg0: i32) -> (i32, i32) {
    %c0_i32 = arith.constant 0 : i32
    %c0_i32_0 = arith.constant 0 : i32
    %c0_i32_1 = arith.constant 0 : i32
    return %c0_i32, %c0_i32_0 : i32, i32
  }
  func.func @transform_18(%arg0: i32) -> (i32, i32) {
    %c0_i32 = arith.constant 0 : i32
    %c0_i32_0 = arith.constant 0 : i32
    %c0_i32_1 = arith.constant 0 : i32
    return %c0_i32, %c0_i32_0 : i32, i32
  }
  func.func @transform_19(%arg0: i32) -> (i32, i32) {
    %c0_i32 = arith.constant 0 : i32
    %c0_i32_0 = arith.constant 0 : i32
    %c0_i32_1 = arith.constant 0 : i32
    return %c0_i32, %c0_i32_0 : i32, i32
  }
  func.func @transform_20(%arg0: i32) -> (i32, i32) {
    %c0_i32 = arith.constant 0 : i32
    %c0_i32_0 = arith.constant 0 : i32
    %c0_i32_1 = arith.constant 0 : i32
    return %c0_i32, %c0_i32_0 : i32, i32
  }
  func.func @transform_21(%arg0: i32) -> (i32, i32) {
    %c0_i32 = arith.constant 0 : i32
    %c0_i32_0 = arith.constant 0 : i32
    %c0_i32_1 = arith.constant 0 : i32
    return %c0_i32, %c0_i32_0 : i32, i32
  }
  func.func @transform_22(%arg0: i32) -> (i32, i32) {
    %sub3A = arith.constant 16 : i32
    %sub3A_0 = arith.subi %arg0, %sub3A : i32
    %max3A = arith.constant 0 : i32
    %max3A_1 = arith.maxsi %sub3A_0, %max3A : i32
    %c0_i32 = arith.constant 0 : i32
    %c0_i32_2 = arith.constant 0 : i32
    return %c0_i32, %max3A_1 : i32, i32
  }
}

</mosaic_0001>

<sc_bundles>
// kernel: kernel.6.cloned.1.call-start
scs
__scs_entry_jumppad:
0x0: {  	(pc) =	sbr.rel $0x88, $3  }
0x1: {  	(tag) =	ssettag $0x0;
	lr =	simm.s32 $0x1  }
0x2: {  	[smem:$0x3F89] =	sst lr;
	_ =	strace $0xD0000000  }
0x3: {  	_ = 	snop  }
0x4: {  	_ = 	snop  }
0x5: {  	_ = 	snop  }
0x6: {  	_ = 	snop  }
0x7: {  	_ = 	snop  }
__scs_overlays_trampoline_lowered:
0x8: {  	[smem:$0x3F98] =	sst s0  }
0x9: {  	[smem:$0x3F99] =	sst s1  }
0xa: {  	[smem:$0x3F9A] =	sst s2  }
0xb: {  	[smem:$0x3F9B] =	sst s3  }
0xc: {  	[smem:$0x3F9C] =	sst s4  }
0xd: {  	[smem:$0x3F9D] =	sst s5  }
0xe: {  	[smem:$0x3F9E] =	sst s6  }
0xf: {  	[smem:$0x3F9F] =	sst s7  }
0x10: {  	[smem:$0x3FA0] =	sst s8  }
0x11: {  	[smem:$0x3FA1] =	sst s9;
	s0 =	simm.s32 @!p0 $0x0  }
0x12: {  	s1 =	sld [smem:$0x3F87];
	s0 =	simm.s32 @p0 $0x1  }
0x13: {  	[smem:$0x3FA2] =	sst s0;
	s0 =	simm.s32 @!p1 $0x0  }
0x14: {  	s2 =	sld [smem:$0x3F86];
	s0 =	simm.s32 @p1 $0x1  }
0x15: {  	[smem:$0x3FA3] =	sst s0;
	s0 =	simm.s32 @!p2 $0x0  }
0x16: {  	s3 =	sld [smem:$0x3FDB];
	s0 =	simm.s32 @p2 $0x1  }
0x17: {  	s4 =	simm.s32 $0x1BF5;
	[smem:$0x3FA5] =	sst s0  }
0x18: {  	s0 =	sld [smem:$0x3F88];
	_ =	swait.ge [sflag:s4], $0x0  }
0x19: {  	s7 =	sld [smem:$0x3F89]  }
0x1a: {  	s8 =	sadd.s32 $0xFFFFE003, lr  }
0x1b: {  	s9 =	sadd.s32 $0xFFFFFEF7, lr;
	s5 =	simm.s32 $0xFFFFFFFF;
	p2 =	slt.u32 s8, $0xFFFFF086  }
0x1c: {  	p1 =	slt.u32 s9, $0xF7A;
	s5 =	simm.s32 @!p2 $0x0  }
0x1d: {  	s5 =	simm.s32 @p1 $0x1;
	p0 =	seq.s32 s7, s2  }
0x1e: {  	s7 =	smul.u32 @!p0 $0xF7A, s2;
	p2 =	seq.s32 @!p0 s5, $0x0  }
0x1f: {  	s9 =	smul.u32 $0xF7A, s1;
	s8 =	simm.s32 @!p0 $0x1BF5;
	p2 =	por !p2, p0  }
0x20: {  	[sflag:s8] =	ssyncset.s32 @!p0 $0xFFFFF086;
	s6 =	sadd.s32 @!p0 s3, s7;
	s7 =	simm.s32 @!p0 $0x108  }
0x21: {  	s3 =	sadd.s32 s3, s9;
	s6 =	sadd.s32 @!p0 $0x88, s6;
	s7 =	simm.s32 @p2 $0x1082  }
0x22: {  	[simem:s7], [sflag:s8] =	dma.local @!p0 [hbm:s6], $0xF7A  }
0x23: {  	s9 =	sor.u32 $0xD0000000, s2;
	s6 =	simm.s32 $0x108;
	_ =	swait.ge @!p0 [sflag:s8], $0x0  }
0x24: {  	s3 =	sadd.s32 $0x88, s3;
	s6 =	simm.s32 @!p1 $0x1082;
	[sflag:s4] =	ssyncset.s32 $0xFFFFF086  }
0x25: {  	[simem:s6], [sflag:s4] =	dma.local [hbm:s3], $0xF7A  }
0x26: {  	[smem:$0x3F89] =	sst s1;
	(tag) =	ssettag s2;
	_ =	strace s9  }
0x27: {  	s1 =	sld [smem:$0x3F99]  }
0x28: {  	s2 =	sld [smem:$0x3F9A]  }
0x29: {  	s4 =	sld [smem:$0x3F9C]  }
0x2a: {  	p0 =	seq.s32 s5, $0x0;
	s5 =	sld [smem:$0x3F9D]  }
0x2b: {  	s6 =	sld [smem:$0x3F9E]  }
0x2c: {  	s7 =	sld [smem:$0x3F9F]  }
0x2d: {  	s3 =	simm.s32 $0x108;
	s8 =	sld [smem:$0x3FA0]  }
0x2e: {  	s3 =	simm.s32 @!p0 $0x1082;
	s9 =	sld [smem:$0x3FA1]  }
0x2f: {  	lr =	sadd.s32 s0, s3;
	s0 =	sld [smem:$0x3F98]  }
0x30: {  	s3 =	sld [smem:$0x3F9B]  }
0x31: {  	[smem:$0x3FA4] =	sst s10  }
0x32: {  	s10 =	sld [smem:$0x3FA2];
	_ =	sdelay $0x3  }
0x33: {  	p0 =	seq.s32 s10, $0x1;
	s10 =	sld [smem:$0x3FA4];
	_ =	sdelay $0x3  }
0x34: {  	[smem:$0x3FA4] =	sst s10  }
0x35: {  	s10 =	sld [smem:$0x3FA3];
	_ =	sdelay $0x3  }
0x36: {  	p1 =	seq.s32 s10, $0x1;
	s10 =	sld [smem:$0x3FA4];
	_ =	sdelay $0x3  }
0x37: {  	[smem:$0x3FA4] =	sst s10  }
0x38: {  	s10 =	sld [smem:$0x3FA5]  }
0x39: {  	_ = 	snop;
	(pc) =	sbr.ind lr, $3  }
0x3a: {  	_ = 	snop  }
0x3b: {  	_ = 	snop  }
0x3c: {  	p2 =	seq.s32 s10, $0x1;
	s10 =	sld [smem:$0x3FA4]  }
0x3d: {  	_ =	shalt  }
0x3e: {  	_ =	shalt  }
0x3f: {  	_ =	shalt  }
0x40: {  	_ =	shalt  }
0x41: {  	_ =	shalt  }
0x42: {  	_ =	shalt  }
0x43: {  	_ =	shalt  }
0x44: {  	_ =	shalt  }
0x45: {  	_ =	shalt  }
0x46: {  	_ =	shalt  }
0x47: {  	_ =	shalt  }
0x48: {  	_ =	shalt  }
0x49: {  	_ =	shalt  }
0x4a: {  	_ =	shalt  }
0x4b: {  	_ =	shalt  }
0x4c: {  	_ =	shalt  }
0x4d: {  	_ =	shalt  }
0x4e: {  	_ =	shalt  }
0x4f: {  	_ =	shalt  }
0x50: {  	_ =	shalt  }
0x51: {  	_ =	shalt  }
0x52: {  	_ =	shalt  }
0x53: {  	_ =	shalt  }
0x54: {  	_ =	shalt  }
0x55: {  	_ =	shalt  }
0x56: {  	_ =	shalt  }
0x57: {  	_ =	shalt  }
0x58: {  	_ =	shalt  }
0x59: {  	_ =	shalt  }
0x5a: {  	_ =	shalt  }
0x5b: {  	_ =	shalt  }
0x5c: {  	_ =	shalt  }
0x5d: {  	_ =	shalt  }
0x5e: {  	_ =	shalt  }
0x5f: {  	_ =	shalt  }
0x60: {  	_ =	shalt  }
0x61: {  	_ =	shalt  }
0x62: {  	_ =	shalt  }
0x63: {  	_ =	shalt  }
0x64: {  	_ =	shalt  }
0x65: {  	_ =	shalt  }
0x66: {  	_ =	shalt  }
0x67: {  	_ =	shalt  }
0x68: {  	_ =	shalt  }
0x69: {  	_ =	shalt  }
0x6a: {  	_ =	shalt  }
0x6b: {  	_ =	shalt  }
0x6c: {  	_ =	shalt  }
0x6d: {  	_ =	shalt  }
0x6e: {  	_ =	shalt  }
0x6f: {  	_ =	shalt  }
0x70: {  	_ =	shalt  }
0x71: {  	_ =	shalt  }
0x72: {  	_ =	shalt  }
0x73: {  	_ =	shalt  }
0x74: {  	_ =	shalt  }
0x75: {  	_ =	shalt  }
0x76: {  	_ =	shalt  }
0x77: {  	_ =	shalt  }
0x78: {  	_ =	shalt  }
0x79: {  	_ =	shalt  }
0x7a: {  	_ =	shalt  }
0x7b: {  	_ =	shalt  }
0x7c: {  	_ =	shalt  }
0x7d: {  	_ =	shalt  }
0x7e: {  	_ =	shalt  }
0x7f: {  	_ =	shalt  }
0x80: {  	_ =	shalt  }
0x81: {  	_ =	shalt  }
0x82: {  	_ =	shalt  }
0x83: {  	_ =	shalt  }
0x84: {  	_ =	shalt  }
0x85: {  	_ =	shalt  }
0x86: {  	_ =	shalt  }
0x87: {  	_ =	shalt  }
.Lfunc_end0:
.L_simem_size_0:
called_computation_lowered:
.L_overlay_start_0:
0x88: {  	s2 =	sld [smem:$0x3FD9]  }
0x89: {  	s3 =	sld [smem:$0x3FFE];
	_ =	sdelay $0x1  }
0x8a: {  	s1 =	srdreg.scid  }
0x8b: {  	s0 =	sand.u32 $0x1, s1  }
0x8c: {  	s14 =	sshll.u32 s0, $0xA;
	s2 =	sadd.s32 s3, s2  }
0x8d: {  	s2 =	sadd.s32 s2, s14  }
0x8e: {  	[smem:$0x3FB0] =	sst s2  }
0x8f: {  	_ = 	snop  }
0x90: {  	s2 =	sld [smem:$0x3FD0];
	_ =	sdelay $0x2  }
0x91: {  	s15 =	simm.s32 $0xA;
	s4 =	simm.s32 $0x10  }
0x92: {  	[smem:s4], [sflag:s15] =	dma.local [hbm:s2], $0x1  }
0x93: {  	_ =	swait.eq [sflag:s15], $0x1  }
0x94: {  	[sflag:s15] =	ssyncset.done $0x0  }
0x95: {  	[sflag:s15] =	ssyncadd.s32 $0xFFFFFFFF  }
0x96: {  	s16 =	sld [smem:$0x10];
	(tm) =	ssettm $0x1  }
0x97: {  	s17 =	sld [smem:$0x3FFB];
	_ =	sdelay $0x3  }
0x98: {  	_ =	strace s17  }
0x99: {  	s3 =	sld [smem:$0x3FFC];
	_ =	sdelay $0x3  }
0x9a: {  	_ =	strace s3  }
0x9b: {  	s3 =	sld [smem:$0x3FFD];
	_ =	sdelay $0x3  }
0x9c: {  	_ =	strace s3  }
0x9d: {  	_ =	strace $0x8FFFFFFF  }
0x9e: {  	s18 =	sld [smem:$0x3FDB];
	_ =	sdelay $0x1  }
0x9f: {  	s19 =	simm.s32 $_scs_section_size  }
0xa0: {  	s5 =	simm.s32 $_size__tile_overlayer_lowered;
	s6 =	simm.s32 $_tile_overlayer_lowered  }
0xa1: {  	s22 =	simm.s32 $0x1BFF;
	s21 =	sshll.u32 s6, $0x1;
	s3 =	sadd.s32 s19, s18  }
0xa2: {  	s7 =	simm.s32 $0x0;
	s20 =	sshll.u32 s5, $0x1;
	s5 =	sadd.s32 s21, s3  }
0xa3: {  	[timem:s7], [sflag:s22] =	dma.local [hbm:s5], s20  }
0xa4: {  	_ =	swait.ge [sflag:s22], s20  }
0xa5: {  	s4 =	ssub.s32 $0x0, s20;
	[sflag:s22] =	ssyncset.done $0x0  }
0xa6: {  	[sflag:s22] =	ssyncadd.s32 s4;
	_ =	sdelay $0x1  }
0xa7: {  	s23 =	simm.s32 $0x1B8B  }
0xa8: {  	_ =	swait.ge [sflag:s23], $0x1  }
0xa9: {  	[sflag:s23] =	ssyncset.done $0x0  }
0xaa: {  	s25 =	simm.s32 $0x1B8E;
	s24 =	sld [smem:$0x3FFE];
	[sflag:s23] =	ssyncadd.s32 $0xFFFFFFFF  }
0xab: {  	s26 =	simm.s32 $execute0_lowered;
	[smem:$0x3FD2] =	sst s25  }
0xac: {  	s5 =	sshll.u32 s26, $0x1;
	_ =	strace $0x80000046;
	[dreg:$0x1] =	wrdreg $0xFFFFFFFF  }
0xad: {  	s28 =	simm.s32 $_size_execute0_lowered;
	s3 =	sadd.s32 s3, s5;
	[dreg:$0x0] =	wrdreg $0x0  }
0xae: {  	s5 =	sshll.u32 s28, $0x1;
	[dreg:$0x2] =	wrdreg s3  }
0xaf: {  	[dreg:$0x3] =	wrdreg s5  }
0xb0: {  	[dreg:$0x4] =	wrdreg $0xC0  }
0xb1: {  	_ =	task [dreg:s7], $0x5FFFF  }
0xb2: {  	[dreg:$0x1] =	wrdreg $0xFFFFFFFF  }
0xb3: {  	[dreg:$0x0] =	wrdreg $0x60  }
0xb4: {  	[dreg:$0x2] =	wrdreg s24  }
0xb5: {  	[dreg:$0x3] =	wrdreg s16  }
0xb6: {  	[dreg:$0x4] =	wrdreg $0x9  }
0xb7: {  	_ =	task.clear_ibuf [dreg:s7], $0x5FFFF;
	_ =	strace $0x90000046  }
0xb8: {  	s29 =	simm.s32 $0x9;
	_ =	strace $0x80000048  }
0xb9: {  	_ =	swait.ge [sflag:s29], $0x1  }
0xba: {  	[sflag:s29] =	ssyncadd.s32 $0xFFFFFFFF  }
0xbb: {  	_ =	strace $0x90000048  }
0xbc: {  	_ =	sfence  }
0xbd: {  	s30 =	sld [smem:$0x0];
	_ =	sdelay $0x2  }
0xbe: {  	s31 =	sshll.u32 s1, $0xD;
	s1 =	sshrl.u32 s1, $0x2  }
0xbf: {  	s3 =	sand.u32 $0x4000, s31;
	s1 =	sadd.s32 s1, s30  }
0xc0: {  	s0 =	sor.u32 s3, s0;
	s1 =	sshll.u32 s1, $0x11  }
0xc1: {  	s0 =	sor.u32 s1, s0  }
0xc2: {  	s0 =	sadd.s32 $0x8F2B, s0  }
0xc3: {  	[sflag:s0] =	ssyncadd.remote.s32 $0x1  }
0xc4: {  	_ =	sfence.sel $0xFFFF  }
0xc5: {  	[dreg:$0x0] =	wrdreg $0xFFFFFFFF;
	(pc) =	sbr.abs _section_cstart, $3  }
0xc6: {  	[dreg:$0x1] =	wrdreg $0xFFFFFFFF  }
0xc7: {  	_ =	task.clear_ibuf [dreg:s7], $0x2FFFF;
	_ =	strace $0x9FFFFFFF  }
0xc8: {  	(tm) =	ssettm $0x7FFFFFFF  }
0xc9: {  	_ =	shalt  }
tec
execute0_lowered:
.L_overlay_start_1:
0x0: {  	(tag) =	ssettag $0x1  }
0x1: {  	s4 =	rddreg [dreg:$0x0]  }
0x2: {  	s2 =	rddreg [dreg:$0x1]  }
0x3: {  	s0 =	rddreg [dreg:$0x2];
	s1 =	stileid.u32  }
0x4: {  	s3 =	simm.s32 $0x0;
	s5 =	srdreg.scid;
	s13 =	simm.s32 $0x0  }
0x5: {  	s6 =	sshll.u32 s1, $0x1;
	[smem:$0x7FF] =	sst s3;
	s5 =	sand.u32 $0x1, s5  }
0x6: {  	s7 =	sshrl.u32 s1, $0x1;
	s6 =	sand.u32 $0x2, s6;
	_ =	strace $0x80000047  }
0x7: {  	s9 =	sshll.u32 s7, $0xC;
	s11 =	sshll.u32 s7, $0x5;
	s6 =	sor.u32 s5, s6  }
0x8: {  	s5 =	ssub.s32 $0x2, s5;
	s9 =	sadd.s32 s9, s4;
	s12 =	sadd.s32 $0x20, s11  }
0x9: {  	v0 =	vmov s11;
	s11 =	simm.s32 $0x80;
	s8 =	sshll.u32 s6, $0x9;
	s31 =	sshrl.u32 s5, $0x1  }
0xa: {  	s6 =	sshll.u32 s6, $0x4;
	v1 =	vmov s12;
	s12 =	simm.s32 $0x200;
	s8 =	sadd.s32 s8, s4  }
0xb: {  	s10 =	ssub.s32 s5, s31;
	s6 =	sadd.s32 s6, s9;
	s9 =	simm.s32 $0x1000  }
0xc: {  	s4 =	sadd.s32 $0x3600, s8;
	s5 =	sadd.s32 $0x2E00, s8;
	s6 =	sadd.s32 $0x3E00, s6  }
0xd: {  	v2 =	vimm.f32 $1.000000000e+00;
	s7 =	smax.u32 s10, $0x1;
	s8 =	simm.s32 $0x1;
	s10 =	simm.s32 $0x2000  }
.LBB2_1:
0xe: {  	[tilespmem:s3], [sflag:$0x1] =	stream.linear.gather [hbm4b:s4+s3], $0x1000, $0x38;
	[tilespmem:$0x4000] =	vst v63  }
0xf: {  	_ =	swait.ge [sflag:s8], $0x1000  }
0x10: {  	[sflag:s8] =	ssyncset.done $0x0  }
0x11: {  	[sflag:s8] =	ssyncadd.s32 $0xFFFFF000  }
0x12: {  	[tilespmem:s9], [sflag:$0x1] =	stream.linear.gather [hbm4b:s5+s3], $0x1000, $0x38;
	[tilespmem:$0x4000] =	vst v63  }
0x13: {  	_ =	swait.ge [sflag:s8], $0x1000  }
0x14: {  	[sflag:s8] =	ssyncset.done $0x0  }
0x15: {  	[sflag:s8] =	ssyncadd.s32 $0xFFFFF000  }
0x16: {  	[tilespmem:s10], [sflag:$0x1] =	stream.linear.gather [hbm4b:s2+s3], $0x2000, $0x38;
	[tilespmem:$0x4000] =	vst v63  }
0x17: {  	_ =	swait.ge [sflag:s8], $0x2000  }
0x18: {  	[sflag:s8] =	ssyncset.done $0x0  }
0x19: {  	s15 =	simm.s32 $0x0;
	s14 =	simm.s32 $0x40;
	[sflag:s8] =	ssyncadd.s32 $0xFFFFE000  }
.LBB2_2:
0x1a: {  	p0 =	sne.s32 s14, $0x3FC0;
	v3 =	vld [tilespmem:s15+$0x1000];
	_ =	sdelay $0x1  }
0x1b: {  	v4 =	vld [tilespmem:s15+$0x0];
	_ =	sdelay $0x2  }
0x1c: {  	vm0 =	vge.s32 v3, v0;
	vm1 =	vlt.s32 v3, v1;
	v3 =	vsub.s32 v3, v0  }
0x1d: {  	vm0 =	vmand vm0, vm1;
	v3 =	vshll.u32 v3, $0x8  }
0x1e: {  	v3 =	vadd.s32 v4, v3  }
.Ltmp0:
0x1f: {  	(pc) =	sbr.rel @p0 .LBB2_2-.Ltmp0, $2  }
0x20: {  	_ =	sdelay $0x2  }
0x21: {  	s15 =	sshra.s32 s14, $0x2;
	s14 =	sadd.s32 $0x40, s14;
	[tilespmem:v3+s10+$0x0] =	vst.idx.add.f32.msk vm0, v2  }
0x22: {  	v3 =	vld [tilespmem:s15+$0x1000];
	_ =	sdelay $0x1  }
0x23: {  	v4 =	vld [tilespmem:s15+$0x0];
	_ =	sdelay $0x2  }
0x24: {  	vm0 =	vge.s32 v3, v0;
	vm1 =	vlt.s32 v3, v1;
	v3 =	vsub.s32 v3, v0  }
0x25: {  	vm0 =	vmand vm0, vm1;
	v3 =	vshll.u32 v3, $0x8  }
0x26: {  	v3 =	vadd.s32 v4, v3;
	_ =	sdelay $0x2  }
0x27: {  	s13 =	sadd.s32 $0x1, s13  }
0x28: {  	p0 =	sne.s32 s13, s7  }
.Ltmp1:
0x29: {  	[tilespmem:v3+s10+$0x0] =	vst.idx.add.f32.msk vm0, v2;
	(pc) =	sbr.rel @p0 .LBB2_1-.Ltmp1, $4  }
0x2a: {  	[hbm4b:s6+s11] =	stream.strided.scatter [tilespmem:s10], [sflag:$0x1], $0x2000, s12, s11, $0x38;
	[tilespmem:$0x4000] =	vst v63  }
0x2b: {  	_ =	swait.ge [sflag:s8], $0x2000  }
0x2c: {  	[sflag:s8] =	ssyncset.done $0x0  }
0x2d: {  	[sflag:s8] =	ssyncadd.s32 $0xFFFFE000  }
0x2e: {  	_ =	sfence.sel $0x180000  }
0x2f: {  	[bflag:$0x0] =	sbarrier.arrive $0xFFFF  }
0x30: {  	p0 =	sne.s32 s1, $0x0;
	_ =	strace $0x90000047  }
0x31: {  	s0 =	sadd.s32 @!p0 $0x100000, s0;
	[bflag:$0x2] =	sbarrier.arrive $0xFFFF  }
0x32: {  	[sflag:s0] =	ssyncadd.tile.s32 @!p0 $0x1;
	_ =	shalt  }
.Lfunc_end2:
_tile_overlayer_lowered:
.L_overlay_start_2:
0x33: {  	(tag) =	ssettag $0x2  }
0x34: {  	s0 =	rddreg [dreg:$0x0];
	s2 =	stileid.u32  }
0x35: {  	s1 =	rddreg [dreg:$0x1];
	p0 =	sne.s32 s2, $0x0  }
0x36: {  	s3 =	rddreg [dreg:$0x2];
	[bflag:$0x3] =	sbarrier.arrive $0xFFFF;
	s2 =	simm.s32 @!p0 $0x1C01  }
0x37: {  	[timem:s3], [sflag:s2] =	dma.local @!p0 [hbm:s0], s1  }
0x38: {  	s0 =	simm.s32 @!p0 $0x1  }
0x39: {  	_ =	swait.ge @!p0 [sflag:s0], s1  }
0x3a: {  	s1 =	ssub.s32 @!p0 $0x0, s1;
	[sflag:s0] =	ssyncset.done @!p0 $0x0  }
0x3b: {  	[sflag:s0] =	ssyncadd.s32 @!p0 s1  }
0x3c: {  	[bflag:$0x3] =	sbarrier.arrive $0xFFFF  }
0x3d: {  	_ =	shalt  }

</sc_bundles>
